<compile_context>
chip_gen: v7x
topology: tpu7x:2x2x1
jax: 0.10.2.dev20260603
libtpu: 0.0.44.dev20260713+nightly
codegen_flags: <defaults>
</compile_context>

<pallas_src>
import functools

import jax
import jax.numpy as jnp
from jax import lax
from jax.experimental import pallas as pl
from jax.experimental.pallas import tpu as pltpu
from jax.experimental.pallas import tpu_sc as plsc

_NC = 2
_NS = 16
_NW = _NC * _NS
_L = 16
_RB = 8
_D = 2048

_SC_BATCHES = 4

_C1 = 1.42459928987172
_C2 = -0.5892300281498137
_C3 = 0.16540458521111767

_MANT_MASK = 0x7FFFFF
_ONE_BITS = 0x3F800000


def _sc_body(sc_row0, nchunks, hard_hbm, soft_hbm, out_f, out_e, out_c,
             out_z, hard_buf, soft_buf, stage_f, stage_e, stage_c, stage_z,
             sem0, sem1):
    wid = lax.axis_index("c") * _NS + lax.axis_index("s")
    row_base = sc_row0 + wid * (nchunks * _RB)
    sems = (sem0, sem1)

    def _start(g, b):
        r0 = row_base + g * _RB
        pltpu.async_copy(hard_hbm.at[pl.ds(r0, _RB)], hard_buf.at[b], sems[b])
        pltpu.async_copy(soft_hbm.at[pl.ds(r0, _RB)], soft_buf.at[b], sems[b])

    def _wait(b):
        pltpu.make_async_copy(hard_hbm.at[pl.ds(0, _RB)],
                              hard_buf.at[b], sems[b]).wait()
        pltpu.make_async_copy(soft_hbm.at[pl.ds(0, _RB)],
                              soft_buf.at[b], sems[b]).wait()

    _start(0, 0)
    _start(1, 1)

    def _chunk_acc(b, carry):
        hb = hard_buf.at[b]
        sb_ = soft_buf.at[b]

        def _iter(j, carry):
            af, ae, ac, az = carry
            for r in range(_RB):
                h = hb[r, pl.ds(j * _L, _L)]
                sbits = lax.bitcast_convert_type(
                    sb_[r, pl.ds(j * _L, _L)], jnp.int32)
                sbm = sbits * h
                e = lax.shift_right_logical(sbm, 23)
                mbits = (sbm & _MANT_MASK) | _ONE_BITS
                t = lax.bitcast_convert_type(mbits, jnp.float32) - 1.0
                p = t * (_C1 + t * (_C2 + t * _C3))
                z = lax.shift_right_logical(sbm - h, 31)
                af, ae, ac, az = af + p, ae + e, ac + h, az + z
            return af, ae, ac, az

        return lax.fori_loop(0, _D // _L, _iter, carry, unroll=2)

    def _outer(gg, carry):
        for b in (0, 1):
            g = gg * 2 + b
            _wait(b)
            carry = _chunk_acc(b, carry)

            @pl.when(g + 2 < nchunks)
            def _():
                _start(g + 2, b)
        return carry

    zf = jnp.zeros((_L,), jnp.float32)
    zi = jnp.zeros((_L,), jnp.int32)
    accf, acce, cnt, zcnt = lax.fori_loop(0, nchunks // 2, _outer,
                                          (zf, zi, zi, zi))

    stage_f[...] = accf
    stage_e[...] = acce
    stage_c[...] = cnt
    stage_z[...] = zcnt
    pltpu.sync_copy(stage_f, out_f.at[wid])
    pltpu.sync_copy(stage_e, out_e.at[wid])
    pltpu.sync_copy(stage_c, out_c.at[wid])
    pltpu.sync_copy(stage_z, out_z.at[wid])


def _tc_body(hard_ref, soft_ref, logsum_ref, cnt_ref):
    i = pl.program_id(0)
    hard = hard_ref[...]
    mask = hard == 1
    ls = jnp.sum(jnp.where(mask, jnp.log(soft_ref[...]), 0.0))
    c = jnp.sum(hard)

    @pl.when(i == 0)
    def _init():
        logsum_ref[0, 0] = ls
        cnt_ref[0, 0] = c

    @pl.when(i != 0)
    def _acc():
        logsum_ref[0, 0] += ls
        cnt_ref[0, 0] += c


def kernel(hard_attention, soft_attention):
    b, s, d = hard_attention.shape
    rows = b * s
    hard2 = hard_attention.reshape(rows, d)
    soft2 = soft_attention.reshape(rows, d)

    sc_rows = _SC_BATCHES * s
    sc_row0 = rows - sc_rows
    nchunks = sc_rows // (_NW * _RB)

    mesh = plsc.VectorSubcoreMesh(core_axis_name="c", subcore_axis_name="s")
    sc = pl.kernel(
        functools.partial(_sc_body, sc_row0, nchunks),
        out_type=[
            jax.ShapeDtypeStruct((_NW, _L), jnp.float32),
            jax.ShapeDtypeStruct((_NW, _L), jnp.int32),
            jax.ShapeDtypeStruct((_NW, _L), jnp.int32),
            jax.ShapeDtypeStruct((_NW, _L), jnp.int32),
        ],
        mesh=mesh,
        compiler_params=pltpu.CompilerParams(use_tc_tiling_on_sc=True),
        scratch_types=[
            pltpu.VMEM((2, _RB, _D), jnp.int32),
            pltpu.VMEM((2, _RB, _D), jnp.float32),
            pltpu.VMEM((_L,), jnp.float32),
            pltpu.VMEM((_L,), jnp.int32),
            pltpu.VMEM((_L,), jnp.int32),
            pltpu.VMEM((_L,), jnp.int32),
            pltpu.SemaphoreType.DMA,
            pltpu.SemaphoreType.DMA,
        ],
    )
    out_f, out_e, out_c, out_z = sc(hard2, soft2)

    tc_blocks = b - _SC_BATCHES
    ls_tc, cnt_tc = pl.pallas_call(
        _tc_body,
        grid=(tc_blocks,),
        in_specs=[
            pl.BlockSpec((s, d), lambda i: (i, 0)),
            pl.BlockSpec((s, d), lambda i: (i, 0)),
        ],
        out_specs=[
            pl.BlockSpec(memory_space=pltpu.SMEM),
            pl.BlockSpec(memory_space=pltpu.SMEM),
        ],
        out_shape=[
            jax.ShapeDtypeStruct((1, 1), jnp.float32),
            jax.ShapeDtypeStruct((1, 1), jnp.int32),
        ],
    )(hard2, soft2)

    sum_f = jnp.sum(out_f)
    sum_e = jnp.sum(out_e.astype(jnp.float32))
    sum_c = jnp.sum(out_c.astype(jnp.float32))
    any_zero = jnp.sum(out_z) > 0
    ln2 = 0.6931471805599453
    ls_sc = ln2 * (sum_e - 127.0 * sum_c + sum_f)
    ls_sc = jnp.where(any_zero, -jnp.inf, ls_sc)
    log_sum = ls_sc + ls_tc[0, 0]
    count = sum_c + cnt_tc[0, 0].astype(jnp.float32)
    return -log_sum / count

# --- scband reference (transcript-rebuilt; emitter-appended) ---
"""Pipeline reference for scband-abloss-8461085573458 (READ-ONLY COPY).

The authoritative reference and input builder live on the scoring server;
editing this copy changes nothing except your own understanding.
"""

import jax, jax.numpy as jnp
import numpy as np


def setup_inputs(seed: int = 0) -> dict:
    key = jax.random.key(seed)
    k1, k2 = jax.random.split(key)
    hard_attention = jax.random.randint(k1, (16, 512, 2048), 0, 2, dtype=jnp.int64) if jax.config.read('jax_enable_x64') else jax.random.randint(k1, (16, 512, 2048), 0, 2, dtype=jnp.int32)
    soft_attention = jax.random.uniform(k2, (16, 512, 2048), dtype=jnp.float32)
    return {"hard_attention": hard_attention, "soft_attention": soft_attention}


def reference(hard_attention, soft_attention):
    # Faithful translation of:
    #   log_sum = torch.log(soft_attention[hard_attention == 1]).sum()
    #   return -log_sum / hard_attention.sum()
    mask = (hard_attention == 1)
    log_sum = jnp.where(mask, jnp.log(soft_attention), 0.0).sum()
    return -log_sum / hard_attention.sum().astype(jnp.float32)

if __name__ == "__main__":
    import jax
    _d = setup_inputs()
    print(jax.jit(kernel)(*tuple(_d.values())))

</pallas_src>

<mosaic_0001>
#map = affine_map<(d0, d1) -> (0, 0)>
module attributes {stable_mosaic.version = 14 : i64} {
  func.func @_sc_body(%arg0: i32, %arg1: i32, %arg2: memref<8192x2048xi32, #tpu.memory_space<hbm>>, %arg3: memref<8192x2048xf32, #tpu.memory_space<hbm>>, %arg4: memref<32x16xf32, #tpu.memory_space<hbm>>, %arg5: memref<32x16xi32, #tpu.memory_space<hbm>>, %arg6: memref<32x16xi32, #tpu.memory_space<hbm>>, %arg7: memref<32x16xi32, #tpu.memory_space<hbm>>, %arg8: memref<2x8x2048xi32, #tpu.memory_space<vmem>>, %arg9: memref<2x8x2048xf32, #tpu.memory_space<vmem>>, %arg10: memref<16xf32, #tpu.memory_space<vmem>>, %arg11: memref<16xi32, #tpu.memory_space<vmem>>, %arg12: memref<16xi32, #tpu.memory_space<vmem>>, %arg13: memref<16xi32, #tpu.memory_space<vmem>>, %arg14: memref<!tpu.dma_semaphore, #tpu.memory_space<semaphore_mem>>, %arg15: memref<!tpu.dma_semaphore, #tpu.memory_space<semaphore_mem>>) attributes {dimension_semantics = [#tpu.dimension_semantics<core_parallel>, #tpu.dimension_semantics<subcore_parallel>], iteration_bounds = array<i64: 2, 16>, scalar_prefetch = 0 : i64, scratch_operands = 8 : i64, tpu.core_type = #tpu.core_type<sc_vector_subcore>, window_params = [{transform_indices = #map}, {transform_indices = #map}, {transform_indices = #map}, {transform_indices = #map}, {transform_indices = #map}, {transform_indices = #map}]} {
    %mul3A = arith.constant 16 : i32
    %mul3A_0 = arith.muli %arg0, %mul3A : i32
    %add3A = arith.addi %mul3A_0, %arg1 : i32
    %mul3A_1 = arith.constant 64 : i32
    %mul3A_2 = arith.muli %add3A, %mul3A_1 : i32
    %add3A_3 = arith.constant 6144 : i32
    %add3A_4 = arith.addi %add3A_3, %mul3A_2 : i32
    %add3A_5 = arith.constant 0 : i32
    %add3A_6 = arith.addi %add3A_4, %add3A_5 : i32
    %dma_start3A = arith.constant 0 : i32
    %dma_start3A_7 = arith.constant 0 : i32
    %dma_start3A_8 = arith.constant 0 : i32
    %dma_start3A_9 = tpu.memref_slice %arg8[%dma_start3A, %dma_start3A_7, %dma_start3A_8] : memref<2x8x2048xi32, #tpu.memory_space<vmem>> -> memref<1x8x2048xi32, #tpu.memory_space<vmem>>
    %dma_start3A_10 = tpu.memref_squeeze %dma_start3A_9 : memref<1x8x2048xi32, #tpu.memory_space<vmem>> -> memref<8x2048xi32, #tpu.memory_space<vmem>>
    %dma_start3A_11 = arith.constant 0 : i32
    %dma_start3A_12 = tpu.memref_slice %arg2[%add3A_6, %dma_start3A_11] : memref<8192x2048xi32, #tpu.memory_space<hbm>> -> memref<8x2048xi32, #tpu.memory_space<hbm>>
    %dma_start3A_13 = arith.constant 0 : i32
    %dma_start3A_14 = arith.constant 0 : i32
    %dma_start3A_15 = tpu.memref_slice %arg8[%dma_start3A, %dma_start3A_13, %dma_start3A_14] : memref<2x8x2048xi32, #tpu.memory_space<vmem>> -> memref<1x8x2048xi32, #tpu.memory_space<vmem>>
    %dma_start3A_16 = tpu.memref_squeeze %dma_start3A_15 : memref<1x8x2048xi32, #tpu.memory_space<vmem>> -> memref<8x2048xi32, #tpu.memory_space<vmem>>
    %dma_start3A_17 = arith.constant 0 : i32
    %dma_start3A_18 = tpu.memref_slice %arg2[%add3A_6, %dma_start3A_17] : memref<8192x2048xi32, #tpu.memory_space<hbm>> -> memref<8x2048xi32, #tpu.memory_space<hbm>>
    tpu.enqueue_dma source(%dma_start3A_18 : memref<8x2048xi32, #tpu.memory_space<hbm>>) target(%dma_start3A_16 : memref<8x2048xi32, #tpu.memory_space<vmem>>) target_semaphore(%arg14 : memref<!tpu.dma_semaphore, #tpu.memory_space<semaphore_mem>>)
    %dma_start3A_19 = arith.constant 0 : i32
    %dma_start3A_20 = arith.constant 0 : i32
    %dma_start3A_21 = arith.constant 0 : i32
    %dma_start3A_22 = tpu.memref_slice %arg9[%dma_start3A_19, %dma_start3A_20, %dma_start3A_21] : memref<2x8x2048xf32, #tpu.memory_space<vmem>> -> memref<1x8x2048xf32, #tpu.memory_space<vmem>>
    %dma_start3A_23 = tpu.memref_squeeze %dma_start3A_22 : memref<1x8x2048xf32, #tpu.memory_space<vmem>> -> memref<8x2048xf32, #tpu.memory_space<vmem>>
    %dma_start3A_24 = arith.constant 0 : i32
    %dma_start3A_25 = tpu.memref_slice %arg3[%add3A_6, %dma_start3A_24] : memref<8192x2048xf32, #tpu.memory_space<hbm>> -> memref<8x2048xf32, #tpu.memory_space<hbm>>
    %dma_start3A_26 = arith.constant 0 : i32
    %dma_start3A_27 = arith.constant 0 : i32
    %dma_start3A_28 = tpu.memref_slice %arg9[%dma_start3A_19, %dma_start3A_26, %dma_start3A_27] : memref<2x8x2048xf32, #tpu.memory_space<vmem>> -> memref<1x8x2048xf32, #tpu.memory_space<vmem>>
    %dma_start3A_29 = tpu.memref_squeeze %dma_start3A_28 : memref<1x8x2048xf32, #tpu.memory_space<vmem>> -> memref<8x2048xf32, #tpu.memory_space<vmem>>
    %dma_start3A_30 = arith.constant 0 : i32
    %dma_start3A_31 = tpu.memref_slice %arg3[%add3A_6, %dma_start3A_30] : memref<8192x2048xf32, #tpu.memory_space<hbm>> -> memref<8x2048xf32, #tpu.memory_space<hbm>>
    tpu.enqueue_dma source(%dma_start3A_31 : memref<8x2048xf32, #tpu.memory_space<hbm>>) target(%dma_start3A_29 : memref<8x2048xf32, #tpu.memory_space<vmem>>) target_semaphore(%arg14 : memref<!tpu.dma_semaphore, #tpu.memory_space<semaphore_mem>>)
    %add3A_32 = arith.constant 8 : i32
    %add3A_33 = arith.addi %add3A_4, %add3A_32 : i32
    %dma_start3A_34 = arith.constant 1 : i32
    %dma_start3A_35 = arith.constant 0 : i32
    %dma_start3A_36 = arith.constant 0 : i32
    %dma_start3A_37 = tpu.memref_slice %arg8[%dma_start3A_34, %dma_start3A_35, %dma_start3A_36] : memref<2x8x2048xi32, #tpu.memory_space<vmem>> -> memref<1x8x2048xi32, #tpu.memory_space<vmem>>
    %dma_start3A_38 = tpu.memref_squeeze %dma_start3A_37 : memref<1x8x2048xi32, #tpu.memory_space<vmem>> -> memref<8x2048xi32, #tpu.memory_space<vmem>>
    %dma_start3A_39 = arith.constant 0 : i32
    %dma_start3A_40 = tpu.memref_slice %arg2[%add3A_33, %dma_start3A_39] : memref<8192x2048xi32, #tpu.memory_space<hbm>> -> memref<8x2048xi32, #tpu.memory_space<hbm>>
    %dma_start3A_41 = arith.constant 0 : i32
    %dma_start3A_42 = arith.constant 0 : i32
    %dma_start3A_43 = tpu.memref_slice %arg8[%dma_start3A_34, %dma_start3A_41, %dma_start3A_42] : memref<2x8x2048xi32, #tpu.memory_space<vmem>> -> memref<1x8x2048xi32, #tpu.memory_space<vmem>>
    %dma_start3A_44 = tpu.memref_squeeze %dma_start3A_43 : memref<1x8x2048xi32, #tpu.memory_space<vmem>> -> memref<8x2048xi32, #tpu.memory_space<vmem>>
    %dma_start3A_45 = arith.constant 0 : i32
    %dma_start3A_46 = tpu.memref_slice %arg2[%add3A_33, %dma_start3A_45] : memref<8192x2048xi32, #tpu.memory_space<hbm>> -> memref<8x2048xi32, #tpu.memory_space<hbm>>
    tpu.enqueue_dma source(%dma_start3A_46 : memref<8x2048xi32, #tpu.memory_space<hbm>>) target(%dma_start3A_44 : memref<8x2048xi32, #tpu.memory_space<vmem>>) target_semaphore(%arg15 : memref<!tpu.dma_semaphore, #tpu.memory_space<semaphore_mem>>)
    %dma_start3A_47 = arith.constant 1 : i32
    %dma_start3A_48 = arith.constant 0 : i32
    %dma_start3A_49 = arith.constant 0 : i32
    %dma_start3A_50 = tpu.memref_slice %arg9[%dma_start3A_47, %dma_start3A_48, %dma_start3A_49] : memref<2x8x2048xf32, #tpu.memory_space<vmem>> -> memref<1x8x2048xf32, #tpu.memory_space<vmem>>
    %dma_start3A_51 = tpu.memref_squeeze %dma_start3A_50 : memref<1x8x2048xf32, #tpu.memory_space<vmem>> -> memref<8x2048xf32, #tpu.memory_space<vmem>>
    %dma_start3A_52 = arith.constant 0 : i32
    %dma_start3A_53 = tpu.memref_slice %arg3[%add3A_33, %dma_start3A_52] : memref<8192x2048xf32, #tpu.memory_space<hbm>> -> memref<8x2048xf32, #tpu.memory_space<hbm>>
    %dma_start3A_54 = arith.constant 0 : i32
    %dma_start3A_55 = arith.constant 0 : i32
    %dma_start3A_56 = tpu.memref_slice %arg9[%dma_start3A_47, %dma_start3A_54, %dma_start3A_55] : memref<2x8x2048xf32, #tpu.memory_space<vmem>> -> memref<1x8x2048xf32, #tpu.memory_space<vmem>>
    %dma_start3A_57 = tpu.memref_squeeze %dma_start3A_56 : memref<1x8x2048xf32, #tpu.memory_space<vmem>> -> memref<8x2048xf32, #tpu.memory_space<vmem>>
    %dma_start3A_58 = arith.constant 0 : i32
    %dma_start3A_59 = tpu.memref_slice %arg3[%add3A_33, %dma_start3A_58] : memref<8192x2048xf32, #tpu.memory_space<hbm>> -> memref<8x2048xf32, #tpu.memory_space<hbm>>
    tpu.enqueue_dma source(%dma_start3A_59 : memref<8x2048xf32, #tpu.memory_space<hbm>>) target(%dma_start3A_57 : memref<8x2048xf32, #tpu.memory_space<vmem>>) target_semaphore(%arg15 : memref<!tpu.dma_semaphore, #tpu.memory_space<semaphore_mem>>)
    %broadcast_in_dim3A = arith.constant 0.000000e+00 : f32
    %broadcast_in_dim3A_60 = vector.broadcast %broadcast_in_dim3A : f32 to vector<16xf32>
    %broadcast_in_dim3A_61 = arith.constant 0 : i32
    %broadcast_in_dim3A_62 = vector.broadcast %broadcast_in_dim3A_61 : i32 to vector<16xi32>
    %scan3A = arith.constant 0 : i32
    %scan3A_63 = arith.constant 4 : i32
    %scan3A_64 = arith.addi %scan3A, %scan3A_63 : i32
    %scan3A_65 = arith.constant 1 : i32
    %scan3A_66:4 = scf.for %scan3A_83 = %scan3A to %scan3A_64 step %scan3A_65 iter_args(%scan3A_84 = %broadcast_in_dim3A_60, %scan3A_85 = %broadcast_in_dim3A_62, %scan3A_86 = %broadcast_in_dim3A_62, %scan3A_87 = %broadcast_in_dim3A_62) -> (vector<16xf32>, vector<16xi32>, vector<16xi32>, vector<16xi32>)  : i32 {
      %mul3A_88 = arith.constant 2 : i32
      %mul3A_89 = arith.muli %scan3A_83, %mul3A_88 : i32
      %add3A_90 = arith.constant 0 : i32
      %add3A_91 = arith.addi %mul3A_89, %add3A_90 : i32
      %dma_wait3A = arith.constant 0 : i32
      %dma_wait3A_92 = arith.constant 0 : i32
      %dma_wait3A_93 = arith.constant 0 : i32
      %dma_wait3A_94 = tpu.memref_slice %arg8[%dma_wait3A, %dma_wait3A_92, %dma_wait3A_93] : memref<2x8x2048xi32, #tpu.memory_space<vmem>> -> memref<1x8x2048xi32, #tpu.memory_space<vmem>>
      %dma_wait3A_95 = tpu.memref_squeeze %dma_wait3A_94 : memref<1x8x2048xi32, #tpu.memory_space<vmem>> -> memref<8x2048xi32, #tpu.memory_space<vmem>>
      %dma_wait3A_96 = arith.constant 0 : i32
      %dma_wait3A_97 = arith.constant 0 : i32
      %dma_wait3A_98 = tpu.memref_slice %arg2[%dma_wait3A_96, %dma_wait3A_97] : memref<8192x2048xi32, #tpu.memory_space<hbm>> -> memref<8x2048xi32, #tpu.memory_space<hbm>>
      %dma_wait3A_99 = arith.constant 0 : i32
      %dma_wait3A_100 = arith.constant 0 : i32
      %dma_wait3A_101 = tpu.memref_slice %arg8[%dma_wait3A, %dma_wait3A_99, %dma_wait3A_100] : memref<2x8x2048xi32, #tpu.memory_space<vmem>> -> memref<1x8x2048xi32, #tpu.memory_space<vmem>>
      %dma_wait3A_102 = tpu.memref_squeeze %dma_wait3A_101 : memref<1x8x2048xi32, #tpu.memory_space<vmem>> -> memref<8x2048xi32, #tpu.memory_space<vmem>>
      %dma_wait3A_103 = arith.constant 0 : i32
      %dma_wait3A_104 = arith.constant 0 : i32
      %dma_wait3A_105 = tpu.memref_slice %arg2[%dma_wait3A_103, %dma_wait3A_104] : memref<8192x2048xi32, #tpu.memory_space<hbm>> -> memref<8x2048xi32, #tpu.memory_space<hbm>>
      tpu.wait_dma2 semaphore(%arg14 : memref<!tpu.dma_semaphore, #tpu.memory_space<semaphore_mem>>) src(%dma_wait3A_105 : memref<8x2048xi32, #tpu.memory_space<hbm>>) dst(%dma_wait3A_102 : memref<8x2048xi32, #tpu.memory_space<vmem>>)
      %dma_wait3A_106 = arith.constant 0 : i32
      %dma_wait3A_107 = arith.constant 0 : i32
      %dma_wait3A_108 = arith.constant 0 : i32
      %dma_wait3A_109 = tpu.memref_slice %arg9[%dma_wait3A_106, %dma_wait3A_107, %dma_wait3A_108] : memref<2x8x2048xf32, #tpu.memory_space<vmem>> -> memref<1x8x2048xf32, #tpu.memory_space<vmem>>
      %dma_wait3A_110 = tpu.memref_squeeze %dma_wait3A_109 : memref<1x8x2048xf32, #tpu.memory_space<vmem>> -> memref<8x2048xf32, #tpu.memory_space<vmem>>
      %dma_wait3A_111 = arith.constant 0 : i32
      %dma_wait3A_112 = arith.constant 0 : i32
      %dma_wait3A_113 = tpu.memref_slice %arg3[%dma_wait3A_111, %dma_wait3A_112] : memref<8192x2048xf32, #tpu.memory_space<hbm>> -> memref<8x2048xf32, #tpu.memory_space<hbm>>
      %dma_wait3A_114 = arith.constant 0 : i32
      %dma_wait3A_115 = arith.constant 0 : i32
      %dma_wait3A_116 = tpu.memref_slice %arg9[%dma_wait3A_106, %dma_wait3A_114, %dma_wait3A_115] : memref<2x8x2048xf32, #tpu.memory_space<vmem>> -> memref<1x8x2048xf32, #tpu.memory_space<vmem>>
      %dma_wait3A_117 = tpu.memref_squeeze %dma_wait3A_116 : memref<1x8x2048xf32, #tpu.memory_space<vmem>> -> memref<8x2048xf32, #tpu.memory_space<vmem>>
      %dma_wait3A_118 = arith.constant 0 : i32
      %dma_wait3A_119 = arith.constant 0 : i32
      %dma_wait3A_120 = tpu.memref_slice %arg3[%dma_wait3A_118, %dma_wait3A_119] : memref<8192x2048xf32, #tpu.memory_space<hbm>> -> memref<8x2048xf32, #tpu.memory_space<hbm>>
      tpu.wait_dma2 semaphore(%arg14 : memref<!tpu.dma_semaphore, #tpu.memory_space<semaphore_mem>>) src(%dma_wait3A_120 : memref<8x2048xf32, #tpu.memory_space<hbm>>) dst(%dma_wait3A_117 : memref<8x2048xf32, #tpu.memory_space<vmem>>)
      %scan3A_121 = arith.constant 0 : i32
      %scan3A_122 = arith.constant 0 : i32
      %scan3A_123 = arith.constant 0 : i32
      %scan3A_124 = arith.constant 128 : i32
      %scan3A_125 = arith.addi %scan3A_123, %scan3A_124 : i32
      %scan3A_126 = arith.constant 2 : i32
      %scan3A_127:4 = scf.for %scan3A_182 = %scan3A_123 to %scan3A_125 step %scan3A_126 iter_args(%scan3A_183 = %scan3A_84, %scan3A_184 = %scan3A_85, %scan3A_185 = %scan3A_86, %scan3A_186 = %scan3A_87) -> (vector<16xf32>, vector<16xi32>, vector<16xi32>, vector<16xi32>)  : i32 {
        %mul3A_187 = arith.constant 16 : i32
        %mul3A_188 = arith.muli %scan3A_182, %mul3A_187 : i32
        %get3A = arith.constant 0 : i32
        %get3A_189 = arith.constant 0 : i32
        %get3A_190 = arith.constant 0 : i32
        %get3A_191 = tpu.memref_slice %arg8[%scan3A_121, %get3A_189, %get3A_190] : memref<2x8x2048xi32, #tpu.memory_space<vmem>> -> memref<1x8x2048xi32, #tpu.memory_space<vmem>>
        %get3A_192 = tpu.memref_squeeze %get3A_191 : memref<1x8x2048xi32, #tpu.memory_space<vmem>> -> memref<8x2048xi32, #tpu.memory_space<vmem>>
        %get3A_193 = arith.index_cast %get3A : i32 to index
        %get3A_194 = arith.index_cast %mul3A_188 : i32 to index
        %get3A_195 = tpu.vector_load %get3A_192[%get3A_193, %get3A_194] {strides = array<i32>} : memref<8x2048xi32, #tpu.memory_space<vmem>>, vector<1x16xi32>,
        %get3A_196 = vector.shape_cast %get3A_195 : vector<1x16xi32> to vector<16xi32>
        %mul3A_197 = arith.constant 16 : i32
        %mul3A_198 = arith.muli %scan3A_182, %mul3A_197 : i32
        %get3A_199 = arith.constant 0 : i32
        %get3A_200 = arith.constant 0 : i32
        %get3A_201 = arith.constant 0 : i32
        %get3A_202 = tpu.memref_slice %arg9[%scan3A_122, %get3A_200, %get3A_201] : memref<2x8x2048xf32, #tpu.memory_space<vmem>> -> memref<1x8x2048xf32, #tpu.memory_space<vmem>>
        %get3A_203 = tpu.memref_squeeze %get3A_202 : memref<1x8x2048xf32, #tpu.memory_space<vmem>> -> memref<8x2048xf32, #tpu.memory_space<vmem>>
        %get3A_204 = arith.index_cast %get3A_199 : i32 to index
        %get3A_205 = arith.index_cast %mul3A_198 : i32 to index
        %get3A_206 = tpu.vector_load %get3A_203[%get3A_204, %get3A_205] {strides = array<i32>} : memref<8x2048xf32, #tpu.memory_space<vmem>>, vector<1x16xf32>,
        %get3A_207 = vector.shape_cast %get3A_206 : vector<1x16xf32> to vector<16xf32>
        %bitcast_convert_type3A = tpu.bitcast %get3A_207 : vector<16xf32> -> vector<16xi32>
        %mul3A_208 = arith.muli %bitcast_convert_type3A, %get3A_196 : vector<16xi32>
        %shift_right_logical3A = arith.constant 23 : i32
        %shift_right_logical3A_209 = vector.broadcast %shift_right_logical3A : i32 to vector<16xi32>
        %shift_right_logical3A_210 = arith.shrui %mul3A_208, %shift_right_logical3A_209 : vector<16xi32>
        %and3A = arith.constant 8388607 : i32
        %and3A_211 = vector.broadcast %and3A : i32 to vector<16xi32>
        %and3A_212 = arith.andi %mul3A_208, %and3A_211 : vector<16xi32>
        %or3A = arith.constant 1065353216 : i32
        %or3A_213 = vector.broadcast %or3A : i32 to vector<16xi32>
        %or3A_214 = arith.ori %and3A_212, %or3A_213 : vector<16xi32>
        %bitcast_convert_type3A_215 = tpu.bitcast %or3A_214 : vector<16xi32> -> vector<16xf32>
        %sub3A = arith.constant 1.000000e+00 : f32
        %sub3A_216 = vector.broadcast %sub3A : f32 to vector<16xf32>
        %sub3A_217 = arith.subf %bitcast_convert_type3A_215, %sub3A_216 : vector<16xf32>
        %mul3A_218 = arith.constant 0.165404588 : f32
        %mul3A_219 = vector.broadcast %mul3A_218 : f32 to vector<16xf32>
        %mul3A_220 = arith.mulf %sub3A_217, %mul3A_219 : vector<16xf32>
        %add3A_221 = arith.constant -5.892300e-01 : f32
        %add3A_222 = vector.broadcast %add3A_221 : f32 to vector<16xf32>
        %add3A_223 = arith.addf %add3A_222, %mul3A_220 : vector<16xf32>
        %mul3A_224 = arith.mulf %sub3A_217, %add3A_223 : vector<16xf32>
        %add3A_225 = arith.constant 1.42459929 : f32
        %add3A_226 = vector.broadcast %add3A_225 : f32 to vector<16xf32>
        %add3A_227 = arith.addf %add3A_226, %mul3A_224 : vector<16xf32>
        %mul3A_228 = arith.mulf %sub3A_217, %add3A_227 : vector<16xf32>
        %sub3A_229 = arith.subi %mul3A_208, %get3A_196 : vector<16xi32>
        %shift_right_logical3A_230 = arith.constant 31 : i32
        %shift_right_logical3A_231 = vector.broadcast %shift_right_logical3A_230 : i32 to vector<16xi32>
        %shift_right_logical3A_232 = arith.shrui %sub3A_229, %shift_right_logical3A_231 : vector<16xi32>
        %add3A_233 = arith.addf %scan3A_183, %mul3A_228 : vector<16xf32>
        %add3A_234 = arith.addi %scan3A_184, %shift_right_logical3A_210 : vector<16xi32>
        %add3A_235 = arith.addi %scan3A_185, %get3A_196 : vector<16xi32>
        %add3A_236 = arith.addi %scan3A_186, %shift_right_logical3A_232 : vector<16xi32>
        %mul3A_237 = arith.constant 16 : i32
        %mul3A_238 = arith.muli %scan3A_182, %mul3A_237 : i32
        %get3A_239 = arith.constant 1 : i32
        %get3A_240 = arith.constant 0 : i32
        %get3A_241 = arith.constant 0 : i32
        %get3A_242 = tpu.memref_slice %arg8[%scan3A_121, %get3A_240, %get3A_241] : memref<2x8x2048xi32, #tpu.memory_space<vmem>> -> memref<1x8x2048xi32, #tpu.memory_space<vmem>>
        %get3A_243 = tpu.memref_squeeze %get3A_242 : memref<1x8x2048xi32, #tpu.memory_space<vmem>> -> memref<8x2048xi32, #tpu.memory_space<vmem>>
        %get3A_244 = arith.index_cast %get3A_239 : i32 to index
        %get3A_245 = arith.index_cast %mul3A_238 : i32 to index
        %get3A_246 = tpu.vector_load %get3A_243[%get3A_244, %get3A_245] {strides = array<i32>} : memref<8x2048xi32, #tpu.memory_space<vmem>>, vector<1x16xi32>,
        %get3A_247 = vector.shape_cast %get3A_246 : vector<1x16xi32> to vector<16xi32>
        %mul3A_248 = arith.constant 16 : i32
        %mul3A_249 = arith.muli %scan3A_182, %mul3A_248 : i32
        %get3A_250 = arith.constant 1 : i32
        %get3A_251 = arith.constant 0 : i32
        %get3A_252 = arith.constant 0 : i32
        %get3A_253 = tpu.memref_slice %arg9[%scan3A_122, %get3A_251, %get3A_252] : memref<2x8x2048xf32, #tpu.memory_space<vmem>> -> memref<1x8x2048xf32, #tpu.memory_space<vmem>>
        %get3A_254 = tpu.memref_squeeze %get3A_253 : memref<1x8x2048xf32, #tpu.memory_space<vmem>> -> memref<8x2048xf32, #tpu.memory_space<vmem>>
        %get3A_255 = arith.index_cast %get3A_250 : i32 to index
        %get3A_256 = arith.index_cast %mul3A_249 : i32 to index
        %get3A_257 = tpu.vector_load %get3A_254[%get3A_255, %get3A_256] {strides = array<i32>} : memref<8x2048xf32, #tpu.memory_space<vmem>>, vector<1x16xf32>,
        %get3A_258 = vector.shape_cast %get3A_257 : vector<1x16xf32> to vector<16xf32>
        %bitcast_convert_type3A_259 = tpu.bitcast %get3A_258 : vector<16xf32> -> vector<16xi32>
        %mul3A_260 = arith.muli %bitcast_convert_type3A_259, %get3A_247 : vector<16xi32>
        %shift_right_logical3A_261 = arith.constant 23 : i32
        %shift_right_logical3A_262 = vector.broadcast %shift_right_logical3A_261 : i32 to vector<16xi32>
        %shift_right_logical3A_263 = arith.shrui %mul3A_260, %shift_right_logical3A_262 : vector<16xi32>
        %and3A_264 = arith.constant 8388607 : i32
        %and3A_265 = vector.broadcast %and3A_264 : i32 to vector<16xi32>
        %and3A_266 = arith.andi %mul3A_260, %and3A_265 : vector<16xi32>
        %or3A_267 = arith.constant 1065353216 : i32
        %or3A_268 = vector.broadcast %or3A_267 : i32 to vector<16xi32>
        %or3A_269 = arith.ori %and3A_266, %or3A_268 : vector<16xi32>
        %bitcast_convert_type3A_270 = tpu.bitcast %or3A_269 : vector<16xi32> -> vector<16xf32>
        %sub3A_271 = arith.constant 1.000000e+00 : f32
        %sub3A_272 = vector.broadcast %sub3A_271 : f32 to vector<16xf32>
        %sub3A_273 = arith.subf %bitcast_convert_type3A_270, %sub3A_272 : vector<16xf32>
        %mul3A_274 = arith.constant 0.165404588 : f32
        %mul3A_275 = vector.broadcast %mul3A_274 : f32 to vector<16xf32>
        %mul3A_276 = arith.mulf %sub3A_273, %mul3A_275 : vector<16xf32>
        %add3A_277 = arith.constant -5.892300e-01 : f32
        %add3A_278 = vector.broadcast %add3A_277 : f32 to vector<16xf32>
        %add3A_279 = arith.addf %add3A_278, %mul3A_276 : vector<16xf32>
        %mul3A_280 = arith.mulf %sub3A_273, %add3A_279 : vector<16xf32>
        %add3A_281 = arith.constant 1.42459929 : f32
        %add3A_282 = vector.broadcast %add3A_281 : f32 to vector<16xf32>
        %add3A_283 = arith.addf %add3A_282, %mul3A_280 : vector<16xf32>
        %mul3A_284 = arith.mulf %sub3A_273, %add3A_283 : vector<16xf32>
        %sub3A_285 = arith.subi %mul3A_260, %get3A_247 : vector<16xi32>
        %shift_right_logical3A_286 = arith.constant 31 : i32
        %shift_right_logical3A_287 = vector.broadcast %shift_right_logical3A_286 : i32 to vector<16xi32>
        %shift_right_logical3A_288 = arith.shrui %sub3A_285, %shift_right_logical3A_287 : vector<16xi32>
        %add3A_289 = arith.addf %add3A_233, %mul3A_284 : vector<16xf32>
        %add3A_290 = arith.addi %add3A_234, %shift_right_logical3A_263 : vector<16xi32>
        %add3A_291 = arith.addi %add3A_235, %get3A_247 : vector<16xi32>
        %add3A_292 = arith.addi %add3A_236, %shift_right_logical3A_288 : vector<16xi32>
        %mul3A_293 = arith.constant 16 : i32
        %mul3A_294 = arith.muli %scan3A_182, %mul3A_293 : i32
        %get3A_295 = arith.constant 2 : i32
        %get3A_296 = arith.constant 0 : i32
        %get3A_297 = arith.constant 0 : i32
        %get3A_298 = tpu.memref_slice %arg8[%scan3A_121, %get3A_296, %get3A_297] : memref<2x8x2048xi32, #tpu.memory_space<vmem>> -> memref<1x8x2048xi32, #tpu.memory_space<vmem>>
        %get3A_299 = tpu.memref_squeeze %get3A_298 : memref<1x8x2048xi32, #tpu.memory_space<vmem>> -> memref<8x2048xi32, #tpu.memory_space<vmem>>
        %get3A_300 = arith.index_cast %get3A_295 : i32 to index
        %get3A_301 = arith.index_cast %mul3A_294 : i32 to index
        %get3A_302 = tpu.vector_load %get3A_299[%get3A_300, %get3A_301] {strides = array<i32>} : memref<8x2048xi32, #tpu.memory_space<vmem>>, vector<1x16xi32>,
        %get3A_303 = vector.shape_cast %get3A_302 : vector<1x16xi32> to vector<16xi32>
        %mul3A_304 = arith.constant 16 : i32
        %mul3A_305 = arith.muli %scan3A_182, %mul3A_304 : i32
        %get3A_306 = arith.constant 2 : i32
        %get3A_307 = arith.constant 0 : i32
        %get3A_308 = arith.constant 0 : i32
        %get3A_309 = tpu.memref_slice %arg9[%scan3A_122, %get3A_307, %get3A_308] : memref<2x8x2048xf32, #tpu.memory_space<vmem>> -> memref<1x8x2048xf32, #tpu.memory_space<vmem>>
        %get3A_310 = tpu.memref_squeeze %get3A_309 : memref<1x8x2048xf32, #tpu.memory_space<vmem>> -> memref<8x2048xf32, #tpu.memory_space<vmem>>
        %get3A_311 = arith.index_cast %get3A_306 : i32 to index
        %get3A_312 = arith.index_cast %mul3A_305 : i32 to index
        %get3A_313 = tpu.vector_load %get3A_310[%get3A_311, %get3A_312] {strides = array<i32>} : memref<8x2048xf32, #tpu.memory_space<vmem>>, vector<1x16xf32>,
        %get3A_314 = vector.shape_cast %get3A_313 : vector<1x16xf32> to vector<16xf32>
        %bitcast_convert_type3A_315 = tpu.bitcast %get3A_314 : vector<16xf32> -> vector<16xi32>
        %mul3A_316 = arith.muli %bitcast_convert_type3A_315, %get3A_303 : vector<16xi32>
        %shift_right_logical3A_317 = arith.constant 23 : i32
        %shift_right_logical3A_318 = vector.broadcast %shift_right_logical3A_317 : i32 to vector<16xi32>
        %shift_right_logical3A_319 = arith.shrui %mul3A_316, %shift_right_logical3A_318 : vector<16xi32>
        %and3A_320 = arith.constant 8388607 : i32
        %and3A_321 = vector.broadcast %and3A_320 : i32 to vector<16xi32>
        %and3A_322 = arith.andi %mul3A_316, %and3A_321 : vector<16xi32>
        %or3A_323 = arith.constant 1065353216 : i32
        %or3A_324 = vector.broadcast %or3A_323 : i32 to vector<16xi32>
        %or3A_325 = arith.ori %and3A_322, %or3A_324 : vector<16xi32>
        %bitcast_convert_type3A_326 = tpu.bitcast %or3A_325 : vector<16xi32> -> vector<16xf32>
        %sub3A_327 = arith.constant 1.000000e+00 : f32
        %sub3A_328 = vector.broadcast %sub3A_327 : f32 to vector<16xf32>
        %sub3A_329 = arith.subf %bitcast_convert_type3A_326, %sub3A_328 : vector<16xf32>
        %mul3A_330 = arith.constant 0.165404588 : f32
        %mul3A_331 = vector.broadcast %mul3A_330 : f32 to vector<16xf32>
        %mul3A_332 = arith.mulf %sub3A_329, %mul3A_331 : vector<16xf32>
        %add3A_333 = arith.constant -5.892300e-01 : f32
        %add3A_334 = vector.broadcast %add3A_333 : f32 to vector<16xf32>
        %add3A_335 = arith.addf %add3A_334, %mul3A_332 : vector<16xf32>
        %mul3A_336 = arith.mulf %sub3A_329, %add3A_335 : vector<16xf32>
        %add3A_337 = arith.constant 1.42459929 : f32
        %add3A_338 = vector.broadcast %add3A_337 : f32 to vector<16xf32>
        %add3A_339 = arith.addf %add3A_338, %mul3A_336 : vector<16xf32>
        %mul3A_340 = arith.mulf %sub3A_329, %add3A_339 : vector<16xf32>
        %sub3A_341 = arith.subi %mul3A_316, %get3A_303 : vector<16xi32>
        %shift_right_logical3A_342 = arith.constant 31 : i32
        %shift_right_logical3A_343 = vector.broadcast %shift_right_logical3A_342 : i32 to vector<16xi32>
        %shift_right_logical3A_344 = arith.shrui %sub3A_341, %shift_right_logical3A_343 : vector<16xi32>
        %add3A_345 = arith.addf %add3A_289, %mul3A_340 : vector<16xf32>
        %add3A_346 = arith.addi %add3A_290, %shift_right_logical3A_319 : vector<16xi32>
        %add3A_347 = arith.addi %add3A_291, %get3A_303 : vector<16xi32>
        %add3A_348 = arith.addi %add3A_292, %shift_right_logical3A_344 : vector<16xi32>
        %mul3A_349 = arith.constant 16 : i32
        %mul3A_350 = arith.muli %scan3A_182, %mul3A_349 : i32
        %get3A_351 = arith.constant 3 : i32
        %get3A_352 = arith.constant 0 : i32
        %get3A_353 = arith.constant 0 : i32
        %get3A_354 = tpu.memref_slice %arg8[%scan3A_121, %get3A_352, %get3A_353] : memref<2x8x2048xi32, #tpu.memory_space<vmem>> -> memref<1x8x2048xi32, #tpu.memory_space<vmem>>
        %get3A_355 = tpu.memref_squeeze %get3A_354 : memref<1x8x2048xi32, #tpu.memory_space<vmem>> -> memref<8x2048xi32, #tpu.memory_space<vmem>>
        %get3A_356 = arith.index_cast %get3A_351 : i32 to index
        %get3A_357 = arith.index_cast %mul3A_350 : i32 to index
        %get3A_358 = tpu.vector_load %get3A_355[%get3A_356, %get3A_357] {strides = array<i32>} : memref<8x2048xi32, #tpu.memory_space<vmem>>, vector<1x16xi32>,
        %get3A_359 = vector.shape_cast %get3A_358 : vector<1x16xi32> to vector<16xi32>
        %mul3A_360 = arith.constant 16 : i32
        %mul3A_361 = arith.muli %scan3A_182, %mul3A_360 : i32
        %get3A_362 = arith.constant 3 : i32
        %get3A_363 = arith.constant 0 : i32
        %get3A_364 = arith.constant 0 : i32
        %get3A_365 = tpu.memref_slice %arg9[%scan3A_122, %get3A_363, %get3A_364] : memref<2x8x2048xf32, #tpu.memory_space<vmem>> -> memref<1x8x2048xf32, #tpu.memory_space<vmem>>
        %get3A_366 = tpu.memref_squeeze %get3A_365 : memref<1x8x2048xf32, #tpu.memory_space<vmem>> -> memref<8x2048xf32, #tpu.memory_space<vmem>>
        %get3A_367 = arith.index_cast %get3A_362 : i32 to index
        %get3A_368 = arith.index_cast %mul3A_361 : i32 to index
        %get3A_369 = tpu.vector_load %get3A_366[%get3A_367, %get3A_368] {strides = array<i32>} : memref<8x2048xf32, #tpu.memory_space<vmem>>, vector<1x16xf32>,
        %get3A_370 = vector.shape_cast %get3A_369 : vector<1x16xf32> to vector<16xf32>
        %bitcast_convert_type3A_371 = tpu.bitcast %get3A_370 : vector<16xf32> -> vector<16xi32>
        %mul3A_372 = arith.muli %bitcast_convert_type3A_371, %get3A_359 : vector<16xi32>
        %shift_right_logical3A_373 = arith.constant 23 : i32
        %shift_right_logical3A_374 = vector.broadcast %shift_right_logical3A_373 : i32 to vector<16xi32>
        %shift_right_logical3A_375 = arith.shrui %mul3A_372, %shift_right_logical3A_374 : vector<16xi32>
        %and3A_376 = arith.constant 8388607 : i32
        %and3A_377 = vector.broadcast %and3A_376 : i32 to vector<16xi32>
        %and3A_378 = arith.andi %mul3A_372, %and3A_377 : vector<16xi32>
        %or3A_379 = arith.constant 1065353216 : i32
        %or3A_380 = vector.broadcast %or3A_379 : i32 to vector<16xi32>
        %or3A_381 = arith.ori %and3A_378, %or3A_380 : vector<16xi32>
        %bitcast_convert_type3A_382 = tpu.bitcast %or3A_381 : vector<16xi32> -> vector<16xf32>
        %sub3A_383 = arith.constant 1.000000e+00 : f32
        %sub3A_384 = vector.broadcast %sub3A_383 : f32 to vector<16xf32>
        %sub3A_385 = arith.subf %bitcast_convert_type3A_382, %sub3A_384 : vector<16xf32>
        %mul3A_386 = arith.constant 0.165404588 : f32
        %mul3A_387 = vector.broadcast %mul3A_386 : f32 to vector<16xf32>
        %mul3A_388 = arith.mulf %sub3A_385, %mul3A_387 : vector<16xf32>
        %add3A_389 = arith.constant -5.892300e-01 : f32
        %add3A_390 = vector.broadcast %add3A_389 : f32 to vector<16xf32>
        %add3A_391 = arith.addf %add3A_390, %mul3A_388 : vector<16xf32>
        %mul3A_392 = arith.mulf %sub3A_385, %add3A_391 : vector<16xf32>
        %add3A_393 = arith.constant 1.42459929 : f32
        %add3A_394 = vector.broadcast %add3A_393 : f32 to vector<16xf32>
        %add3A_395 = arith.addf %add3A_394, %mul3A_392 : vector<16xf32>
        %mul3A_396 = arith.mulf %sub3A_385, %add3A_395 : vector<16xf32>
        %sub3A_397 = arith.subi %mul3A_372, %get3A_359 : vector<16xi32>
        %shift_right_logical3A_398 = arith.constant 31 : i32
        %shift_right_logical3A_399 = vector.broadcast %shift_right_logical3A_398 : i32 to vector<16xi32>
        %shift_right_logical3A_400 = arith.shrui %sub3A_397, %shift_right_logical3A_399 : vector<16xi32>
        %add3A_401 = arith.addf %add3A_345, %mul3A_396 : vector<16xf32>
        %add3A_402 = arith.addi %add3A_346, %shift_right_logical3A_375 : vector<16xi32>
        %add3A_403 = arith.addi %add3A_347, %get3A_359 : vector<16xi32>
        %add3A_404 = arith.addi %add3A_348, %shift_right_logical3A_400 : vector<16xi32>
        %mul3A_405 = arith.constant 16 : i32
        %mul3A_406 = arith.muli %scan3A_182, %mul3A_405 : i32
        %get3A_407 = arith.constant 4 : i32
        %get3A_408 = arith.constant 0 : i32
        %get3A_409 = arith.constant 0 : i32
        %get3A_410 = tpu.memref_slice %arg8[%scan3A_121, %get3A_408, %get3A_409] : memref<2x8x2048xi32, #tpu.memory_space<vmem>> -> memref<1x8x2048xi32, #tpu.memory_space<vmem>>
        %get3A_411 = tpu.memref_squeeze %get3A_410 : memref<1x8x2048xi32, #tpu.memory_space<vmem>> -> memref<8x2048xi32, #tpu.memory_space<vmem>>
        %get3A_412 = arith.index_cast %get3A_407 : i32 to index
        %get3A_413 = arith.index_cast %mul3A_406 : i32 to index
        %get3A_414 = tpu.vector_load %get3A_411[%get3A_412, %get3A_413] {strides = array<i32>} : memref<8x2048xi32, #tpu.memory_space<vmem>>, vector<1x16xi32>,
        %get3A_415 = vector.shape_cast %get3A_414 : vector<1x16xi32> to vector<16xi32>
        %mul3A_416 = arith.constant 16 : i32
        %mul3A_417 = arith.muli %scan3A_182, %mul3A_416 : i32
        %get3A_418 = arith.constant 4 : i32
        %get3A_419 = arith.constant 0 : i32
        %get3A_420 = arith.constant 0 : i32
        %get3A_421 = tpu.memref_slice %arg9[%scan3A_122, %get3A_419, %get3A_420] : memref<2x8x2048xf32, #tpu.memory_space<vmem>> -> memref<1x8x2048xf32, #tpu.memory_space<vmem>>
        %get3A_422 = tpu.memref_squeeze %get3A_421 : memref<1x8x2048xf32, #tpu.memory_space<vmem>> -> memref<8x2048xf32, #tpu.memory_space<vmem>>
        %get3A_423 = arith.index_cast %get3A_418 : i32 to index
        %get3A_424 = arith.index_cast %mul3A_417 : i32 to index
        %get3A_425 = tpu.vector_load %get3A_422[%get3A_423, %get3A_424] {strides = array<i32>} : memref<8x2048xf32, #tpu.memory_space<vmem>>, vector<1x16xf32>,
        %get3A_426 = vector.shape_cast %get3A_425 : vector<1x16xf32> to vector<16xf32>
        %bitcast_convert_type3A_427 = tpu.bitcast %get3A_426 : vector<16xf32> -> vector<16xi32>
        %mul3A_428 = arith.muli %bitcast_convert_type3A_427, %get3A_415 : vector<16xi32>
        %shift_right_logical3A_429 = arith.constant 23 : i32
        %shift_right_logical3A_430 = vector.broadcast %shift_right_logical3A_429 : i32 to vector<16xi32>
        %shift_right_logical3A_431 = arith.shrui %mul3A_428, %shift_right_logical3A_430 : vector<16xi32>
        %and3A_432 = arith.constant 8388607 : i32
        %and3A_433 = vector.broadcast %and3A_432 : i32 to vector<16xi32>
        %and3A_434 = arith.andi %mul3A_428, %and3A_433 : vector<16xi32>
        %or3A_435 = arith.constant 1065353216 : i32
        %or3A_436 = vector.broadcast %or3A_435 : i32 to vector<16xi32>
        %or3A_437 = arith.ori %and3A_434, %or3A_436 : vector<16xi32>
        %bitcast_convert_type3A_438 = tpu.bitcast %or3A_437 : vector<16xi32> -> vector<16xf32>
        %sub3A_439 = arith.constant 1.000000e+00 : f32
        %sub3A_440 = vector.broadcast %sub3A_439 : f32 to vector<16xf32>
        %sub3A_441 = arith.subf %bitcast_convert_type3A_438, %sub3A_440 : vector<16xf32>
        %mul3A_442 = arith.constant 0.165404588 : f32
        %mul3A_443 = vector.broadcast %mul3A_442 : f32 to vector<16xf32>
        %mul3A_444 = arith.mulf %sub3A_441, %mul3A_443 : vector<16xf32>
        %add3A_445 = arith.constant -5.892300e-01 : f32
        %add3A_446 = vector.broadcast %add3A_445 : f32 to vector<16xf32>
        %add3A_447 = arith.addf %add3A_446, %mul3A_444 : vector<16xf32>
        %mul3A_448 = arith.mulf %sub3A_441, %add3A_447 : vector<16xf32>
        %add3A_449 = arith.constant 1.42459929 : f32
        %add3A_450 = vector.broadcast %add3A_449 : f32 to vector<16xf32>
        %add3A_451 = arith.addf %add3A_450, %mul3A_448 : vector<16xf32>
        %mul3A_452 = arith.mulf %sub3A_441, %add3A_451 : vector<16xf32>
        %sub3A_453 = arith.subi %mul3A_428, %get3A_415 : vector<16xi32>
        %shift_right_logical3A_454 = arith.constant 31 : i32
        %shift_right_logical3A_455 = vector.broadcast %shift_right_logical3A_454 : i32 to vector<16xi32>
        %shift_right_logical3A_456 = arith.shrui %sub3A_453, %shift_right_logical3A_455 : vector<16xi32>
        %add3A_457 = arith.addf %add3A_401, %mul3A_452 : vector<16xf32>
        %add3A_458 = arith.addi %add3A_402, %shift_right_logical3A_431 : vector<16xi32>
        %add3A_459 = arith.addi %add3A_403, %get3A_415 : vector<16xi32>
        %add3A_460 = arith.addi %add3A_404, %shift_right_logical3A_456 : vector<16xi32>
        %mul3A_461 = arith.constant 16 : i32
        %mul3A_462 = arith.muli %scan3A_182, %mul3A_461 : i32
        %get3A_463 = arith.constant 5 : i32
        %get3A_464 = arith.constant 0 : i32
        %get3A_465 = arith.constant 0 : i32
        %get3A_466 = tpu.memref_slice %arg8[%scan3A_121, %get3A_464, %get3A_465] : memref<2x8x2048xi32, #tpu.memory_space<vmem>> -> memref<1x8x2048xi32, #tpu.memory_space<vmem>>
        %get3A_467 = tpu.memref_squeeze %get3A_466 : memref<1x8x2048xi32, #tpu.memory_space<vmem>> -> memref<8x2048xi32, #tpu.memory_space<vmem>>
        %get3A_468 = arith.index_cast %get3A_463 : i32 to index
        %get3A_469 = arith.index_cast %mul3A_462 : i32 to index
        %get3A_470 = tpu.vector_load %get3A_467[%get3A_468, %get3A_469] {strides = array<i32>} : memref<8x2048xi32, #tpu.memory_space<vmem>>, vector<1x16xi32>,
        %get3A_471 = vector.shape_cast %get3A_470 : vector<1x16xi32> to vector<16xi32>
        %mul3A_472 = arith.constant 16 : i32
        %mul3A_473 = arith.muli %scan3A_182, %mul3A_472 : i32
        %get3A_474 = arith.constant 5 : i32
        %get3A_475 = arith.constant 0 : i32
        %get3A_476 = arith.constant 0 : i32
        %get3A_477 = tpu.memref_slice %arg9[%scan3A_122, %get3A_475, %get3A_476] : memref<2x8x2048xf32, #tpu.memory_space<vmem>> -> memref<1x8x2048xf32, #tpu.memory_space<vmem>>
        %get3A_478 = tpu.memref_squeeze %get3A_477 : memref<1x8x2048xf32, #tpu.memory_space<vmem>> -> memref<8x2048xf32, #tpu.memory_space<vmem>>
        %get3A_479 = arith.index_cast %get3A_474 : i32 to index
        %get3A_480 = arith.index_cast %mul3A_473 : i32 to index
        %get3A_481 = tpu.vector_load %get3A_478[%get3A_479, %get3A_480] {strides = array<i32>} : memref<8x2048xf32, #tpu.memory_space<vmem>>, vector<1x16xf32>,
        %get3A_482 = vector.shape_cast %get3A_481 : vector<1x16xf32> to vector<16xf32>
        %bitcast_convert_type3A_483 = tpu.bitcast %get3A_482 : vector<16xf32> -> vector<16xi32>
        %mul3A_484 = arith.muli %bitcast_convert_type3A_483, %get3A_471 : vector<16xi32>
        %shift_right_logical3A_485 = arith.constant 23 : i32
        %shift_right_logical3A_486 = vector.broadcast %shift_right_logical3A_485 : i32 to vector<16xi32>
        %shift_right_logical3A_487 = arith.shrui %mul3A_484, %shift_right_logical3A_486 : vector<16xi32>
        %and3A_488 = arith.constant 8388607 : i32
        %and3A_489 = vector.broadcast %and3A_488 : i32 to vector<16xi32>
        %and3A_490 = arith.andi %mul3A_484, %and3A_489 : vector<16xi32>
        %or3A_491 = arith.constant 1065353216 : i32
        %or3A_492 = vector.broadcast %or3A_491 : i32 to vector<16xi32>
        %or3A_493 = arith.ori %and3A_490, %or3A_492 : vector<16xi32>
        %bitcast_convert_type3A_494 = tpu.bitcast %or3A_493 : vector<16xi32> -> vector<16xf32>
        %sub3A_495 = arith.constant 1.000000e+00 : f32
        %sub3A_496 = vector.broadcast %sub3A_495 : f32 to vector<16xf32>
        %sub3A_497 = arith.subf %bitcast_convert_type3A_494, %sub3A_496 : vector<16xf32>
        %mul3A_498 = arith.constant 0.165404588 : f32
        %mul3A_499 = vector.broadcast %mul3A_498 : f32 to vector<16xf32>
        %mul3A_500 = arith.mulf %sub3A_497, %mul3A_499 : vector<16xf32>
        %add3A_501 = arith.constant -5.892300e-01 : f32
        %add3A_502 = vector.broadcast %add3A_501 : f32 to vector<16xf32>
        %add3A_503 = arith.addf %add3A_502, %mul3A_500 : vector<16xf32>
        %mul3A_504 = arith.mulf %sub3A_497, %add3A_503 : vector<16xf32>
        %add3A_505 = arith.constant 1.42459929 : f32
        %add3A_506 = vector.broadcast %add3A_505 : f32 to vector<16xf32>
        %add3A_507 = arith.addf %add3A_506, %mul3A_504 : vector<16xf32>
        %mul3A_508 = arith.mulf %sub3A_497, %add3A_507 : vector<16xf32>
        %sub3A_509 = arith.subi %mul3A_484, %get3A_471 : vector<16xi32>
        %shift_right_logical3A_510 = arith.constant 31 : i32
        %shift_right_logical3A_511 = vector.broadcast %shift_right_logical3A_510 : i32 to vector<16xi32>
        %shift_right_logical3A_512 = arith.shrui %sub3A_509, %shift_right_logical3A_511 : vector<16xi32>
        %add3A_513 = arith.addf %add3A_457, %mul3A_508 : vector<16xf32>
        %add3A_514 = arith.addi %add3A_458, %shift_right_logical3A_487 : vector<16xi32>
        %add3A_515 = arith.addi %add3A_459, %get3A_471 : vector<16xi32>
        %add3A_516 = arith.addi %add3A_460, %shift_right_logical3A_512 : vector<16xi32>
        %mul3A_517 = arith.constant 16 : i32
        %mul3A_518 = arith.muli %scan3A_182, %mul3A_517 : i32
        %get3A_519 = arith.constant 6 : i32
        %get3A_520 = arith.constant 0 : i32
        %get3A_521 = arith.constant 0 : i32
        %get3A_522 = tpu.memref_slice %arg8[%scan3A_121, %get3A_520, %get3A_521] : memref<2x8x2048xi32, #tpu.memory_space<vmem>> -> memref<1x8x2048xi32, #tpu.memory_space<vmem>>
        %get3A_523 = tpu.memref_squeeze %get3A_522 : memref<1x8x2048xi32, #tpu.memory_space<vmem>> -> memref<8x2048xi32, #tpu.memory_space<vmem>>
        %get3A_524 = arith.index_cast %get3A_519 : i32 to index
        %get3A_525 = arith.index_cast %mul3A_518 : i32 to index
        %get3A_526 = tpu.vector_load %get3A_523[%get3A_524, %get3A_525] {strides = array<i32>} : memref<8x2048xi32, #tpu.memory_space<vmem>>, vector<1x16xi32>,
        %get3A_527 = vector.shape_cast %get3A_526 : vector<1x16xi32> to vector<16xi32>
        %mul3A_528 = arith.constant 16 : i32
        %mul3A_529 = arith.muli %scan3A_182, %mul3A_528 : i32
        %get3A_530 = arith.constant 6 : i32
        %get3A_531 = arith.constant 0 : i32
        %get3A_532 = arith.constant 0 : i32
        %get3A_533 = tpu.memref_slice %arg9[%scan3A_122, %get3A_531, %get3A_532] : memref<2x8x2048xf32, #tpu.memory_space<vmem>> -> memref<1x8x2048xf32, #tpu.memory_space<vmem>>
        %get3A_534 = tpu.memref_squeeze %get3A_533 : memref<1x8x2048xf32, #tpu.memory_space<vmem>> -> memref<8x2048xf32, #tpu.memory_space<vmem>>
        %get3A_535 = arith.index_cast %get3A_530 : i32 to index
        %get3A_536 = arith.index_cast %mul3A_529 : i32 to index
        %get3A_537 = tpu.vector_load %get3A_534[%get3A_535, %get3A_536] {strides = array<i32>} : memref<8x2048xf32, #tpu.memory_space<vmem>>, vector<1x16xf32>,
        %get3A_538 = vector.shape_cast %get3A_537 : vector<1x16xf32> to vector<16xf32>
        %bitcast_convert_type3A_539 = tpu.bitcast %get3A_538 : vector<16xf32> -> vector<16xi32>
        %mul3A_540 = arith.muli %bitcast_convert_type3A_539, %get3A_527 : vector<16xi32>
        %shift_right_logical3A_541 = arith.constant 23 : i32
        %shift_right_logical3A_542 = vector.broadcast %shift_right_logical3A_541 : i32 to vector<16xi32>
        %shift_right_logical3A_543 = arith.shrui %mul3A_540, %shift_right_logical3A_542 : vector<16xi32>
        %and3A_544 = arith.constant 8388607 : i32
        %and3A_545 = vector.broadcast %and3A_544 : i32 to vector<16xi32>
        %and3A_546 = arith.andi %mul3A_540, %and3A_545 : vector<16xi32>
        %or3A_547 = arith.constant 1065353216 : i32
        %or3A_548 = vector.broadcast %or3A_547 : i32 to vector<16xi32>
        %or3A_549 = arith.ori %and3A_546, %or3A_548 : vector<16xi32>
        %bitcast_convert_type3A_550 = tpu.bitcast %or3A_549 : vector<16xi32> -> vector<16xf32>
        %sub3A_551 = arith.constant 1.000000e+00 : f32
        %sub3A_552 = vector.broadcast %sub3A_551 : f32 to vector<16xf32>
        %sub3A_553 = arith.subf %bitcast_convert_type3A_550, %sub3A_552 : vector<16xf32>
        %mul3A_554 = arith.constant 0.165404588 : f32
        %mul3A_555 = vector.broadcast %mul3A_554 : f32 to vector<16xf32>
        %mul3A_556 = arith.mulf %sub3A_553, %mul3A_555 : vector<16xf32>
        %add3A_557 = arith.constant -5.892300e-01 : f32
        %add3A_558 = vector.broadcast %add3A_557 : f32 to vector<16xf32>
        %add3A_559 = arith.addf %add3A_558, %mul3A_556 : vector<16xf32>
        %mul3A_560 = arith.mulf %sub3A_553, %add3A_559 : vector<16xf32>
        %add3A_561 = arith.constant 1.42459929 : f32
        %add3A_562 = vector.broadcast %add3A_561 : f32 to vector<16xf32>
        %add3A_563 = arith.addf %add3A_562, %mul3A_560 : vector<16xf32>
        %mul3A_564 = arith.mulf %sub3A_553, %add3A_563 : vector<16xf32>
        %sub3A_565 = arith.subi %mul3A_540, %get3A_527 : vector<16xi32>
        %shift_right_logical3A_566 = arith.constant 31 : i32
        %shift_right_logical3A_567 = vector.broadcast %shift_right_logical3A_566 : i32 to vector<16xi32>
        %shift_right_logical3A_568 = arith.shrui %sub3A_565, %shift_right_logical3A_567 : vector<16xi32>
        %add3A_569 = arith.addf %add3A_513, %mul3A_564 : vector<16xf32>
        %add3A_570 = arith.addi %add3A_514, %shift_right_logical3A_543 : vector<16xi32>
        %add3A_571 = arith.addi %add3A_515, %get3A_527 : vector<16xi32>
        %add3A_572 = arith.addi %add3A_516, %shift_right_logical3A_568 : vector<16xi32>
        %mul3A_573 = arith.constant 16 : i32
        %mul3A_574 = arith.muli %scan3A_182, %mul3A_573 : i32
        %get3A_575 = arith.constant 7 : i32
        %get3A_576 = arith.constant 0 : i32
        %get3A_577 = arith.constant 0 : i32
        %get3A_578 = tpu.memref_slice %arg8[%scan3A_121, %get3A_576, %get3A_577] : memref<2x8x2048xi32, #tpu.memory_space<vmem>> -> memref<1x8x2048xi32, #tpu.memory_space<vmem>>
        %get3A_579 = tpu.memref_squeeze %get3A_578 : memref<1x8x2048xi32, #tpu.memory_space<vmem>> -> memref<8x2048xi32, #tpu.memory_space<vmem>>
        %get3A_580 = arith.index_cast %get3A_575 : i32 to index
        %get3A_581 = arith.index_cast %mul3A_574 : i32 to index
        %get3A_582 = tpu.vector_load %get3A_579[%get3A_580, %get3A_581] {strides = array<i32>} : memref<8x2048xi32, #tpu.memory_space<vmem>>, vector<1x16xi32>,
        %get3A_583 = vector.shape_cast %get3A_582 : vector<1x16xi32> to vector<16xi32>
        %mul3A_584 = arith.constant 16 : i32
        %mul3A_585 = arith.muli %scan3A_182, %mul3A_584 : i32
        %get3A_586 = arith.constant 7 : i32
        %get3A_587 = arith.constant 0 : i32
        %get3A_588 = arith.constant 0 : i32
        %get3A_589 = tpu.memref_slice %arg9[%scan3A_122, %get3A_587, %get3A_588] : memref<2x8x2048xf32, #tpu.memory_space<vmem>> -> memref<1x8x2048xf32, #tpu.memory_space<vmem>>
        %get3A_590 = tpu.memref_squeeze %get3A_589 : memref<1x8x2048xf32, #tpu.memory_space<vmem>> -> memref<8x2048xf32, #tpu.memory_space<vmem>>
        %get3A_591 = arith.index_cast %get3A_586 : i32 to index
        %get3A_592 = arith.index_cast %mul3A_585 : i32 to index
        %get3A_593 = tpu.vector_load %get3A_590[%get3A_591, %get3A_592] {strides = array<i32>} : memref<8x2048xf32, #tpu.memory_space<vmem>>, vector<1x16xf32>,
        %get3A_594 = vector.shape_cast %get3A_593 : vector<1x16xf32> to vector<16xf32>
        %bitcast_convert_type3A_595 = tpu.bitcast %get3A_594 : vector<16xf32> -> vector<16xi32>
        %mul3A_596 = arith.muli %bitcast_convert_type3A_595, %get3A_583 : vector<16xi32>
        %shift_right_logical3A_597 = arith.constant 23 : i32
        %shift_right_logical3A_598 = vector.broadcast %shift_right_logical3A_597 : i32 to vector<16xi32>
        %shift_right_logical3A_599 = arith.shrui %mul3A_596, %shift_right_logical3A_598 : vector<16xi32>
        %and3A_600 = arith.constant 8388607 : i32
        %and3A_601 = vector.broadcast %and3A_600 : i32 to vector<16xi32>
        %and3A_602 = arith.andi %mul3A_596, %and3A_601 : vector<16xi32>
        %or3A_603 = arith.constant 1065353216 : i32
        %or3A_604 = vector.broadcast %or3A_603 : i32 to vector<16xi32>
        %or3A_605 = arith.ori %and3A_602, %or3A_604 : vector<16xi32>
        %bitcast_convert_type3A_606 = tpu.bitcast %or3A_605 : vector<16xi32> -> vector<16xf32>
        %sub3A_607 = arith.constant 1.000000e+00 : f32
        %sub3A_608 = vector.broadcast %sub3A_607 : f32 to vector<16xf32>
        %sub3A_609 = arith.subf %bitcast_convert_type3A_606, %sub3A_608 : vector<16xf32>
        %mul3A_610 = arith.constant 0.165404588 : f32
        %mul3A_611 = vector.broadcast %mul3A_610 : f32 to vector<16xf32>
        %mul3A_612 = arith.mulf %sub3A_609, %mul3A_611 : vector<16xf32>
        %add3A_613 = arith.constant -5.892300e-01 : f32
        %add3A_614 = vector.broadcast %add3A_613 : f32 to vector<16xf32>
        %add3A_615 = arith.addf %add3A_614, %mul3A_612 : vector<16xf32>
        %mul3A_616 = arith.mulf %sub3A_609, %add3A_615 : vector<16xf32>
        %add3A_617 = arith.constant 1.42459929 : f32
        %add3A_618 = vector.broadcast %add3A_617 : f32 to vector<16xf32>
        %add3A_619 = arith.addf %add3A_618, %mul3A_616 : vector<16xf32>
        %mul3A_620 = arith.mulf %sub3A_609, %add3A_619 : vector<16xf32>
        %sub3A_621 = arith.subi %mul3A_596, %get3A_583 : vector<16xi32>
        %shift_right_logical3A_622 = arith.constant 31 : i32
        %shift_right_logical3A_623 = vector.broadcast %shift_right_logical3A_622 : i32 to vector<16xi32>
        %shift_right_logical3A_624 = arith.shrui %sub3A_621, %shift_right_logical3A_623 : vector<16xi32>
        %add3A_625 = arith.addf %add3A_569, %mul3A_620 : vector<16xf32>
        %add3A_626 = arith.addi %add3A_570, %shift_right_logical3A_599 : vector<16xi32>
        %add3A_627 = arith.addi %add3A_571, %get3A_583 : vector<16xi32>
        %add3A_628 = arith.addi %add3A_572, %shift_right_logical3A_624 : vector<16xi32>
        %scan3A_629 = arith.constant 1 : i32
        %scan3A_630 = arith.addi %scan3A_182, %scan3A_629 : i32
        %mul3A_631 = arith.constant 16 : i32
        %mul3A_632 = arith.muli %scan3A_630, %mul3A_631 : i32
        %get3A_633 = arith.constant 0 : i32
        %get3A_634 = arith.constant 0 : i32
        %get3A_635 = arith.constant 0 : i32
        %get3A_636 = tpu.memref_slice %arg8[%scan3A_121, %get3A_634, %get3A_635] : memref<2x8x2048xi32, #tpu.memory_space<vmem>> -> memref<1x8x2048xi32, #tpu.memory_space<vmem>>
        %get3A_637 = tpu.memref_squeeze %get3A_636 : memref<1x8x2048xi32, #tpu.memory_space<vmem>> -> memref<8x2048xi32, #tpu.memory_space<vmem>>
        %get3A_638 = arith.index_cast %get3A_633 : i32 to index
        %get3A_639 = arith.index_cast %mul3A_632 : i32 to index
        %get3A_640 = tpu.vector_load %get3A_637[%get3A_638, %get3A_639] {strides = array<i32>} : memref<8x2048xi32, #tpu.memory_space<vmem>>, vector<1x16xi32>,
        %get3A_641 = vector.shape_cast %get3A_640 : vector<1x16xi32> to vector<16xi32>
        %mul3A_642 = arith.constant 16 : i32
        %mul3A_643 = arith.muli %scan3A_630, %mul3A_642 : i32
        %get3A_644 = arith.constant 0 : i32
        %get3A_645 = arith.constant 0 : i32
        %get3A_646 = arith.constant 0 : i32
        %get3A_647 = tpu.memref_slice %arg9[%scan3A_122, %get3A_645, %get3A_646] : memref<2x8x2048xf32, #tpu.memory_space<vmem>> -> memref<1x8x2048xf32, #tpu.memory_space<vmem>>
        %get3A_648 = tpu.memref_squeeze %get3A_647 : memref<1x8x2048xf32, #tpu.memory_space<vmem>> -> memref<8x2048xf32, #tpu.memory_space<vmem>>
        %get3A_649 = arith.index_cast %get3A_644 : i32 to index
        %get3A_650 = arith.index_cast %mul3A_643 : i32 to index
        %get3A_651 = tpu.vector_load %get3A_648[%get3A_649, %get3A_650] {strides = array<i32>} : memref<8x2048xf32, #tpu.memory_space<vmem>>, vector<1x16xf32>,
        %get3A_652 = vector.shape_cast %get3A_651 : vector<1x16xf32> to vector<16xf32>
        %bitcast_convert_type3A_653 = tpu.bitcast %get3A_652 : vector<16xf32> -> vector<16xi32>
        %mul3A_654 = arith.muli %bitcast_convert_type3A_653, %get3A_641 : vector<16xi32>
        %shift_right_logical3A_655 = arith.constant 23 : i32
        %shift_right_logical3A_656 = vector.broadcast %shift_right_logical3A_655 : i32 to vector<16xi32>
        %shift_right_logical3A_657 = arith.shrui %mul3A_654, %shift_right_logical3A_656 : vector<16xi32>
        %and3A_658 = arith.constant 8388607 : i32
        %and3A_659 = vector.broadcast %and3A_658 : i32 to vector<16xi32>
        %and3A_660 = arith.andi %mul3A_654, %and3A_659 : vector<16xi32>
        %or3A_661 = arith.constant 1065353216 : i32
        %or3A_662 = vector.broadcast %or3A_661 : i32 to vector<16xi32>
        %or3A_663 = arith.ori %and3A_660, %or3A_662 : vector<16xi32>
        %bitcast_convert_type3A_664 = tpu.bitcast %or3A_663 : vector<16xi32> -> vector<16xf32>
        %sub3A_665 = arith.constant 1.000000e+00 : f32
        %sub3A_666 = vector.broadcast %sub3A_665 : f32 to vector<16xf32>
        %sub3A_667 = arith.subf %bitcast_convert_type3A_664, %sub3A_666 : vector<16xf32>
        %mul3A_668 = arith.constant 0.165404588 : f32
        %mul3A_669 = vector.broadcast %mul3A_668 : f32 to vector<16xf32>
        %mul3A_670 = arith.mulf %sub3A_667, %mul3A_669 : vector<16xf32>
        %add3A_671 = arith.constant -5.892300e-01 : f32
        %add3A_672 = vector.broadcast %add3A_671 : f32 to vector<16xf32>
        %add3A_673 = arith.addf %add3A_672, %mul3A_670 : vector<16xf32>
        %mul3A_674 = arith.mulf %sub3A_667, %add3A_673 : vector<16xf32>
        %add3A_675 = arith.constant 1.42459929 : f32
        %add3A_676 = vector.broadcast %add3A_675 : f32 to vector<16xf32>
        %add3A_677 = arith.addf %add3A_676, %mul3A_674 : vector<16xf32>
        %mul3A_678 = arith.mulf %sub3A_667, %add3A_677 : vector<16xf32>
        %sub3A_679 = arith.subi %mul3A_654, %get3A_641 : vector<16xi32>
        %shift_right_logical3A_680 = arith.constant 31 : i32
        %shift_right_logical3A_681 = vector.broadcast %shift_right_logical3A_680 : i32 to vector<16xi32>
        %shift_right_logical3A_682 = arith.shrui %sub3A_679, %shift_right_logical3A_681 : vector<16xi32>
        %add3A_683 = arith.addf %add3A_625, %mul3A_678 : vector<16xf32>
        %add3A_684 = arith.addi %add3A_626, %shift_right_logical3A_657 : vector<16xi32>
        %add3A_685 = arith.addi %add3A_627, %get3A_641 : vector<16xi32>
        %add3A_686 = arith.addi %add3A_628, %shift_right_logical3A_682 : vector<16xi32>
        %mul3A_687 = arith.constant 16 : i32
        %mul3A_688 = arith.muli %scan3A_630, %mul3A_687 : i32
        %get3A_689 = arith.constant 1 : i32
        %get3A_690 = arith.constant 0 : i32
        %get3A_691 = arith.constant 0 : i32
        %get3A_692 = tpu.memref_slice %arg8[%scan3A_121, %get3A_690, %get3A_691] : memref<2x8x2048xi32, #tpu.memory_space<vmem>> -> memref<1x8x2048xi32, #tpu.memory_space<vmem>>
        %get3A_693 = tpu.memref_squeeze %get3A_692 : memref<1x8x2048xi32, #tpu.memory_space<vmem>> -> memref<8x2048xi32, #tpu.memory_space<vmem>>
        %get3A_694 = arith.index_cast %get3A_689 : i32 to index
        %get3A_695 = arith.index_cast %mul3A_688 : i32 to index
        %get3A_696 = tpu.vector_load %get3A_693[%get3A_694, %get3A_695] {strides = array<i32>} : memref<8x2048xi32, #tpu.memory_space<vmem>>, vector<1x16xi32>,
        %get3A_697 = vector.shape_cast %get3A_696 : vector<1x16xi32> to vector<16xi32>
        %mul3A_698 = arith.constant 16 : i32
        %mul3A_699 = arith.muli %scan3A_630, %mul3A_698 : i32
        %get3A_700 = arith.constant 1 : i32
        %get3A_701 = arith.constant 0 : i32
        %get3A_702 = arith.constant 0 : i32
        %get3A_703 = tpu.memref_slice %arg9[%scan3A_122, %get3A_701, %get3A_702] : memref<2x8x2048xf32, #tpu.memory_space<vmem>> -> memref<1x8x2048xf32, #tpu.memory_space<vmem>>
        %get3A_704 = tpu.memref_squeeze %get3A_703 : memref<1x8x2048xf32, #tpu.memory_space<vmem>> -> memref<8x2048xf32, #tpu.memory_space<vmem>>
        %get3A_705 = arith.index_cast %get3A_700 : i32 to index
        %get3A_706 = arith.index_cast %mul3A_699 : i32 to index
        %get3A_707 = tpu.vector_load %get3A_704[%get3A_705, %get3A_706] {strides = array<i32>} : memref<8x2048xf32, #tpu.memory_space<vmem>>, vector<1x16xf32>,
        %get3A_708 = vector.shape_cast %get3A_707 : vector<1x16xf32> to vector<16xf32>
        %bitcast_convert_type3A_709 = tpu.bitcast %get3A_708 : vector<16xf32> -> vector<16xi32>
        %mul3A_710 = arith.muli %bitcast_convert_type3A_709, %get3A_697 : vector<16xi32>
        %shift_right_logical3A_711 = arith.constant 23 : i32
        %shift_right_logical3A_712 = vector.broadcast %shift_right_logical3A_711 : i32 to vector<16xi32>
        %shift_right_logical3A_713 = arith.shrui %mul3A_710, %shift_right_logical3A_712 : vector<16xi32>
        %and3A_714 = arith.constant 8388607 : i32
        %and3A_715 = vector.broadcast %and3A_714 : i32 to vector<16xi32>
        %and3A_716 = arith.andi %mul3A_710, %and3A_715 : vector<16xi32>
        %or3A_717 = arith.constant 1065353216 : i32
        %or3A_718 = vector.broadcast %or3A_717 : i32 to vector<16xi32>
        %or3A_719 = arith.ori %and3A_716, %or3A_718 : vector<16xi32>
        %bitcast_convert_type3A_720 = tpu.bitcast %or3A_719 : vector<16xi32> -> vector<16xf32>
        %sub3A_721 = arith.constant 1.000000e+00 : f32
        %sub3A_722 = vector.broadcast %sub3A_721 : f32 to vector<16xf32>
        %sub3A_723 = arith.subf %bitcast_convert_type3A_720, %sub3A_722 : vector<16xf32>
        %mul3A_724 = arith.constant 0.165404588 : f32
        %mul3A_725 = vector.broadcast %mul3A_724 : f32 to vector<16xf32>
        %mul3A_726 = arith.mulf %sub3A_723, %mul3A_725 : vector<16xf32>
        %add3A_727 = arith.constant -5.892300e-01 : f32
        %add3A_728 = vector.broadcast %add3A_727 : f32 to vector<16xf32>
        %add3A_729 = arith.addf %add3A_728, %mul3A_726 : vector<16xf32>
        %mul3A_730 = arith.mulf %sub3A_723, %add3A_729 : vector<16xf32>
        %add3A_731 = arith.constant 1.42459929 : f32
        %add3A_732 = vector.broadcast %add3A_731 : f32 to vector<16xf32>
        %add3A_733 = arith.addf %add3A_732, %mul3A_730 : vector<16xf32>
        %mul3A_734 = arith.mulf %sub3A_723, %add3A_733 : vector<16xf32>
        %sub3A_735 = arith.subi %mul3A_710, %get3A_697 : vector<16xi32>
        %shift_right_logical3A_736 = arith.constant 31 : i32
        %shift_right_logical3A_737 = vector.broadcast %shift_right_logical3A_736 : i32 to vector<16xi32>
        %shift_right_logical3A_738 = arith.shrui %sub3A_735, %shift_right_logical3A_737 : vector<16xi32>
        %add3A_739 = arith.addf %add3A_683, %mul3A_734 : vector<16xf32>
        %add3A_740 = arith.addi %add3A_684, %shift_right_logical3A_713 : vector<16xi32>
        %add3A_741 = arith.addi %add3A_685, %get3A_697 : vector<16xi32>
        %add3A_742 = arith.addi %add3A_686, %shift_right_logical3A_738 : vector<16xi32>
        %mul3A_743 = arith.constant 16 : i32
        %mul3A_744 = arith.muli %scan3A_630, %mul3A_743 : i32
        %get3A_745 = arith.constant 2 : i32
        %get3A_746 = arith.constant 0 : i32
        %get3A_747 = arith.constant 0 : i32
        %get3A_748 = tpu.memref_slice %arg8[%scan3A_121, %get3A_746, %get3A_747] : memref<2x8x2048xi32, #tpu.memory_space<vmem>> -> memref<1x8x2048xi32, #tpu.memory_space<vmem>>
        %get3A_749 = tpu.memref_squeeze %get3A_748 : memref<1x8x2048xi32, #tpu.memory_space<vmem>> -> memref<8x2048xi32, #tpu.memory_space<vmem>>
        %get3A_750 = arith.index_cast %get3A_745 : i32 to index
        %get3A_751 = arith.index_cast %mul3A_744 : i32 to index
        %get3A_752 = tpu.vector_load %get3A_749[%get3A_750, %get3A_751] {strides = array<i32>} : memref<8x2048xi32, #tpu.memory_space<vmem>>, vector<1x16xi32>,
        %get3A_753 = vector.shape_cast %get3A_752 : vector<1x16xi32> to vector<16xi32>
        %mul3A_754 = arith.constant 16 : i32
        %mul3A_755 = arith.muli %scan3A_630, %mul3A_754 : i32
        %get3A_756 = arith.constant 2 : i32
        %get3A_757 = arith.constant 0 : i32
        %get3A_758 = arith.constant 0 : i32
        %get3A_759 = tpu.memref_slice %arg9[%scan3A_122, %get3A_757, %get3A_758] : memref<2x8x2048xf32, #tpu.memory_space<vmem>> -> memref<1x8x2048xf32, #tpu.memory_space<vmem>>
        %get3A_760 = tpu.memref_squeeze %get3A_759 : memref<1x8x2048xf32, #tpu.memory_space<vmem>> -> memref<8x2048xf32, #tpu.memory_space<vmem>>
        %get3A_761 = arith.index_cast %get3A_756 : i32 to index
        %get3A_762 = arith.index_cast %mul3A_755 : i32 to index
        %get3A_763 = tpu.vector_load %get3A_760[%get3A_761, %get3A_762] {strides = array<i32>} : memref<8x2048xf32, #tpu.memory_space<vmem>>, vector<1x16xf32>,
        %get3A_764 = vector.shape_cast %get3A_763 : vector<1x16xf32> to vector<16xf32>
        %bitcast_convert_type3A_765 = tpu.bitcast %get3A_764 : vector<16xf32> -> vector<16xi32>
        %mul3A_766 = arith.muli %bitcast_convert_type3A_765, %get3A_753 : vector<16xi32>
        %shift_right_logical3A_767 = arith.constant 23 : i32
        %shift_right_logical3A_768 = vector.broadcast %shift_right_logical3A_767 : i32 to vector<16xi32>
        %shift_right_logical3A_769 = arith.shrui %mul3A_766, %shift_right_logical3A_768 : vector<16xi32>
        %and3A_770 = arith.constant 8388607 : i32
        %and3A_771 = vector.broadcast %and3A_770 : i32 to vector<16xi32>
        %and3A_772 = arith.andi %mul3A_766, %and3A_771 : vector<16xi32>
        %or3A_773 = arith.constant 1065353216 : i32
        %or3A_774 = vector.broadcast %or3A_773 : i32 to vector<16xi32>
        %or3A_775 = arith.ori %and3A_772, %or3A_774 : vector<16xi32>
        %bitcast_convert_type3A_776 = tpu.bitcast %or3A_775 : vector<16xi32> -> vector<16xf32>
        %sub3A_777 = arith.constant 1.000000e+00 : f32
        %sub3A_778 = vector.broadcast %sub3A_777 : f32 to vector<16xf32>
        %sub3A_779 = arith.subf %bitcast_convert_type3A_776, %sub3A_778 : vector<16xf32>
        %mul3A_780 = arith.constant 0.165404588 : f32
        %mul3A_781 = vector.broadcast %mul3A_780 : f32 to vector<16xf32>
        %mul3A_782 = arith.mulf %sub3A_779, %mul3A_781 : vector<16xf32>
        %add3A_783 = arith.constant -5.892300e-01 : f32
        %add3A_784 = vector.broadcast %add3A_783 : f32 to vector<16xf32>
        %add3A_785 = arith.addf %add3A_784, %mul3A_782 : vector<16xf32>
        %mul3A_786 = arith.mulf %sub3A_779, %add3A_785 : vector<16xf32>
        %add3A_787 = arith.constant 1.42459929 : f32
        %add3A_788 = vector.broadcast %add3A_787 : f32 to vector<16xf32>
        %add3A_789 = arith.addf %add3A_788, %mul3A_786 : vector<16xf32>
        %mul3A_790 = arith.mulf %sub3A_779, %add3A_789 : vector<16xf32>
        %sub3A_791 = arith.subi %mul3A_766, %get3A_753 : vector<16xi32>
        %shift_right_logical3A_792 = arith.constant 31 : i32
        %shift_right_logical3A_793 = vector.broadcast %shift_right_logical3A_792 : i32 to vector<16xi32>
        %shift_right_logical3A_794 = arith.shrui %sub3A_791, %shift_right_logical3A_793 : vector<16xi32>
        %add3A_795 = arith.addf %add3A_739, %mul3A_790 : vector<16xf32>
        %add3A_796 = arith.addi %add3A_740, %shift_right_logical3A_769 : vector<16xi32>
        %add3A_797 = arith.addi %add3A_741, %get3A_753 : vector<16xi32>
        %add3A_798 = arith.addi %add3A_742, %shift_right_logical3A_794 : vector<16xi32>
        %mul3A_799 = arith.constant 16 : i32
        %mul3A_800 = arith.muli %scan3A_630, %mul3A_799 : i32
        %get3A_801 = arith.constant 3 : i32
        %get3A_802 = arith.constant 0 : i32
        %get3A_803 = arith.constant 0 : i32
        %get3A_804 = tpu.memref_slice %arg8[%scan3A_121, %get3A_802, %get3A_803] : memref<2x8x2048xi32, #tpu.memory_space<vmem>> -> memref<1x8x2048xi32, #tpu.memory_space<vmem>>
        %get3A_805 = tpu.memref_squeeze %get3A_804 : memref<1x8x2048xi32, #tpu.memory_space<vmem>> -> memref<8x2048xi32, #tpu.memory_space<vmem>>
        %get3A_806 = arith.index_cast %get3A_801 : i32 to index
        %get3A_807 = arith.index_cast %mul3A_800 : i32 to index
        %get3A_808 = tpu.vector_load %get3A_805[%get3A_806, %get3A_807] {strides = array<i32>} : memref<8x2048xi32, #tpu.memory_space<vmem>>, vector<1x16xi32>,
        %get3A_809 = vector.shape_cast %get3A_808 : vector<1x16xi32> to vector<16xi32>
        %mul3A_810 = arith.constant 16 : i32
        %mul3A_811 = arith.muli %scan3A_630, %mul3A_810 : i32
        %get3A_812 = arith.constant 3 : i32
        %get3A_813 = arith.constant 0 : i32
        %get3A_814 = arith.constant 0 : i32
        %get3A_815 = tpu.memref_slice %arg9[%scan3A_122, %get3A_813, %get3A_814] : memref<2x8x2048xf32, #tpu.memory_space<vmem>> -> memref<1x8x2048xf32, #tpu.memory_space<vmem>>
        %get3A_816 = tpu.memref_squeeze %get3A_815 : memref<1x8x2048xf32, #tpu.memory_space<vmem>> -> memref<8x2048xf32, #tpu.memory_space<vmem>>
        %get3A_817 = arith.index_cast %get3A_812 : i32 to index
        %get3A_818 = arith.index_cast %mul3A_811 : i32 to index
        %get3A_819 = tpu.vector_load %get3A_816[%get3A_817, %get3A_818] {strides = array<i32>} : memref<8x2048xf32, #tpu.memory_space<vmem>>, vector<1x16xf32>,
        %get3A_820 = vector.shape_cast %get3A_819 : vector<1x16xf32> to vector<16xf32>
        %bitcast_convert_type3A_821 = tpu.bitcast %get3A_820 : vector<16xf32> -> vector<16xi32>
        %mul3A_822 = arith.muli %bitcast_convert_type3A_821, %get3A_809 : vector<16xi32>
        %shift_right_logical3A_823 = arith.constant 23 : i32
        %shift_right_logical3A_824 = vector.broadcast %shift_right_logical3A_823 : i32 to vector<16xi32>
        %shift_right_logical3A_825 = arith.shrui %mul3A_822, %shift_right_logical3A_824 : vector<16xi32>
        %and3A_826 = arith.constant 8388607 : i32
        %and3A_827 = vector.broadcast %and3A_826 : i32 to vector<16xi32>
        %and3A_828 = arith.andi %mul3A_822, %and3A_827 : vector<16xi32>
        %or3A_829 = arith.constant 1065353216 : i32
        %or3A_830 = vector.broadcast %or3A_829 : i32 to vector<16xi32>
        %or3A_831 = arith.ori %and3A_828, %or3A_830 : vector<16xi32>
        %bitcast_convert_type3A_832 = tpu.bitcast %or3A_831 : vector<16xi32> -> vector<16xf32>
        %sub3A_833 = arith.constant 1.000000e+00 : f32
        %sub3A_834 = vector.broadcast %sub3A_833 : f32 to vector<16xf32>
        %sub3A_835 = arith.subf %bitcast_convert_type3A_832, %sub3A_834 : vector<16xf32>
        %mul3A_836 = arith.constant 0.165404588 : f32
        %mul3A_837 = vector.broadcast %mul3A_836 : f32 to vector<16xf32>
        %mul3A_838 = arith.mulf %sub3A_835, %mul3A_837 : vector<16xf32>
        %add3A_839 = arith.constant -5.892300e-01 : f32
        %add3A_840 = vector.broadcast %add3A_839 : f32 to vector<16xf32>
        %add3A_841 = arith.addf %add3A_840, %mul3A_838 : vector<16xf32>
        %mul3A_842 = arith.mulf %sub3A_835, %add3A_841 : vector<16xf32>
        %add3A_843 = arith.constant 1.42459929 : f32
        %add3A_844 = vector.broadcast %add3A_843 : f32 to vector<16xf32>
        %add3A_845 = arith.addf %add3A_844, %mul3A_842 : vector<16xf32>
        %mul3A_846 = arith.mulf %sub3A_835, %add3A_845 : vector<16xf32>
        %sub3A_847 = arith.subi %mul3A_822, %get3A_809 : vector<16xi32>
        %shift_right_logical3A_848 = arith.constant 31 : i32
        %shift_right_logical3A_849 = vector.broadcast %shift_right_logical3A_848 : i32 to vector<16xi32>
        %shift_right_logical3A_850 = arith.shrui %sub3A_847, %shift_right_logical3A_849 : vector<16xi32>
        %add3A_851 = arith.addf %add3A_795, %mul3A_846 : vector<16xf32>
        %add3A_852 = arith.addi %add3A_796, %shift_right_logical3A_825 : vector<16xi32>
        %add3A_853 = arith.addi %add3A_797, %get3A_809 : vector<16xi32>
        %add3A_854 = arith.addi %add3A_798, %shift_right_logical3A_850 : vector<16xi32>
        %mul3A_855 = arith.constant 16 : i32
        %mul3A_856 = arith.muli %scan3A_630, %mul3A_855 : i32
        %get3A_857 = arith.constant 4 : i32
        %get3A_858 = arith.constant 0 : i32
        %get3A_859 = arith.constant 0 : i32
        %get3A_860 = tpu.memref_slice %arg8[%scan3A_121, %get3A_858, %get3A_859] : memref<2x8x2048xi32, #tpu.memory_space<vmem>> -> memref<1x8x2048xi32, #tpu.memory_space<vmem>>
        %get3A_861 = tpu.memref_squeeze %get3A_860 : memref<1x8x2048xi32, #tpu.memory_space<vmem>> -> memref<8x2048xi32, #tpu.memory_space<vmem>>
        %get3A_862 = arith.index_cast %get3A_857 : i32 to index
        %get3A_863 = arith.index_cast %mul3A_856 : i32 to index
        %get3A_864 = tpu.vector_load %get3A_861[%get3A_862, %get3A_863] {strides = array<i32>} : memref<8x2048xi32, #tpu.memory_space<vmem>>, vector<1x16xi32>,
        %get3A_865 = vector.shape_cast %get3A_864 : vector<1x16xi32> to vector<16xi32>
        %mul3A_866 = arith.constant 16 : i32
        %mul3A_867 = arith.muli %scan3A_630, %mul3A_866 : i32
        %get3A_868 = arith.constant 4 : i32
        %get3A_869 = arith.constant 0 : i32
        %get3A_870 = arith.constant 0 : i32
        %get3A_871 = tpu.memref_slice %arg9[%scan3A_122, %get3A_869, %get3A_870] : memref<2x8x2048xf32, #tpu.memory_space<vmem>> -> memref<1x8x2048xf32, #tpu.memory_space<vmem>>
        %get3A_872 = tpu.memref_squeeze %get3A_871 : memref<1x8x2048xf32, #tpu.memory_space<vmem>> -> memref<8x2048xf32, #tpu.memory_space<vmem>>
        %get3A_873 = arith.index_cast %get3A_868 : i32 to index
        %get3A_874 = arith.index_cast %mul3A_867 : i32 to index
        %get3A_875 = tpu.vector_load %get3A_872[%get3A_873, %get3A_874] {strides = array<i32>} : memref<8x2048xf32, #tpu.memory_space<vmem>>, vector<1x16xf32>,
        %get3A_876 = vector.shape_cast %get3A_875 : vector<1x16xf32> to vector<16xf32>
        %bitcast_convert_type3A_877 = tpu.bitcast %get3A_876 : vector<16xf32> -> vector<16xi32>
        %mul3A_878 = arith.muli %bitcast_convert_type3A_877, %get3A_865 : vector<16xi32>
        %shift_right_logical3A_879 = arith.constant 23 : i32
        %shift_right_logical3A_880 = vector.broadcast %shift_right_logical3A_879 : i32 to vector<16xi32>
        %shift_right_logical3A_881 = arith.shrui %mul3A_878, %shift_right_logical3A_880 : vector<16xi32>
        %and3A_882 = arith.constant 8388607 : i32
        %and3A_883 = vector.broadcast %and3A_882 : i32 to vector<16xi32>
        %and3A_884 = arith.andi %mul3A_878, %and3A_883 : vector<16xi32>
        %or3A_885 = arith.constant 1065353216 : i32
        %or3A_886 = vector.broadcast %or3A_885 : i32 to vector<16xi32>
        %or3A_887 = arith.ori %and3A_884, %or3A_886 : vector<16xi32>
        %bitcast_convert_type3A_888 = tpu.bitcast %or3A_887 : vector<16xi32> -> vector<16xf32>
        %sub3A_889 = arith.constant 1.000000e+00 : f32
        %sub3A_890 = vector.broadcast %sub3A_889 : f32 to vector<16xf32>
        %sub3A_891 = arith.subf %bitcast_convert_type3A_888, %sub3A_890 : vector<16xf32>
        %mul3A_892 = arith.constant 0.165404588 : f32
        %mul3A_893 = vector.broadcast %mul3A_892 : f32 to vector<16xf32>
        %mul3A_894 = arith.mulf %sub3A_891, %mul3A_893 : vector<16xf32>
        %add3A_895 = arith.constant -5.892300e-01 : f32
        %add3A_896 = vector.broadcast %add3A_895 : f32 to vector<16xf32>
        %add3A_897 = arith.addf %add3A_896, %mul3A_894 : vector<16xf32>
        %mul3A_898 = arith.mulf %sub3A_891, %add3A_897 : vector<16xf32>
        %add3A_899 = arith.constant 1.42459929 : f32
        %add3A_900 = vector.broadcast %add3A_899 : f32 to vector<16xf32>
        %add3A_901 = arith.addf %add3A_900, %mul3A_898 : vector<16xf32>
        %mul3A_902 = arith.mulf %sub3A_891, %add3A_901 : vector<16xf32>
        %sub3A_903 = arith.subi %mul3A_878, %get3A_865 : vector<16xi32>
        %shift_right_logical3A_904 = arith.constant 31 : i32
        %shift_right_logical3A_905 = vector.broadcast %shift_right_logical3A_904 : i32 to vector<16xi32>
        %shift_right_logical3A_906 = arith.shrui %sub3A_903, %shift_right_logical3A_905 : vector<16xi32>
        %add3A_907 = arith.addf %add3A_851, %mul3A_902 : vector<16xf32>
        %add3A_908 = arith.addi %add3A_852, %shift_right_logical3A_881 : vector<16xi32>
        %add3A_909 = arith.addi %add3A_853, %get3A_865 : vector<16xi32>
        %add3A_910 = arith.addi %add3A_854, %shift_right_logical3A_906 : vector<16xi32>
        %mul3A_911 = arith.constant 16 : i32
        %mul3A_912 = arith.muli %scan3A_630, %mul3A_911 : i32
        %get3A_913 = arith.constant 5 : i32
        %get3A_914 = arith.constant 0 : i32
        %get3A_915 = arith.constant 0 : i32
        %get3A_916 = tpu.memref_slice %arg8[%scan3A_121, %get3A_914, %get3A_915] : memref<2x8x2048xi32, #tpu.memory_space<vmem>> -> memref<1x8x2048xi32, #tpu.memory_space<vmem>>
        %get3A_917 = tpu.memref_squeeze %get3A_916 : memref<1x8x2048xi32, #tpu.memory_space<vmem>> -> memref<8x2048xi32, #tpu.memory_space<vmem>>
        %get3A_918 = arith.index_cast %get3A_913 : i32 to index
        %get3A_919 = arith.index_cast %mul3A_912 : i32 to index
        %get3A_920 = tpu.vector_load %get3A_917[%get3A_918, %get3A_919] {strides = array<i32>} : memref<8x2048xi32, #tpu.memory_space<vmem>>, vector<1x16xi32>,
        %get3A_921 = vector.shape_cast %get3A_920 : vector<1x16xi32> to vector<16xi32>
        %mul3A_922 = arith.constant 16 : i32
        %mul3A_923 = arith.muli %scan3A_630, %mul3A_922 : i32
        %get3A_924 = arith.constant 5 : i32
        %get3A_925 = arith.constant 0 : i32
        %get3A_926 = arith.constant 0 : i32
        %get3A_927 = tpu.memref_slice %arg9[%scan3A_122, %get3A_925, %get3A_926] : memref<2x8x2048xf32, #tpu.memory_space<vmem>> -> memref<1x8x2048xf32, #tpu.memory_space<vmem>>
        %get3A_928 = tpu.memref_squeeze %get3A_927 : memref<1x8x2048xf32, #tpu.memory_space<vmem>> -> memref<8x2048xf32, #tpu.memory_space<vmem>>
        %get3A_929 = arith.index_cast %get3A_924 : i32 to index
        %get3A_930 = arith.index_cast %mul3A_923 : i32 to index
        %get3A_931 = tpu.vector_load %get3A_928[%get3A_929, %get3A_930] {strides = array<i32>} : memref<8x2048xf32, #tpu.memory_space<vmem>>, vector<1x16xf32>,
        %get3A_932 = vector.shape_cast %get3A_931 : vector<1x16xf32> to vector<16xf32>
        %bitcast_convert_type3A_933 = tpu.bitcast %get3A_932 : vector<16xf32> -> vector<16xi32>
        %mul3A_934 = arith.muli %bitcast_convert_type3A_933, %get3A_921 : vector<16xi32>
        %shift_right_logical3A_935 = arith.constant 23 : i32
        %shift_right_logical3A_936 = vector.broadcast %shift_right_logical3A_935 : i32 to vector<16xi32>
        %shift_right_logical3A_937 = arith.shrui %mul3A_934, %shift_right_logical3A_936 : vector<16xi32>
        %and3A_938 = arith.constant 8388607 : i32
        %and3A_939 = vector.broadcast %and3A_938 : i32 to vector<16xi32>
        %and3A_940 = arith.andi %mul3A_934, %and3A_939 : vector<16xi32>
        %or3A_941 = arith.constant 1065353216 : i32
        %or3A_942 = vector.broadcast %or3A_941 : i32 to vector<16xi32>
        %or3A_943 = arith.ori %and3A_940, %or3A_942 : vector<16xi32>
        %bitcast_convert_type3A_944 = tpu.bitcast %or3A_943 : vector<16xi32> -> vector<16xf32>
        %sub3A_945 = arith.constant 1.000000e+00 : f32
        %sub3A_946 = vector.broadcast %sub3A_945 : f32 to vector<16xf32>
        %sub3A_947 = arith.subf %bitcast_convert_type3A_944, %sub3A_946 : vector<16xf32>
        %mul3A_948 = arith.constant 0.165404588 : f32
        %mul3A_949 = vector.broadcast %mul3A_948 : f32 to vector<16xf32>
        %mul3A_950 = arith.mulf %sub3A_947, %mul3A_949 : vector<16xf32>
        %add3A_951 = arith.constant -5.892300e-01 : f32
        %add3A_952 = vector.broadcast %add3A_951 : f32 to vector<16xf32>
        %add3A_953 = arith.addf %add3A_952, %mul3A_950 : vector<16xf32>
        %mul3A_954 = arith.mulf %sub3A_947, %add3A_953 : vector<16xf32>
        %add3A_955 = arith.constant 1.42459929 : f32
        %add3A_956 = vector.broadcast %add3A_955 : f32 to vector<16xf32>
        %add3A_957 = arith.addf %add3A_956, %mul3A_954 : vector<16xf32>
        %mul3A_958 = arith.mulf %sub3A_947, %add3A_957 : vector<16xf32>
        %sub3A_959 = arith.subi %mul3A_934, %get3A_921 : vector<16xi32>
        %shift_right_logical3A_960 = arith.constant 31 : i32
        %shift_right_logical3A_961 = vector.broadcast %shift_right_logical3A_960 : i32 to vector<16xi32>
        %shift_right_logical3A_962 = arith.shrui %sub3A_959, %shift_right_logical3A_961 : vector<16xi32>
        %add3A_963 = arith.addf %add3A_907, %mul3A_958 : vector<16xf32>
        %add3A_964 = arith.addi %add3A_908, %shift_right_logical3A_937 : vector<16xi32>
        %add3A_965 = arith.addi %add3A_909, %get3A_921 : vector<16xi32>
        %add3A_966 = arith.addi %add3A_910, %shift_right_logical3A_962 : vector<16xi32>
        %mul3A_967 = arith.constant 16 : i32
        %mul3A_968 = arith.muli %scan3A_630, %mul3A_967 : i32
        %get3A_969 = arith.constant 6 : i32
        %get3A_970 = arith.constant 0 : i32
        %get3A_971 = arith.constant 0 : i32
        %get3A_972 = tpu.memref_slice %arg8[%scan3A_121, %get3A_970, %get3A_971] : memref<2x8x2048xi32, #tpu.memory_space<vmem>> -> memref<1x8x2048xi32, #tpu.memory_space<vmem>>
        %get3A_973 = tpu.memref_squeeze %get3A_972 : memref<1x8x2048xi32, #tpu.memory_space<vmem>> -> memref<8x2048xi32, #tpu.memory_space<vmem>>
        %get3A_974 = arith.index_cast %get3A_969 : i32 to index
        %get3A_975 = arith.index_cast %mul3A_968 : i32 to index
        %get3A_976 = tpu.vector_load %get3A_973[%get3A_974, %get3A_975] {strides = array<i32>} : memref<8x2048xi32, #tpu.memory_space<vmem>>, vector<1x16xi32>,
        %get3A_977 = vector.shape_cast %get3A_976 : vector<1x16xi32> to vector<16xi32>
        %mul3A_978 = arith.constant 16 : i32
        %mul3A_979 = arith.muli %scan3A_630, %mul3A_978 : i32
        %get3A_980 = arith.constant 6 : i32
        %get3A_981 = arith.constant 0 : i32
        %get3A_982 = arith.constant 0 : i32
        %get3A_983 = tpu.memref_slice %arg9[%scan3A_122, %get3A_981, %get3A_982] : memref<2x8x2048xf32, #tpu.memory_space<vmem>> -> memref<1x8x2048xf32, #tpu.memory_space<vmem>>
        %get3A_984 = tpu.memref_squeeze %get3A_983 : memref<1x8x2048xf32, #tpu.memory_space<vmem>> -> memref<8x2048xf32, #tpu.memory_space<vmem>>
        %get3A_985 = arith.index_cast %get3A_980 : i32 to index
        %get3A_986 = arith.index_cast %mul3A_979 : i32 to index
        %get3A_987 = tpu.vector_load %get3A_984[%get3A_985, %get3A_986] {strides = array<i32>} : memref<8x2048xf32, #tpu.memory_space<vmem>>, vector<1x16xf32>,
        %get3A_988 = vector.shape_cast %get3A_987 : vector<1x16xf32> to vector<16xf32>
        %bitcast_convert_type3A_989 = tpu.bitcast %get3A_988 : vector<16xf32> -> vector<16xi32>
        %mul3A_990 = arith.muli %bitcast_convert_type3A_989, %get3A_977 : vector<16xi32>
        %shift_right_logical3A_991 = arith.constant 23 : i32
        %shift_right_logical3A_992 = vector.broadcast %shift_right_logical3A_991 : i32 to vector<16xi32>
        %shift_right_logical3A_993 = arith.shrui %mul3A_990, %shift_right_logical3A_992 : vector<16xi32>
        %and3A_994 = arith.constant 8388607 : i32
        %and3A_995 = vector.broadcast %and3A_994 : i32 to vector<16xi32>
        %and3A_996 = arith.andi %mul3A_990, %and3A_995 : vector<16xi32>
        %or3A_997 = arith.constant 1065353216 : i32
        %or3A_998 = vector.broadcast %or3A_997 : i32 to vector<16xi32>
        %or3A_999 = arith.ori %and3A_996, %or3A_998 : vector<16xi32>
        %bitcast_convert_type3A_1000 = tpu.bitcast %or3A_999 : vector<16xi32> -> vector<16xf32>
        %sub3A_1001 = arith.constant 1.000000e+00 : f32
        %sub3A_1002 = vector.broadcast %sub3A_1001 : f32 to vector<16xf32>
        %sub3A_1003 = arith.subf %bitcast_convert_type3A_1000, %sub3A_1002 : vector<16xf32>
        %mul3A_1004 = arith.constant 0.165404588 : f32
        %mul3A_1005 = vector.broadcast %mul3A_1004 : f32 to vector<16xf32>
        %mul3A_1006 = arith.mulf %sub3A_1003, %mul3A_1005 : vector<16xf32>
        %add3A_1007 = arith.constant -5.892300e-01 : f32
        %add3A_1008 = vector.broadcast %add3A_1007 : f32 to vector<16xf32>
        %add3A_1009 = arith.addf %add3A_1008, %mul3A_1006 : vector<16xf32>
        %mul3A_1010 = arith.mulf %sub3A_1003, %add3A_1009 : vector<16xf32>
        %add3A_1011 = arith.constant 1.42459929 : f32
        %add3A_1012 = vector.broadcast %add3A_1011 : f32 to vector<16xf32>
        %add3A_1013 = arith.addf %add3A_1012, %mul3A_1010 : vector<16xf32>
        %mul3A_1014 = arith.mulf %sub3A_1003, %add3A_1013 : vector<16xf32>
        %sub3A_1015 = arith.subi %mul3A_990, %get3A_977 : vector<16xi32>
        %shift_right_logical3A_1016 = arith.constant 31 : i32
        %shift_right_logical3A_1017 = vector.broadcast %shift_right_logical3A_1016 : i32 to vector<16xi32>
        %shift_right_logical3A_1018 = arith.shrui %sub3A_1015, %shift_right_logical3A_1017 : vector<16xi32>
        %add3A_1019 = arith.addf %add3A_963, %mul3A_1014 : vector<16xf32>
        %add3A_1020 = arith.addi %add3A_964, %shift_right_logical3A_993 : vector<16xi32>
        %add3A_1021 = arith.addi %add3A_965, %get3A_977 : vector<16xi32>
        %add3A_1022 = arith.addi %add3A_966, %shift_right_logical3A_1018 : vector<16xi32>
        %mul3A_1023 = arith.constant 16 : i32
        %mul3A_1024 = arith.muli %scan3A_630, %mul3A_1023 : i32
        %get3A_1025 = arith.constant 7 : i32
        %get3A_1026 = arith.constant 0 : i32
        %get3A_1027 = arith.constant 0 : i32
        %get3A_1028 = tpu.memref_slice %arg8[%scan3A_121, %get3A_1026, %get3A_1027] : memref<2x8x2048xi32, #tpu.memory_space<vmem>> -> memref<1x8x2048xi32, #tpu.memory_space<vmem>>
        %get3A_1029 = tpu.memref_squeeze %get3A_1028 : memref<1x8x2048xi32, #tpu.memory_space<vmem>> -> memref<8x2048xi32, #tpu.memory_space<vmem>>
        %get3A_1030 = arith.index_cast %get3A_1025 : i32 to index
        %get3A_1031 = arith.index_cast %mul3A_1024 : i32 to index
        %get3A_1032 = tpu.vector_load %get3A_1029[%get3A_1030, %get3A_1031] {strides = array<i32>} : memref<8x2048xi32, #tpu.memory_space<vmem>>, vector<1x16xi32>,
        %get3A_1033 = vector.shape_cast %get3A_1032 : vector<1x16xi32> to vector<16xi32>
        %mul3A_1034 = arith.constant 16 : i32
        %mul3A_1035 = arith.muli %scan3A_630, %mul3A_1034 : i32
        %get3A_1036 = arith.constant 7 : i32
        %get3A_1037 = arith.constant 0 : i32
        %get3A_1038 = arith.constant 0 : i32
        %get3A_1039 = tpu.memref_slice %arg9[%scan3A_122, %get3A_1037, %get3A_1038] : memref<2x8x2048xf32, #tpu.memory_space<vmem>> -> memref<1x8x2048xf32, #tpu.memory_space<vmem>>
        %get3A_1040 = tpu.memref_squeeze %get3A_1039 : memref<1x8x2048xf32, #tpu.memory_space<vmem>> -> memref<8x2048xf32, #tpu.memory_space<vmem>>
        %get3A_1041 = arith.index_cast %get3A_1036 : i32 to index
        %get3A_1042 = arith.index_cast %mul3A_1035 : i32 to index
        %get3A_1043 = tpu.vector_load %get3A_1040[%get3A_1041, %get3A_1042] {strides = array<i32>} : memref<8x2048xf32, #tpu.memory_space<vmem>>, vector<1x16xf32>,
        %get3A_1044 = vector.shape_cast %get3A_1043 : vector<1x16xf32> to vector<16xf32>
        %bitcast_convert_type3A_1045 = tpu.bitcast %get3A_1044 : vector<16xf32> -> vector<16xi32>
        %mul3A_1046 = arith.muli %bitcast_convert_type3A_1045, %get3A_1033 : vector<16xi32>
        %shift_right_logical3A_1047 = arith.constant 23 : i32
        %shift_right_logical3A_1048 = vector.broadcast %shift_right_logical3A_1047 : i32 to vector<16xi32>
        %shift_right_logical3A_1049 = arith.shrui %mul3A_1046, %shift_right_logical3A_1048 : vector<16xi32>
        %and3A_1050 = arith.constant 8388607 : i32
        %and3A_1051 = vector.broadcast %and3A_1050 : i32 to vector<16xi32>
        %and3A_1052 = arith.andi %mul3A_1046, %and3A_1051 : vector<16xi32>
        %or3A_1053 = arith.constant 1065353216 : i32
        %or3A_1054 = vector.broadcast %or3A_1053 : i32 to vector<16xi32>
        %or3A_1055 = arith.ori %and3A_1052, %or3A_1054 : vector<16xi32>
        %bitcast_convert_type3A_1056 = tpu.bitcast %or3A_1055 : vector<16xi32> -> vector<16xf32>
        %sub3A_1057 = arith.constant 1.000000e+00 : f32
        %sub3A_1058 = vector.broadcast %sub3A_1057 : f32 to vector<16xf32>
        %sub3A_1059 = arith.subf %bitcast_convert_type3A_1056, %sub3A_1058 : vector<16xf32>
        %mul3A_1060 = arith.constant 0.165404588 : f32
        %mul3A_1061 = vector.broadcast %mul3A_1060 : f32 to vector<16xf32>
        %mul3A_1062 = arith.mulf %sub3A_1059, %mul3A_1061 : vector<16xf32>
        %add3A_1063 = arith.constant -5.892300e-01 : f32
        %add3A_1064 = vector.broadcast %add3A_1063 : f32 to vector<16xf32>
        %add3A_1065 = arith.addf %add3A_1064, %mul3A_1062 : vector<16xf32>
        %mul3A_1066 = arith.mulf %sub3A_1059, %add3A_1065 : vector<16xf32>
        %add3A_1067 = arith.constant 1.42459929 : f32
        %add3A_1068 = vector.broadcast %add3A_1067 : f32 to vector<16xf32>
        %add3A_1069 = arith.addf %add3A_1068, %mul3A_1066 : vector<16xf32>
        %mul3A_1070 = arith.mulf %sub3A_1059, %add3A_1069 : vector<16xf32>
        %sub3A_1071 = arith.subi %mul3A_1046, %get3A_1033 : vector<16xi32>
        %shift_right_logical3A_1072 = arith.constant 31 : i32
        %shift_right_logical3A_1073 = vector.broadcast %shift_right_logical3A_1072 : i32 to vector<16xi32>
        %shift_right_logical3A_1074 = arith.shrui %sub3A_1071, %shift_right_logical3A_1073 : vector<16xi32>
        %add3A_1075 = arith.addf %add3A_1019, %mul3A_1070 : vector<16xf32>
        %add3A_1076 = arith.addi %add3A_1020, %shift_right_logical3A_1049 : vector<16xi32>
        %add3A_1077 = arith.addi %add3A_1021, %get3A_1033 : vector<16xi32>
        %add3A_1078 = arith.addi %add3A_1022, %shift_right_logical3A_1074 : vector<16xi32>
        scf.yield %add3A_1075, %add3A_1076, %add3A_1077, %add3A_1078 : vector<16xf32>, vector<16xi32>, vector<16xi32>, vector<16xi32>
      }
      %scan3A_128 = arith.constant 128 : i32
      %add3A_129 = arith.constant 2 : i32
      %add3A_130 = arith.addi %add3A_91, %add3A_129 : i32
      %lt3A = arith.constant 8 : i32
      %lt3A_131 = arith.cmpi slt, %add3A_130, %lt3A : i32
      %convert_element_type3A = arith.extui %lt3A_131 : i1 to i32
      %cond3A = arith.constant 0 : i32
      %cond3A_132 = arith.cmpi ne, %convert_element_type3A, %cond3A : i32
      scf.if %cond3A_132 {
        %add3A_182 = arith.constant 2 : i32
        %add3A_183 = arith.addi %add3A_91, %add3A_182 : i32
        %mul3A_184 = arith.constant 8 : i32
        %mul3A_185 = arith.muli %add3A_183, %mul3A_184 : i32
        %add3A_186 = arith.addi %add3A_4, %mul3A_185 : i32
        %dma_start3A_187 = arith.constant 0 : i32
        %dma_start3A_188 = arith.constant 0 : i32
        %dma_start3A_189 = arith.constant 0 : i32
        %dma_start3A_190 = tpu.memref_slice %arg8[%dma_start3A_187, %dma_start3A_188, %dma_start3A_189] : memref<2x8x2048xi32, #tpu.memory_space<vmem>> -> memref<1x8x2048xi32, #tpu.memory_space<vmem>>
        %dma_start3A_191 = tpu.memref_squeeze %dma_start3A_190 : memref<1x8x2048xi32, #tpu.memory_space<vmem>> -> memref<8x2048xi32, #tpu.memory_space<vmem>>
        %dma_start3A_192 = arith.constant 0 : i32
        %dma_start3A_193 = tpu.memref_slice %arg2[%add3A_186, %dma_start3A_192] : memref<8192x2048xi32, #tpu.memory_space<hbm>> -> memref<8x2048xi32, #tpu.memory_space<hbm>>
        %dma_start3A_194 = arith.constant 0 : i32
        %dma_start3A_195 = arith.constant 0 : i32
        %dma_start3A_196 = tpu.memref_slice %arg8[%dma_start3A_187, %dma_start3A_194, %dma_start3A_195] : memref<2x8x2048xi32, #tpu.memory_space<vmem>> -> memref<1x8x2048xi32, #tpu.memory_space<vmem>>
        %dma_start3A_197 = tpu.memref_squeeze %dma_start3A_196 : memref<1x8x2048xi32, #tpu.memory_space<vmem>> -> memref<8x2048xi32, #tpu.memory_space<vmem>>
        %dma_start3A_198 = arith.constant 0 : i32
        %dma_start3A_199 = tpu.memref_slice %arg2[%add3A_186, %dma_start3A_198] : memref<8192x2048xi32, #tpu.memory_space<hbm>> -> memref<8x2048xi32, #tpu.memory_space<hbm>>
        tpu.enqueue_dma source(%dma_start3A_199 : memref<8x2048xi32, #tpu.memory_space<hbm>>) target(%dma_start3A_197 : memref<8x2048xi32, #tpu.memory_space<vmem>>) target_semaphore(%arg14 : memref<!tpu.dma_semaphore, #tpu.memory_space<semaphore_mem>>)
        %dma_start3A_200 = arith.constant 0 : i32
        %dma_start3A_201 = arith.constant 0 : i32
        %dma_start3A_202 = arith.constant 0 : i32
        %dma_start3A_203 = tpu.memref_slice %arg9[%dma_start3A_200, %dma_start3A_201, %dma_start3A_202] : memref<2x8x2048xf32, #tpu.memory_space<vmem>> -> memref<1x8x2048xf32, #tpu.memory_space<vmem>>
        %dma_start3A_204 = tpu.memref_squeeze %dma_start3A_203 : memref<1x8x2048xf32, #tpu.memory_space<vmem>> -> memref<8x2048xf32, #tpu.memory_space<vmem>>
        %dma_start3A_205 = arith.constant 0 : i32
        %dma_start3A_206 = tpu.memref_slice %arg3[%add3A_186, %dma_start3A_205] : memref<8192x2048xf32, #tpu.memory_space<hbm>> -> memref<8x2048xf32, #tpu.memory_space<hbm>>
        %dma_start3A_207 = arith.constant 0 : i32
        %dma_start3A_208 = arith.constant 0 : i32
        %dma_start3A_209 = tpu.memref_slice %arg9[%dma_start3A_200, %dma_start3A_207, %dma_start3A_208] : memref<2x8x2048xf32, #tpu.memory_space<vmem>> -> memref<1x8x2048xf32, #tpu.memory_space<vmem>>
        %dma_start3A_210 = tpu.memref_squeeze %dma_start3A_209 : memref<1x8x2048xf32, #tpu.memory_space<vmem>> -> memref<8x2048xf32, #tpu.memory_space<vmem>>
        %dma_start3A_211 = arith.constant 0 : i32
        %dma_start3A_212 = tpu.memref_slice %arg3[%add3A_186, %dma_start3A_211] : memref<8192x2048xf32, #tpu.memory_space<hbm>> -> memref<8x2048xf32, #tpu.memory_space<hbm>>
        tpu.enqueue_dma source(%dma_start3A_212 : memref<8x2048xf32, #tpu.memory_space<hbm>>) target(%dma_start3A_210 : memref<8x2048xf32, #tpu.memory_space<vmem>>) target_semaphore(%arg14 : memref<!tpu.dma_semaphore, #tpu.memory_space<semaphore_mem>>)
      } else {
      }
      %mul3A_133 = arith.constant 2 : i32
      %mul3A_134 = arith.muli %scan3A_83, %mul3A_133 : i32
      %add3A_135 = arith.constant 1 : i32
      %add3A_136 = arith.addi %mul3A_134, %add3A_135 : i32
      %dma_wait3A_137 = arith.constant 1 : i32
      %dma_wait3A_138 = arith.constant 0 : i32
      %dma_wait3A_139 = arith.constant 0 : i32
      %dma_wait3A_140 = tpu.memref_slice %arg8[%dma_wait3A_137, %dma_wait3A_138, %dma_wait3A_139] : memref<2x8x2048xi32, #tpu.memory_space<vmem>> -> memref<1x8x2048xi32, #tpu.memory_space<vmem>>
      %dma_wait3A_141 = tpu.memref_squeeze %dma_wait3A_140 : memref<1x8x2048xi32, #tpu.memory_space<vmem>> -> memref<8x2048xi32, #tpu.memory_space<vmem>>
      %dma_wait3A_142 = arith.constant 0 : i32
      %dma_wait3A_143 = arith.constant 0 : i32
      %dma_wait3A_144 = tpu.memref_slice %arg2[%dma_wait3A_142, %dma_wait3A_143] : memref<8192x2048xi32, #tpu.memory_space<hbm>> -> memref<8x2048xi32, #tpu.memory_space<hbm>>
      %dma_wait3A_145 = arith.constant 0 : i32
      %dma_wait3A_146 = arith.constant 0 : i32
      %dma_wait3A_147 = tpu.memref_slice %arg8[%dma_wait3A_137, %dma_wait3A_145, %dma_wait3A_146] : memref<2x8x2048xi32, #tpu.memory_space<vmem>> -> memref<1x8x2048xi32, #tpu.memory_space<vmem>>
      %dma_wait3A_148 = tpu.memref_squeeze %dma_wait3A_147 : memref<1x8x2048xi32, #tpu.memory_space<vmem>> -> memref<8x2048xi32, #tpu.memory_space<vmem>>
      %dma_wait3A_149 = arith.constant 0 : i32
      %dma_wait3A_150 = arith.constant 0 : i32
      %dma_wait3A_151 = tpu.memref_slice %arg2[%dma_wait3A_149, %dma_wait3A_150] : memref<8192x2048xi32, #tpu.memory_space<hbm>> -> memref<8x2048xi32, #tpu.memory_space<hbm>>
      tpu.wait_dma2 semaphore(%arg15 : memref<!tpu.dma_semaphore, #tpu.memory_space<semaphore_mem>>) src(%dma_wait3A_151 : memref<8x2048xi32, #tpu.memory_space<hbm>>) dst(%dma_wait3A_148 : memref<8x2048xi32, #tpu.memory_space<vmem>>)
      %dma_wait3A_152 = arith.constant 1 : i32
      %dma_wait3A_153 = arith.constant 0 : i32
      %dma_wait3A_154 = arith.constant 0 : i32
      %dma_wait3A_155 = tpu.memref_slice %arg9[%dma_wait3A_152, %dma_wait3A_153, %dma_wait3A_154] : memref<2x8x2048xf32, #tpu.memory_space<vmem>> -> memref<1x8x2048xf32, #tpu.memory_space<vmem>>
      %dma_wait3A_156 = tpu.memref_squeeze %dma_wait3A_155 : memref<1x8x2048xf32, #tpu.memory_space<vmem>> -> memref<8x2048xf32, #tpu.memory_space<vmem>>
      %dma_wait3A_157 = arith.constant 0 : i32
      %dma_wait3A_158 = arith.constant 0 : i32
      %dma_wait3A_159 = tpu.memref_slice %arg3[%dma_wait3A_157, %dma_wait3A_158] : memref<8192x2048xf32, #tpu.memory_space<hbm>> -> memref<8x2048xf32, #tpu.memory_space<hbm>>
      %dma_wait3A_160 = arith.constant 0 : i32
      %dma_wait3A_161 = arith.constant 0 : i32
      %dma_wait3A_162 = tpu.memref_slice %arg9[%dma_wait3A_152, %dma_wait3A_160, %dma_wait3A_161] : memref<2x8x2048xf32, #tpu.memory_space<vmem>> -> memref<1x8x2048xf32, #tpu.memory_space<vmem>>
      %dma_wait3A_163 = tpu.memref_squeeze %dma_wait3A_162 : memref<1x8x2048xf32, #tpu.memory_space<vmem>> -> memref<8x2048xf32, #tpu.memory_space<vmem>>
      %dma_wait3A_164 = arith.constant 0 : i32
      %dma_wait3A_165 = arith.constant 0 : i32
      %dma_wait3A_166 = tpu.memref_slice %arg3[%dma_wait3A_164, %dma_wait3A_165] : memref<8192x2048xf32, #tpu.memory_space<hbm>> -> memref<8x2048xf32, #tpu.memory_space<hbm>>
      tpu.wait_dma2 semaphore(%arg15 : memref<!tpu.dma_semaphore, #tpu.memory_space<semaphore_mem>>) src(%dma_wait3A_166 : memref<8x2048xf32, #tpu.memory_space<hbm>>) dst(%dma_wait3A_163 : memref<8x2048xf32, #tpu.memory_space<vmem>>)
      %scan3A_167 = arith.constant 1 : i32
      %scan3A_168 = arith.constant 1 : i32
      %scan3A_169 = arith.constant 0 : i32
      %scan3A_170 = arith.constant 128 : i32
      %scan3A_171 = arith.addi %scan3A_169, %scan3A_170 : i32
      %scan3A_172 = arith.constant 2 : i32
      %scan3A_173:4 = scf.for %scan3A_182 = %scan3A_169 to %scan3A_171 step %scan3A_172 iter_args(%scan3A_183 = %scan3A_127#0, %scan3A_184 = %scan3A_127#1, %scan3A_185 = %scan3A_127#2, %scan3A_186 = %scan3A_127#3) -> (vector<16xf32>, vector<16xi32>, vector<16xi32>, vector<16xi32>)  : i32 {
        %mul3A_187 = arith.constant 16 : i32
        %mul3A_188 = arith.muli %scan3A_182, %mul3A_187 : i32
        %get3A = arith.constant 0 : i32
        %get3A_189 = arith.constant 0 : i32
        %get3A_190 = arith.constant 0 : i32
        %get3A_191 = tpu.memref_slice %arg8[%scan3A_167, %get3A_189, %get3A_190] : memref<2x8x2048xi32, #tpu.memory_space<vmem>> -> memref<1x8x2048xi32, #tpu.memory_space<vmem>>
        %get3A_192 = tpu.memref_squeeze %get3A_191 : memref<1x8x2048xi32, #tpu.memory_space<vmem>> -> memref<8x2048xi32, #tpu.memory_space<vmem>>
        %get3A_193 = arith.index_cast %get3A : i32 to index
        %get3A_194 = arith.index_cast %mul3A_188 : i32 to index
        %get3A_195 = tpu.vector_load %get3A_192[%get3A_193, %get3A_194] {strides = array<i32>} : memref<8x2048xi32, #tpu.memory_space<vmem>>, vector<1x16xi32>,
        %get3A_196 = vector.shape_cast %get3A_195 : vector<1x16xi32> to vector<16xi32>
        %mul3A_197 = arith.constant 16 : i32
        %mul3A_198 = arith.muli %scan3A_182, %mul3A_197 : i32
        %get3A_199 = arith.constant 0 : i32
        %get3A_200 = arith.constant 0 : i32
        %get3A_201 = arith.constant 0 : i32
        %get3A_202 = tpu.memref_slice %arg9[%scan3A_168, %get3A_200, %get3A_201] : memref<2x8x2048xf32, #tpu.memory_space<vmem>> -> memref<1x8x2048xf32, #tpu.memory_space<vmem>>
        %get3A_203 = tpu.memref_squeeze %get3A_202 : memref<1x8x2048xf32, #tpu.memory_space<vmem>> -> memref<8x2048xf32, #tpu.memory_space<vmem>>
        %get3A_204 = arith.index_cast %get3A_199 : i32 to index
        %get3A_205 = arith.index_cast %mul3A_198 : i32 to index
        %get3A_206 = tpu.vector_load %get3A_203[%get3A_204, %get3A_205] {strides = array<i32>} : memref<8x2048xf32, #tpu.memory_space<vmem>>, vector<1x16xf32>,
        %get3A_207 = vector.shape_cast %get3A_206 : vector<1x16xf32> to vector<16xf32>
        %bitcast_convert_type3A = tpu.bitcast %get3A_207 : vector<16xf32> -> vector<16xi32>
        %mul3A_208 = arith.muli %bitcast_convert_type3A, %get3A_196 : vector<16xi32>
        %shift_right_logical3A = arith.constant 23 : i32
        %shift_right_logical3A_209 = vector.broadcast %shift_right_logical3A : i32 to vector<16xi32>
        %shift_right_logical3A_210 = arith.shrui %mul3A_208, %shift_right_logical3A_209 : vector<16xi32>
        %and3A = arith.constant 8388607 : i32
        %and3A_211 = vector.broadcast %and3A : i32 to vector<16xi32>
        %and3A_212 = arith.andi %mul3A_208, %and3A_211 : vector<16xi32>
        %or3A = arith.constant 1065353216 : i32
        %or3A_213 = vector.broadcast %or3A : i32 to vector<16xi32>
        %or3A_214 = arith.ori %and3A_212, %or3A_213 : vector<16xi32>
        %bitcast_convert_type3A_215 = tpu.bitcast %or3A_214 : vector<16xi32> -> vector<16xf32>
        %sub3A = arith.constant 1.000000e+00 : f32
        %sub3A_216 = vector.broadcast %sub3A : f32 to vector<16xf32>
        %sub3A_217 = arith.subf %bitcast_convert_type3A_215, %sub3A_216 : vector<16xf32>
        %mul3A_218 = arith.constant 0.165404588 : f32
        %mul3A_219 = vector.broadcast %mul3A_218 : f32 to vector<16xf32>
        %mul3A_220 = arith.mulf %sub3A_217, %mul3A_219 : vector<16xf32>
        %add3A_221 = arith.constant -5.892300e-01 : f32
        %add3A_222 = vector.broadcast %add3A_221 : f32 to vector<16xf32>
        %add3A_223 = arith.addf %add3A_222, %mul3A_220 : vector<16xf32>
        %mul3A_224 = arith.mulf %sub3A_217, %add3A_223 : vector<16xf32>
        %add3A_225 = arith.constant 1.42459929 : f32
        %add3A_226 = vector.broadcast %add3A_225 : f32 to vector<16xf32>
        %add3A_227 = arith.addf %add3A_226, %mul3A_224 : vector<16xf32>
        %mul3A_228 = arith.mulf %sub3A_217, %add3A_227 : vector<16xf32>
        %sub3A_229 = arith.subi %mul3A_208, %get3A_196 : vector<16xi32>
        %shift_right_logical3A_230 = arith.constant 31 : i32
        %shift_right_logical3A_231 = vector.broadcast %shift_right_logical3A_230 : i32 to vector<16xi32>
        %shift_right_logical3A_232 = arith.shrui %sub3A_229, %shift_right_logical3A_231 : vector<16xi32>
        %add3A_233 = arith.addf %scan3A_183, %mul3A_228 : vector<16xf32>
        %add3A_234 = arith.addi %scan3A_184, %shift_right_logical3A_210 : vector<16xi32>
        %add3A_235 = arith.addi %scan3A_185, %get3A_196 : vector<16xi32>
        %add3A_236 = arith.addi %scan3A_186, %shift_right_logical3A_232 : vector<16xi32>
        %mul3A_237 = arith.constant 16 : i32
        %mul3A_238 = arith.muli %scan3A_182, %mul3A_237 : i32
        %get3A_239 = arith.constant 1 : i32
        %get3A_240 = arith.constant 0 : i32
        %get3A_241 = arith.constant 0 : i32
        %get3A_242 = tpu.memref_slice %arg8[%scan3A_167, %get3A_240, %get3A_241] : memref<2x8x2048xi32, #tpu.memory_space<vmem>> -> memref<1x8x2048xi32, #tpu.memory_space<vmem>>
        %get3A_243 = tpu.memref_squeeze %get3A_242 : memref<1x8x2048xi32, #tpu.memory_space<vmem>> -> memref<8x2048xi32, #tpu.memory_space<vmem>>
        %get3A_244 = arith.index_cast %get3A_239 : i32 to index
        %get3A_245 = arith.index_cast %mul3A_238 : i32 to index
        %get3A_246 = tpu.vector_load %get3A_243[%get3A_244, %get3A_245] {strides = array<i32>} : memref<8x2048xi32, #tpu.memory_space<vmem>>, vector<1x16xi32>,
        %get3A_247 = vector.shape_cast %get3A_246 : vector<1x16xi32> to vector<16xi32>
        %mul3A_248 = arith.constant 16 : i32
        %mul3A_249 = arith.muli %scan3A_182, %mul3A_248 : i32
        %get3A_250 = arith.constant 1 : i32
        %get3A_251 = arith.constant 0 : i32
        %get3A_252 = arith.constant 0 : i32
        %get3A_253 = tpu.memref_slice %arg9[%scan3A_168, %get3A_251, %get3A_252] : memref<2x8x2048xf32, #tpu.memory_space<vmem>> -> memref<1x8x2048xf32, #tpu.memory_space<vmem>>
        %get3A_254 = tpu.memref_squeeze %get3A_253 : memref<1x8x2048xf32, #tpu.memory_space<vmem>> -> memref<8x2048xf32, #tpu.memory_space<vmem>>
        %get3A_255 = arith.index_cast %get3A_250 : i32 to index
        %get3A_256 = arith.index_cast %mul3A_249 : i32 to index
        %get3A_257 = tpu.vector_load %get3A_254[%get3A_255, %get3A_256] {strides = array<i32>} : memref<8x2048xf32, #tpu.memory_space<vmem>>, vector<1x16xf32>,
        %get3A_258 = vector.shape_cast %get3A_257 : vector<1x16xf32> to vector<16xf32>
        %bitcast_convert_type3A_259 = tpu.bitcast %get3A_258 : vector<16xf32> -> vector<16xi32>
        %mul3A_260 = arith.muli %bitcast_convert_type3A_259, %get3A_247 : vector<16xi32>
        %shift_right_logical3A_261 = arith.constant 23 : i32
        %shift_right_logical3A_262 = vector.broadcast %shift_right_logical3A_261 : i32 to vector<16xi32>
        %shift_right_logical3A_263 = arith.shrui %mul3A_260, %shift_right_logical3A_262 : vector<16xi32>
        %and3A_264 = arith.constant 8388607 : i32
        %and3A_265 = vector.broadcast %and3A_264 : i32 to vector<16xi32>
        %and3A_266 = arith.andi %mul3A_260, %and3A_265 : vector<16xi32>
        %or3A_267 = arith.constant 1065353216 : i32
        %or3A_268 = vector.broadcast %or3A_267 : i32 to vector<16xi32>
        %or3A_269 = arith.ori %and3A_266, %or3A_268 : vector<16xi32>
        %bitcast_convert_type3A_270 = tpu.bitcast %or3A_269 : vector<16xi32> -> vector<16xf32>
        %sub3A_271 = arith.constant 1.000000e+00 : f32
        %sub3A_272 = vector.broadcast %sub3A_271 : f32 to vector<16xf32>
        %sub3A_273 = arith.subf %bitcast_convert_type3A_270, %sub3A_272 : vector<16xf32>
        %mul3A_274 = arith.constant 0.165404588 : f32
        %mul3A_275 = vector.broadcast %mul3A_274 : f32 to vector<16xf32>
        %mul3A_276 = arith.mulf %sub3A_273, %mul3A_275 : vector<16xf32>
        %add3A_277 = arith.constant -5.892300e-01 : f32
        %add3A_278 = vector.broadcast %add3A_277 : f32 to vector<16xf32>
        %add3A_279 = arith.addf %add3A_278, %mul3A_276 : vector<16xf32>
        %mul3A_280 = arith.mulf %sub3A_273, %add3A_279 : vector<16xf32>
        %add3A_281 = arith.constant 1.42459929 : f32
        %add3A_282 = vector.broadcast %add3A_281 : f32 to vector<16xf32>
        %add3A_283 = arith.addf %add3A_282, %mul3A_280 : vector<16xf32>
        %mul3A_284 = arith.mulf %sub3A_273, %add3A_283 : vector<16xf32>
        %sub3A_285 = arith.subi %mul3A_260, %get3A_247 : vector<16xi32>
        %shift_right_logical3A_286 = arith.constant 31 : i32
        %shift_right_logical3A_287 = vector.broadcast %shift_right_logical3A_286 : i32 to vector<16xi32>
        %shift_right_logical3A_288 = arith.shrui %sub3A_285, %shift_right_logical3A_287 : vector<16xi32>
        %add3A_289 = arith.addf %add3A_233, %mul3A_284 : vector<16xf32>
        %add3A_290 = arith.addi %add3A_234, %shift_right_logical3A_263 : vector<16xi32>
        %add3A_291 = arith.addi %add3A_235, %get3A_247 : vector<16xi32>
        %add3A_292 = arith.addi %add3A_236, %shift_right_logical3A_288 : vector<16xi32>
        %mul3A_293 = arith.constant 16 : i32
        %mul3A_294 = arith.muli %scan3A_182, %mul3A_293 : i32
        %get3A_295 = arith.constant 2 : i32
        %get3A_296 = arith.constant 0 : i32
        %get3A_297 = arith.constant 0 : i32
        %get3A_298 = tpu.memref_slice %arg8[%scan3A_167, %get3A_296, %get3A_297] : memref<2x8x2048xi32, #tpu.memory_space<vmem>> -> memref<1x8x2048xi32, #tpu.memory_space<vmem>>
        %get3A_299 = tpu.memref_squeeze %get3A_298 : memref<1x8x2048xi32, #tpu.memory_space<vmem>> -> memref<8x2048xi32, #tpu.memory_space<vmem>>
        %get3A_300 = arith.index_cast %get3A_295 : i32 to index
        %get3A_301 = arith.index_cast %mul3A_294 : i32 to index
        %get3A_302 = tpu.vector_load %get3A_299[%get3A_300, %get3A_301] {strides = array<i32>} : memref<8x2048xi32, #tpu.memory_space<vmem>>, vector<1x16xi32>,
        %get3A_303 = vector.shape_cast %get3A_302 : vector<1x16xi32> to vector<16xi32>
        %mul3A_304 = arith.constant 16 : i32
        %mul3A_305 = arith.muli %scan3A_182, %mul3A_304 : i32
        %get3A_306 = arith.constant 2 : i32
        %get3A_307 = arith.constant 0 : i32
        %get3A_308 = arith.constant 0 : i32
        %get3A_309 = tpu.memref_slice %arg9[%scan3A_168, %get3A_307, %get3A_308] : memref<2x8x2048xf32, #tpu.memory_space<vmem>> -> memref<1x8x2048xf32, #tpu.memory_space<vmem>>
        %get3A_310 = tpu.memref_squeeze %get3A_309 : memref<1x8x2048xf32, #tpu.memory_space<vmem>> -> memref<8x2048xf32, #tpu.memory_space<vmem>>
        %get3A_311 = arith.index_cast %get3A_306 : i32 to index
        %get3A_312 = arith.index_cast %mul3A_305 : i32 to index
        %get3A_313 = tpu.vector_load %get3A_310[%get3A_311, %get3A_312] {strides = array<i32>} : memref<8x2048xf32, #tpu.memory_space<vmem>>, vector<1x16xf32>,
        %get3A_314 = vector.shape_cast %get3A_313 : vector<1x16xf32> to vector<16xf32>
        %bitcast_convert_type3A_315 = tpu.bitcast %get3A_314 : vector<16xf32> -> vector<16xi32>
        %mul3A_316 = arith.muli %bitcast_convert_type3A_315, %get3A_303 : vector<16xi32>
        %shift_right_logical3A_317 = arith.constant 23 : i32
        %shift_right_logical3A_318 = vector.broadcast %shift_right_logical3A_317 : i32 to vector<16xi32>
        %shift_right_logical3A_319 = arith.shrui %mul3A_316, %shift_right_logical3A_318 : vector<16xi32>
        %and3A_320 = arith.constant 8388607 : i32
        %and3A_321 = vector.broadcast %and3A_320 : i32 to vector<16xi32>
        %and3A_322 = arith.andi %mul3A_316, %and3A_321 : vector<16xi32>
        %or3A_323 = arith.constant 1065353216 : i32
        %or3A_324 = vector.broadcast %or3A_323 : i32 to vector<16xi32>
        %or3A_325 = arith.ori %and3A_322, %or3A_324 : vector<16xi32>
        %bitcast_convert_type3A_326 = tpu.bitcast %or3A_325 : vector<16xi32> -> vector<16xf32>
        %sub3A_327 = arith.constant 1.000000e+00 : f32
        %sub3A_328 = vector.broadcast %sub3A_327 : f32 to vector<16xf32>
        %sub3A_329 = arith.subf %bitcast_convert_type3A_326, %sub3A_328 : vector<16xf32>
        %mul3A_330 = arith.constant 0.165404588 : f32
        %mul3A_331 = vector.broadcast %mul3A_330 : f32 to vector<16xf32>
        %mul3A_332 = arith.mulf %sub3A_329, %mul3A_331 : vector<16xf32>
        %add3A_333 = arith.constant -5.892300e-01 : f32
        %add3A_334 = vector.broadcast %add3A_333 : f32 to vector<16xf32>
        %add3A_335 = arith.addf %add3A_334, %mul3A_332 : vector<16xf32>
        %mul3A_336 = arith.mulf %sub3A_329, %add3A_335 : vector<16xf32>
        %add3A_337 = arith.constant 1.42459929 : f32
        %add3A_338 = vector.broadcast %add3A_337 : f32 to vector<16xf32>
        %add3A_339 = arith.addf %add3A_338, %mul3A_336 : vector<16xf32>
        %mul3A_340 = arith.mulf %sub3A_329, %add3A_339 : vector<16xf32>
        %sub3A_341 = arith.subi %mul3A_316, %get3A_303 : vector<16xi32>
        %shift_right_logical3A_342 = arith.constant 31 : i32
        %shift_right_logical3A_343 = vector.broadcast %shift_right_logical3A_342 : i32 to vector<16xi32>
        %shift_right_logical3A_344 = arith.shrui %sub3A_341, %shift_right_logical3A_343 : vector<16xi32>
        %add3A_345 = arith.addf %add3A_289, %mul3A_340 : vector<16xf32>
        %add3A_346 = arith.addi %add3A_290, %shift_right_logical3A_319 : vector<16xi32>
        %add3A_347 = arith.addi %add3A_291, %get3A_303 : vector<16xi32>
        %add3A_348 = arith.addi %add3A_292, %shift_right_logical3A_344 : vector<16xi32>
        %mul3A_349 = arith.constant 16 : i32
        %mul3A_350 = arith.muli %scan3A_182, %mul3A_349 : i32
        %get3A_351 = arith.constant 3 : i32
        %get3A_352 = arith.constant 0 : i32
        %get3A_353 = arith.constant 0 : i32
        %get3A_354 = tpu.memref_slice %arg8[%scan3A_167, %get3A_352, %get3A_353] : memref<2x8x2048xi32, #tpu.memory_space<vmem>> -> memref<1x8x2048xi32, #tpu.memory_space<vmem>>
        %get3A_355 = tpu.memref_squeeze %get3A_354 : memref<1x8x2048xi32, #tpu.memory_space<vmem>> -> memref<8x2048xi32, #tpu.memory_space<vmem>>
        %get3A_356 = arith.index_cast %get3A_351 : i32 to index
        %get3A_357 = arith.index_cast %mul3A_350 : i32 to index
        %get3A_358 = tpu.vector_load %get3A_355[%get3A_356, %get3A_357] {strides = array<i32>} : memref<8x2048xi32, #tpu.memory_space<vmem>>, vector<1x16xi32>,
        %get3A_359 = vector.shape_cast %get3A_358 : vector<1x16xi32> to vector<16xi32>
        %mul3A_360 = arith.constant 16 : i32
        %mul3A_361 = arith.muli %scan3A_182, %mul3A_360 : i32
        %get3A_362 = arith.constant 3 : i32
        %get3A_363 = arith.constant 0 : i32
        %get3A_364 = arith.constant 0 : i32
        %get3A_365 = tpu.memref_slice %arg9[%scan3A_168, %get3A_363, %get3A_364] : memref<2x8x2048xf32, #tpu.memory_space<vmem>> -> memref<1x8x2048xf32, #tpu.memory_space<vmem>>
        %get3A_366 = tpu.memref_squeeze %get3A_365 : memref<1x8x2048xf32, #tpu.memory_space<vmem>> -> memref<8x2048xf32, #tpu.memory_space<vmem>>
        %get3A_367 = arith.index_cast %get3A_362 : i32 to index
        %get3A_368 = arith.index_cast %mul3A_361 : i32 to index
        %get3A_369 = tpu.vector_load %get3A_366[%get3A_367, %get3A_368] {strides = array<i32>} : memref<8x2048xf32, #tpu.memory_space<vmem>>, vector<1x16xf32>,
        %get3A_370 = vector.shape_cast %get3A_369 : vector<1x16xf32> to vector<16xf32>
        %bitcast_convert_type3A_371 = tpu.bitcast %get3A_370 : vector<16xf32> -> vector<16xi32>
        %mul3A_372 = arith.muli %bitcast_convert_type3A_371, %get3A_359 : vector<16xi32>
        %shift_right_logical3A_373 = arith.constant 23 : i32
        %shift_right_logical3A_374 = vector.broadcast %shift_right_logical3A_373 : i32 to vector<16xi32>
        %shift_right_logical3A_375 = arith.shrui %mul3A_372, %shift_right_logical3A_374 : vector<16xi32>
        %and3A_376 = arith.constant 8388607 : i32
        %and3A_377 = vector.broadcast %and3A_376 : i32 to vector<16xi32>
        %and3A_378 = arith.andi %mul3A_372, %and3A_377 : vector<16xi32>
        %or3A_379 = arith.constant 1065353216 : i32
        %or3A_380 = vector.broadcast %or3A_379 : i32 to vector<16xi32>
        %or3A_381 = arith.ori %and3A_378, %or3A_380 : vector<16xi32>
        %bitcast_convert_type3A_382 = tpu.bitcast %or3A_381 : vector<16xi32> -> vector<16xf32>
        %sub3A_383 = arith.constant 1.000000e+00 : f32
        %sub3A_384 = vector.broadcast %sub3A_383 : f32 to vector<16xf32>
        %sub3A_385 = arith.subf %bitcast_convert_type3A_382, %sub3A_384 : vector<16xf32>
        %mul3A_386 = arith.constant 0.165404588 : f32
        %mul3A_387 = vector.broadcast %mul3A_386 : f32 to vector<16xf32>
        %mul3A_388 = arith.mulf %sub3A_385, %mul3A_387 : vector<16xf32>
        %add3A_389 = arith.constant -5.892300e-01 : f32
        %add3A_390 = vector.broadcast %add3A_389 : f32 to vector<16xf32>
        %add3A_391 = arith.addf %add3A_390, %mul3A_388 : vector<16xf32>
        %mul3A_392 = arith.mulf %sub3A_385, %add3A_391 : vector<16xf32>
        %add3A_393 = arith.constant 1.42459929 : f32
        %add3A_394 = vector.broadcast %add3A_393 : f32 to vector<16xf32>
        %add3A_395 = arith.addf %add3A_394, %mul3A_392 : vector<16xf32>
        %mul3A_396 = arith.mulf %sub3A_385, %add3A_395 : vector<16xf32>
        %sub3A_397 = arith.subi %mul3A_372, %get3A_359 : vector<16xi32>
        %shift_right_logical3A_398 = arith.constant 31 : i32
        %shift_right_logical3A_399 = vector.broadcast %shift_right_logical3A_398 : i32 to vector<16xi32>
        %shift_right_logical3A_400 = arith.shrui %sub3A_397, %shift_right_logical3A_399 : vector<16xi32>
        %add3A_401 = arith.addf %add3A_345, %mul3A_396 : vector<16xf32>
        %add3A_402 = arith.addi %add3A_346, %shift_right_logical3A_375 : vector<16xi32>
        %add3A_403 = arith.addi %add3A_347, %get3A_359 : vector<16xi32>
        %add3A_404 = arith.addi %add3A_348, %shift_right_logical3A_400 : vector<16xi32>
        %mul3A_405 = arith.constant 16 : i32
        %mul3A_406 = arith.muli %scan3A_182, %mul3A_405 : i32
        %get3A_407 = arith.constant 4 : i32
        %get3A_408 = arith.constant 0 : i32
        %get3A_409 = arith.constant 0 : i32
        %get3A_410 = tpu.memref_slice %arg8[%scan3A_167, %get3A_408, %get3A_409] : memref<2x8x2048xi32, #tpu.memory_space<vmem>> -> memref<1x8x2048xi32, #tpu.memory_space<vmem>>
        %get3A_411 = tpu.memref_squeeze %get3A_410 : memref<1x8x2048xi32, #tpu.memory_space<vmem>> -> memref<8x2048xi32, #tpu.memory_space<vmem>>
        %get3A_412 = arith.index_cast %get3A_407 : i32 to index
        %get3A_413 = arith.index_cast %mul3A_406 : i32 to index
        %get3A_414 = tpu.vector_load %get3A_411[%get3A_412, %get3A_413] {strides = array<i32>} : memref<8x2048xi32, #tpu.memory_space<vmem>>, vector<1x16xi32>,
        %get3A_415 = vector.shape_cast %get3A_414 : vector<1x16xi32> to vector<16xi32>
        %mul3A_416 = arith.constant 16 : i32
        %mul3A_417 = arith.muli %scan3A_182, %mul3A_416 : i32
        %get3A_418 = arith.constant 4 : i32
        %get3A_419 = arith.constant 0 : i32
        %get3A_420 = arith.constant 0 : i32
        %get3A_421 = tpu.memref_slice %arg9[%scan3A_168, %get3A_419, %get3A_420] : memref<2x8x2048xf32, #tpu.memory_space<vmem>> -> memref<1x8x2048xf32, #tpu.memory_space<vmem>>
        %get3A_422 = tpu.memref_squeeze %get3A_421 : memref<1x8x2048xf32, #tpu.memory_space<vmem>> -> memref<8x2048xf32, #tpu.memory_space<vmem>>
        %get3A_423 = arith.index_cast %get3A_418 : i32 to index
        %get3A_424 = arith.index_cast %mul3A_417 : i32 to index
        %get3A_425 = tpu.vector_load %get3A_422[%get3A_423, %get3A_424] {strides = array<i32>} : memref<8x2048xf32, #tpu.memory_space<vmem>>, vector<1x16xf32>,
        %get3A_426 = vector.shape_cast %get3A_425 : vector<1x16xf32> to vector<16xf32>
        %bitcast_convert_type3A_427 = tpu.bitcast %get3A_426 : vector<16xf32> -> vector<16xi32>
        %mul3A_428 = arith.muli %bitcast_convert_type3A_427, %get3A_415 : vector<16xi32>
        %shift_right_logical3A_429 = arith.constant 23 : i32
        %shift_right_logical3A_430 = vector.broadcast %shift_right_logical3A_429 : i32 to vector<16xi32>
        %shift_right_logical3A_431 = arith.shrui %mul3A_428, %shift_right_logical3A_430 : vector<16xi32>
        %and3A_432 = arith.constant 8388607 : i32
        %and3A_433 = vector.broadcast %and3A_432 : i32 to vector<16xi32>
        %and3A_434 = arith.andi %mul3A_428, %and3A_433 : vector<16xi32>
        %or3A_435 = arith.constant 1065353216 : i32
        %or3A_436 = vector.broadcast %or3A_435 : i32 to vector<16xi32>
        %or3A_437 = arith.ori %and3A_434, %or3A_436 : vector<16xi32>
        %bitcast_convert_type3A_438 = tpu.bitcast %or3A_437 : vector<16xi32> -> vector<16xf32>
        %sub3A_439 = arith.constant 1.000000e+00 : f32
        %sub3A_440 = vector.broadcast %sub3A_439 : f32 to vector<16xf32>
        %sub3A_441 = arith.subf %bitcast_convert_type3A_438, %sub3A_440 : vector<16xf32>
        %mul3A_442 = arith.constant 0.165404588 : f32
        %mul3A_443 = vector.broadcast %mul3A_442 : f32 to vector<16xf32>
        %mul3A_444 = arith.mulf %sub3A_441, %mul3A_443 : vector<16xf32>
        %add3A_445 = arith.constant -5.892300e-01 : f32
        %add3A_446 = vector.broadcast %add3A_445 : f32 to vector<16xf32>
        %add3A_447 = arith.addf %add3A_446, %mul3A_444 : vector<16xf32>
        %mul3A_448 = arith.mulf %sub3A_441, %add3A_447 : vector<16xf32>
        %add3A_449 = arith.constant 1.42459929 : f32
        %add3A_450 = vector.broadcast %add3A_449 : f32 to vector<16xf32>
        %add3A_451 = arith.addf %add3A_450, %mul3A_448 : vector<16xf32>
        %mul3A_452 = arith.mulf %sub3A_441, %add3A_451 : vector<16xf32>
        %sub3A_453 = arith.subi %mul3A_428, %get3A_415 : vector<16xi32>
        %shift_right_logical3A_454 = arith.constant 31 : i32
        %shift_right_logical3A_455 = vector.broadcast %shift_right_logical3A_454 : i32 to vector<16xi32>
        %shift_right_logical3A_456 = arith.shrui %sub3A_453, %shift_right_logical3A_455 : vector<16xi32>
        %add3A_457 = arith.addf %add3A_401, %mul3A_452 : vector<16xf32>
        %add3A_458 = arith.addi %add3A_402, %shift_right_logical3A_431 : vector<16xi32>
        %add3A_459 = arith.addi %add3A_403, %get3A_415 : vector<16xi32>
        %add3A_460 = arith.addi %add3A_404, %shift_right_logical3A_456 : vector<16xi32>
        %mul3A_461 = arith.constant 16 : i32
        %mul3A_462 = arith.muli %scan3A_182, %mul3A_461 : i32
        %get3A_463 = arith.constant 5 : i32
        %get3A_464 = arith.constant 0 : i32
        %get3A_465 = arith.constant 0 : i32
        %get3A_466 = tpu.memref_slice %arg8[%scan3A_167, %get3A_464, %get3A_465] : memref<2x8x2048xi32, #tpu.memory_space<vmem>> -> memref<1x8x2048xi32, #tpu.memory_space<vmem>>
        %get3A_467 = tpu.memref_squeeze %get3A_466 : memref<1x8x2048xi32, #tpu.memory_space<vmem>> -> memref<8x2048xi32, #tpu.memory_space<vmem>>
        %get3A_468 = arith.index_cast %get3A_463 : i32 to index
        %get3A_469 = arith.index_cast %mul3A_462 : i32 to index
        %get3A_470 = tpu.vector_load %get3A_467[%get3A_468, %get3A_469] {strides = array<i32>} : memref<8x2048xi32, #tpu.memory_space<vmem>>, vector<1x16xi32>,
        %get3A_471 = vector.shape_cast %get3A_470 : vector<1x16xi32> to vector<16xi32>
        %mul3A_472 = arith.constant 16 : i32
        %mul3A_473 = arith.muli %scan3A_182, %mul3A_472 : i32
        %get3A_474 = arith.constant 5 : i32
        %get3A_475 = arith.constant 0 : i32
        %get3A_476 = arith.constant 0 : i32
        %get3A_477 = tpu.memref_slice %arg9[%scan3A_168, %get3A_475, %get3A_476] : memref<2x8x2048xf32, #tpu.memory_space<vmem>> -> memref<1x8x2048xf32, #tpu.memory_space<vmem>>
        %get3A_478 = tpu.memref_squeeze %get3A_477 : memref<1x8x2048xf32, #tpu.memory_space<vmem>> -> memref<8x2048xf32, #tpu.memory_space<vmem>>
        %get3A_479 = arith.index_cast %get3A_474 : i32 to index
        %get3A_480 = arith.index_cast %mul3A_473 : i32 to index
        %get3A_481 = tpu.vector_load %get3A_478[%get3A_479, %get3A_480] {strides = array<i32>} : memref<8x2048xf32, #tpu.memory_space<vmem>>, vector<1x16xf32>,
        %get3A_482 = vector.shape_cast %get3A_481 : vector<1x16xf32> to vector<16xf32>
        %bitcast_convert_type3A_483 = tpu.bitcast %get3A_482 : vector<16xf32> -> vector<16xi32>
        %mul3A_484 = arith.muli %bitcast_convert_type3A_483, %get3A_471 : vector<16xi32>
        %shift_right_logical3A_485 = arith.constant 23 : i32
        %shift_right_logical3A_486 = vector.broadcast %shift_right_logical3A_485 : i32 to vector<16xi32>
        %shift_right_logical3A_487 = arith.shrui %mul3A_484, %shift_right_logical3A_486 : vector<16xi32>
        %and3A_488 = arith.constant 8388607 : i32
        %and3A_489 = vector.broadcast %and3A_488 : i32 to vector<16xi32>
        %and3A_490 = arith.andi %mul3A_484, %and3A_489 : vector<16xi32>
        %or3A_491 = arith.constant 1065353216 : i32
        %or3A_492 = vector.broadcast %or3A_491 : i32 to vector<16xi32>
        %or3A_493 = arith.ori %and3A_490, %or3A_492 : vector<16xi32>
        %bitcast_convert_type3A_494 = tpu.bitcast %or3A_493 : vector<16xi32> -> vector<16xf32>
        %sub3A_495 = arith.constant 1.000000e+00 : f32
        %sub3A_496 = vector.broadcast %sub3A_495 : f32 to vector<16xf32>
        %sub3A_497 = arith.subf %bitcast_convert_type3A_494, %sub3A_496 : vector<16xf32>
        %mul3A_498 = arith.constant 0.165404588 : f32
        %mul3A_499 = vector.broadcast %mul3A_498 : f32 to vector<16xf32>
        %mul3A_500 = arith.mulf %sub3A_497, %mul3A_499 : vector<16xf32>
        %add3A_501 = arith.constant -5.892300e-01 : f32
        %add3A_502 = vector.broadcast %add3A_501 : f32 to vector<16xf32>
        %add3A_503 = arith.addf %add3A_502, %mul3A_500 : vector<16xf32>
        %mul3A_504 = arith.mulf %sub3A_497, %add3A_503 : vector<16xf32>
        %add3A_505 = arith.constant 1.42459929 : f32
        %add3A_506 = vector.broadcast %add3A_505 : f32 to vector<16xf32>
        %add3A_507 = arith.addf %add3A_506, %mul3A_504 : vector<16xf32>
        %mul3A_508 = arith.mulf %sub3A_497, %add3A_507 : vector<16xf32>
        %sub3A_509 = arith.subi %mul3A_484, %get3A_471 : vector<16xi32>
        %shift_right_logical3A_510 = arith.constant 31 : i32
        %shift_right_logical3A_511 = vector.broadcast %shift_right_logical3A_510 : i32 to vector<16xi32>
        %shift_right_logical3A_512 = arith.shrui %sub3A_509, %shift_right_logical3A_511 : vector<16xi32>
        %add3A_513 = arith.addf %add3A_457, %mul3A_508 : vector<16xf32>
        %add3A_514 = arith.addi %add3A_458, %shift_right_logical3A_487 : vector<16xi32>
        %add3A_515 = arith.addi %add3A_459, %get3A_471 : vector<16xi32>
        %add3A_516 = arith.addi %add3A_460, %shift_right_logical3A_512 : vector<16xi32>
        %mul3A_517 = arith.constant 16 : i32
        %mul3A_518 = arith.muli %scan3A_182, %mul3A_517 : i32
        %get3A_519 = arith.constant 6 : i32
        %get3A_520 = arith.constant 0 : i32
        %get3A_521 = arith.constant 0 : i32
        %get3A_522 = tpu.memref_slice %arg8[%scan3A_167, %get3A_520, %get3A_521] : memref<2x8x2048xi32, #tpu.memory_space<vmem>> -> memref<1x8x2048xi32, #tpu.memory_space<vmem>>
        %get3A_523 = tpu.memref_squeeze %get3A_522 : memref<1x8x2048xi32, #tpu.memory_space<vmem>> -> memref<8x2048xi32, #tpu.memory_space<vmem>>
        %get3A_524 = arith.index_cast %get3A_519 : i32 to index
        %get3A_525 = arith.index_cast %mul3A_518 : i32 to index
        %get3A_526 = tpu.vector_load %get3A_523[%get3A_524, %get3A_525] {strides = array<i32>} : memref<8x2048xi32, #tpu.memory_space<vmem>>, vector<1x16xi32>,
        %get3A_527 = vector.shape_cast %get3A_526 : vector<1x16xi32> to vector<16xi32>
        %mul3A_528 = arith.constant 16 : i32
        %mul3A_529 = arith.muli %scan3A_182, %mul3A_528 : i32
        %get3A_530 = arith.constant 6 : i32
        %get3A_531 = arith.constant 0 : i32
        %get3A_532 = arith.constant 0 : i32
        %get3A_533 = tpu.memref_slice %arg9[%scan3A_168, %get3A_531, %get3A_532] : memref<2x8x2048xf32, #tpu.memory_space<vmem>> -> memref<1x8x2048xf32, #tpu.memory_space<vmem>>
        %get3A_534 = tpu.memref_squeeze %get3A_533 : memref<1x8x2048xf32, #tpu.memory_space<vmem>> -> memref<8x2048xf32, #tpu.memory_space<vmem>>
        %get3A_535 = arith.index_cast %get3A_530 : i32 to index
        %get3A_536 = arith.index_cast %mul3A_529 : i32 to index
        %get3A_537 = tpu.vector_load %get3A_534[%get3A_535, %get3A_536] {strides = array<i32>} : memref<8x2048xf32, #tpu.memory_space<vmem>>, vector<1x16xf32>,
        %get3A_538 = vector.shape_cast %get3A_537 : vector<1x16xf32> to vector<16xf32>
        %bitcast_convert_type3A_539 = tpu.bitcast %get3A_538 : vector<16xf32> -> vector<16xi32>
        %mul3A_540 = arith.muli %bitcast_convert_type3A_539, %get3A_527 : vector<16xi32>
        %shift_right_logical3A_541 = arith.constant 23 : i32
        %shift_right_logical3A_542 = vector.broadcast %shift_right_logical3A_541 : i32 to vector<16xi32>
        %shift_right_logical3A_543 = arith.shrui %mul3A_540, %shift_right_logical3A_542 : vector<16xi32>
        %and3A_544 = arith.constant 8388607 : i32
        %and3A_545 = vector.broadcast %and3A_544 : i32 to vector<16xi32>
        %and3A_546 = arith.andi %mul3A_540, %and3A_545 : vector<16xi32>
        %or3A_547 = arith.constant 1065353216 : i32
        %or3A_548 = vector.broadcast %or3A_547 : i32 to vector<16xi32>
        %or3A_549 = arith.ori %and3A_546, %or3A_548 : vector<16xi32>
        %bitcast_convert_type3A_550 = tpu.bitcast %or3A_549 : vector<16xi32> -> vector<16xf32>
        %sub3A_551 = arith.constant 1.000000e+00 : f32
        %sub3A_552 = vector.broadcast %sub3A_551 : f32 to vector<16xf32>
        %sub3A_553 = arith.subf %bitcast_convert_type3A_550, %sub3A_552 : vector<16xf32>
        %mul3A_554 = arith.constant 0.165404588 : f32
        %mul3A_555 = vector.broadcast %mul3A_554 : f32 to vector<16xf32>
        %mul3A_556 = arith.mulf %sub3A_553, %mul3A_555 : vector<16xf32>
        %add3A_557 = arith.constant -5.892300e-01 : f32
        %add3A_558 = vector.broadcast %add3A_557 : f32 to vector<16xf32>
        %add3A_559 = arith.addf %add3A_558, %mul3A_556 : vector<16xf32>
        %mul3A_560 = arith.mulf %sub3A_553, %add3A_559 : vector<16xf32>
        %add3A_561 = arith.constant 1.42459929 : f32
        %add3A_562 = vector.broadcast %add3A_561 : f32 to vector<16xf32>
        %add3A_563 = arith.addf %add3A_562, %mul3A_560 : vector<16xf32>
        %mul3A_564 = arith.mulf %sub3A_553, %add3A_563 : vector<16xf32>
        %sub3A_565 = arith.subi %mul3A_540, %get3A_527 : vector<16xi32>
        %shift_right_logical3A_566 = arith.constant 31 : i32
        %shift_right_logical3A_567 = vector.broadcast %shift_right_logical3A_566 : i32 to vector<16xi32>
        %shift_right_logical3A_568 = arith.shrui %sub3A_565, %shift_right_logical3A_567 : vector<16xi32>
        %add3A_569 = arith.addf %add3A_513, %mul3A_564 : vector<16xf32>
        %add3A_570 = arith.addi %add3A_514, %shift_right_logical3A_543 : vector<16xi32>
        %add3A_571 = arith.addi %add3A_515, %get3A_527 : vector<16xi32>
        %add3A_572 = arith.addi %add3A_516, %shift_right_logical3A_568 : vector<16xi32>
        %mul3A_573 = arith.constant 16 : i32
        %mul3A_574 = arith.muli %scan3A_182, %mul3A_573 : i32
        %get3A_575 = arith.constant 7 : i32
        %get3A_576 = arith.constant 0 : i32
        %get3A_577 = arith.constant 0 : i32
        %get3A_578 = tpu.memref_slice %arg8[%scan3A_167, %get3A_576, %get3A_577] : memref<2x8x2048xi32, #tpu.memory_space<vmem>> -> memref<1x8x2048xi32, #tpu.memory_space<vmem>>
        %get3A_579 = tpu.memref_squeeze %get3A_578 : memref<1x8x2048xi32, #tpu.memory_space<vmem>> -> memref<8x2048xi32, #tpu.memory_space<vmem>>
        %get3A_580 = arith.index_cast %get3A_575 : i32 to index
        %get3A_581 = arith.index_cast %mul3A_574 : i32 to index
        %get3A_582 = tpu.vector_load %get3A_579[%get3A_580, %get3A_581] {strides = array<i32>} : memref<8x2048xi32, #tpu.memory_space<vmem>>, vector<1x16xi32>,
        %get3A_583 = vector.shape_cast %get3A_582 : vector<1x16xi32> to vector<16xi32>
        %mul3A_584 = arith.constant 16 : i32
        %mul3A_585 = arith.muli %scan3A_182, %mul3A_584 : i32
        %get3A_586 = arith.constant 7 : i32
        %get3A_587 = arith.constant 0 : i32
        %get3A_588 = arith.constant 0 : i32
        %get3A_589 = tpu.memref_slice %arg9[%scan3A_168, %get3A_587, %get3A_588] : memref<2x8x2048xf32, #tpu.memory_space<vmem>> -> memref<1x8x2048xf32, #tpu.memory_space<vmem>>
        %get3A_590 = tpu.memref_squeeze %get3A_589 : memref<1x8x2048xf32, #tpu.memory_space<vmem>> -> memref<8x2048xf32, #tpu.memory_space<vmem>>
        %get3A_591 = arith.index_cast %get3A_586 : i32 to index
        %get3A_592 = arith.index_cast %mul3A_585 : i32 to index
        %get3A_593 = tpu.vector_load %get3A_590[%get3A_591, %get3A_592] {strides = array<i32>} : memref<8x2048xf32, #tpu.memory_space<vmem>>, vector<1x16xf32>,
        %get3A_594 = vector.shape_cast %get3A_593 : vector<1x16xf32> to vector<16xf32>
        %bitcast_convert_type3A_595 = tpu.bitcast %get3A_594 : vector<16xf32> -> vector<16xi32>
        %mul3A_596 = arith.muli %bitcast_convert_type3A_595, %get3A_583 : vector<16xi32>
        %shift_right_logical3A_597 = arith.constant 23 : i32
        %shift_right_logical3A_598 = vector.broadcast %shift_right_logical3A_597 : i32 to vector<16xi32>
        %shift_right_logical3A_599 = arith.shrui %mul3A_596, %shift_right_logical3A_598 : vector<16xi32>
        %and3A_600 = arith.constant 8388607 : i32
        %and3A_601 = vector.broadcast %and3A_600 : i32 to vector<16xi32>
        %and3A_602 = arith.andi %mul3A_596, %and3A_601 : vector<16xi32>
        %or3A_603 = arith.constant 1065353216 : i32
        %or3A_604 = vector.broadcast %or3A_603 : i32 to vector<16xi32>
        %or3A_605 = arith.ori %and3A_602, %or3A_604 : vector<16xi32>
        %bitcast_convert_type3A_606 = tpu.bitcast %or3A_605 : vector<16xi32> -> vector<16xf32>
        %sub3A_607 = arith.constant 1.000000e+00 : f32
        %sub3A_608 = vector.broadcast %sub3A_607 : f32 to vector<16xf32>
        %sub3A_609 = arith.subf %bitcast_convert_type3A_606, %sub3A_608 : vector<16xf32>
        %mul3A_610 = arith.constant 0.165404588 : f32
        %mul3A_611 = vector.broadcast %mul3A_610 : f32 to vector<16xf32>
        %mul3A_612 = arith.mulf %sub3A_609, %mul3A_611 : vector<16xf32>
        %add3A_613 = arith.constant -5.892300e-01 : f32
        %add3A_614 = vector.broadcast %add3A_613 : f32 to vector<16xf32>
        %add3A_615 = arith.addf %add3A_614, %mul3A_612 : vector<16xf32>
        %mul3A_616 = arith.mulf %sub3A_609, %add3A_615 : vector<16xf32>
        %add3A_617 = arith.constant 1.42459929 : f32
        %add3A_618 = vector.broadcast %add3A_617 : f32 to vector<16xf32>
        %add3A_619 = arith.addf %add3A_618, %mul3A_616 : vector<16xf32>
        %mul3A_620 = arith.mulf %sub3A_609, %add3A_619 : vector<16xf32>
        %sub3A_621 = arith.subi %mul3A_596, %get3A_583 : vector<16xi32>
        %shift_right_logical3A_622 = arith.constant 31 : i32
        %shift_right_logical3A_623 = vector.broadcast %shift_right_logical3A_622 : i32 to vector<16xi32>
        %shift_right_logical3A_624 = arith.shrui %sub3A_621, %shift_right_logical3A_623 : vector<16xi32>
        %add3A_625 = arith.addf %add3A_569, %mul3A_620 : vector<16xf32>
        %add3A_626 = arith.addi %add3A_570, %shift_right_logical3A_599 : vector<16xi32>
        %add3A_627 = arith.addi %add3A_571, %get3A_583 : vector<16xi32>
        %add3A_628 = arith.addi %add3A_572, %shift_right_logical3A_624 : vector<16xi32>
        %scan3A_629 = arith.constant 1 : i32
        %scan3A_630 = arith.addi %scan3A_182, %scan3A_629 : i32
        %mul3A_631 = arith.constant 16 : i32
        %mul3A_632 = arith.muli %scan3A_630, %mul3A_631 : i32
        %get3A_633 = arith.constant 0 : i32
        %get3A_634 = arith.constant 0 : i32
        %get3A_635 = arith.constant 0 : i32
        %get3A_636 = tpu.memref_slice %arg8[%scan3A_167, %get3A_634, %get3A_635] : memref<2x8x2048xi32, #tpu.memory_space<vmem>> -> memref<1x8x2048xi32, #tpu.memory_space<vmem>>
        %get3A_637 = tpu.memref_squeeze %get3A_636 : memref<1x8x2048xi32, #tpu.memory_space<vmem>> -> memref<8x2048xi32, #tpu.memory_space<vmem>>
        %get3A_638 = arith.index_cast %get3A_633 : i32 to index
        %get3A_639 = arith.index_cast %mul3A_632 : i32 to index
        %get3A_640 = tpu.vector_load %get3A_637[%get3A_638, %get3A_639] {strides = array<i32>} : memref<8x2048xi32, #tpu.memory_space<vmem>>, vector<1x16xi32>,
        %get3A_641 = vector.shape_cast %get3A_640 : vector<1x16xi32> to vector<16xi32>
        %mul3A_642 = arith.constant 16 : i32
        %mul3A_643 = arith.muli %scan3A_630, %mul3A_642 : i32
        %get3A_644 = arith.constant 0 : i32
        %get3A_645 = arith.constant 0 : i32
        %get3A_646 = arith.constant 0 : i32
        %get3A_647 = tpu.memref_slice %arg9[%scan3A_168, %get3A_645, %get3A_646] : memref<2x8x2048xf32, #tpu.memory_space<vmem>> -> memref<1x8x2048xf32, #tpu.memory_space<vmem>>
        %get3A_648 = tpu.memref_squeeze %get3A_647 : memref<1x8x2048xf32, #tpu.memory_space<vmem>> -> memref<8x2048xf32, #tpu.memory_space<vmem>>
        %get3A_649 = arith.index_cast %get3A_644 : i32 to index
        %get3A_650 = arith.index_cast %mul3A_643 : i32 to index
        %get3A_651 = tpu.vector_load %get3A_648[%get3A_649, %get3A_650] {strides = array<i32>} : memref<8x2048xf32, #tpu.memory_space<vmem>>, vector<1x16xf32>,
        %get3A_652 = vector.shape_cast %get3A_651 : vector<1x16xf32> to vector<16xf32>
        %bitcast_convert_type3A_653 = tpu.bitcast %get3A_652 : vector<16xf32> -> vector<16xi32>
        %mul3A_654 = arith.muli %bitcast_convert_type3A_653, %get3A_641 : vector<16xi32>
        %shift_right_logical3A_655 = arith.constant 23 : i32
        %shift_right_logical3A_656 = vector.broadcast %shift_right_logical3A_655 : i32 to vector<16xi32>
        %shift_right_logical3A_657 = arith.shrui %mul3A_654, %shift_right_logical3A_656 : vector<16xi32>
        %and3A_658 = arith.constant 8388607 : i32
        %and3A_659 = vector.broadcast %and3A_658 : i32 to vector<16xi32>
        %and3A_660 = arith.andi %mul3A_654, %and3A_659 : vector<16xi32>
        %or3A_661 = arith.constant 1065353216 : i32
        %or3A_662 = vector.broadcast %or3A_661 : i32 to vector<16xi32>
        %or3A_663 = arith.ori %and3A_660, %or3A_662 : vector<16xi32>
        %bitcast_convert_type3A_664 = tpu.bitcast %or3A_663 : vector<16xi32> -> vector<16xf32>
        %sub3A_665 = arith.constant 1.000000e+00 : f32
        %sub3A_666 = vector.broadcast %sub3A_665 : f32 to vector<16xf32>
        %sub3A_667 = arith.subf %bitcast_convert_type3A_664, %sub3A_666 : vector<16xf32>
        %mul3A_668 = arith.constant 0.165404588 : f32
        %mul3A_669 = vector.broadcast %mul3A_668 : f32 to vector<16xf32>
        %mul3A_670 = arith.mulf %sub3A_667, %mul3A_669 : vector<16xf32>
        %add3A_671 = arith.constant -5.892300e-01 : f32
        %add3A_672 = vector.broadcast %add3A_671 : f32 to vector<16xf32>
        %add3A_673 = arith.addf %add3A_672, %mul3A_670 : vector<16xf32>
        %mul3A_674 = arith.mulf %sub3A_667, %add3A_673 : vector<16xf32>
        %add3A_675 = arith.constant 1.42459929 : f32
        %add3A_676 = vector.broadcast %add3A_675 : f32 to vector<16xf32>
        %add3A_677 = arith.addf %add3A_676, %mul3A_674 : vector<16xf32>
        %mul3A_678 = arith.mulf %sub3A_667, %add3A_677 : vector<16xf32>
        %sub3A_679 = arith.subi %mul3A_654, %get3A_641 : vector<16xi32>
        %shift_right_logical3A_680 = arith.constant 31 : i32
        %shift_right_logical3A_681 = vector.broadcast %shift_right_logical3A_680 : i32 to vector<16xi32>
        %shift_right_logical3A_682 = arith.shrui %sub3A_679, %shift_right_logical3A_681 : vector<16xi32>
        %add3A_683 = arith.addf %add3A_625, %mul3A_678 : vector<16xf32>
        %add3A_684 = arith.addi %add3A_626, %shift_right_logical3A_657 : vector<16xi32>
        %add3A_685 = arith.addi %add3A_627, %get3A_641 : vector<16xi32>
        %add3A_686 = arith.addi %add3A_628, %shift_right_logical3A_682 : vector<16xi32>
        %mul3A_687 = arith.constant 16 : i32
        %mul3A_688 = arith.muli %scan3A_630, %mul3A_687 : i32
        %get3A_689 = arith.constant 1 : i32
        %get3A_690 = arith.constant 0 : i32
        %get3A_691 = arith.constant 0 : i32
        %get3A_692 = tpu.memref_slice %arg8[%scan3A_167, %get3A_690, %get3A_691] : memref<2x8x2048xi32, #tpu.memory_space<vmem>> -> memref<1x8x2048xi32, #tpu.memory_space<vmem>>
        %get3A_693 = tpu.memref_squeeze %get3A_692 : memref<1x8x2048xi32, #tpu.memory_space<vmem>> -> memref<8x2048xi32, #tpu.memory_space<vmem>>
        %get3A_694 = arith.index_cast %get3A_689 : i32 to index
        %get3A_695 = arith.index_cast %mul3A_688 : i32 to index
        %get3A_696 = tpu.vector_load %get3A_693[%get3A_694, %get3A_695] {strides = array<i32>} : memref<8x2048xi32, #tpu.memory_space<vmem>>, vector<1x16xi32>,
        %get3A_697 = vector.shape_cast %get3A_696 : vector<1x16xi32> to vector<16xi32>
        %mul3A_698 = arith.constant 16 : i32
        %mul3A_699 = arith.muli %scan3A_630, %mul3A_698 : i32
        %get3A_700 = arith.constant 1 : i32
        %get3A_701 = arith.constant 0 : i32
        %get3A_702 = arith.constant 0 : i32
        %get3A_703 = tpu.memref_slice %arg9[%scan3A_168, %get3A_701, %get3A_702] : memref<2x8x2048xf32, #tpu.memory_space<vmem>> -> memref<1x8x2048xf32, #tpu.memory_space<vmem>>
        %get3A_704 = tpu.memref_squeeze %get3A_703 : memref<1x8x2048xf32, #tpu.memory_space<vmem>> -> memref<8x2048xf32, #tpu.memory_space<vmem>>
        %get3A_705 = arith.index_cast %get3A_700 : i32 to index
        %get3A_706 = arith.index_cast %mul3A_699 : i32 to index
        %get3A_707 = tpu.vector_load %get3A_704[%get3A_705, %get3A_706] {strides = array<i32>} : memref<8x2048xf32, #tpu.memory_space<vmem>>, vector<1x16xf32>,
        %get3A_708 = vector.shape_cast %get3A_707 : vector<1x16xf32> to vector<16xf32>
        %bitcast_convert_type3A_709 = tpu.bitcast %get3A_708 : vector<16xf32> -> vector<16xi32>
        %mul3A_710 = arith.muli %bitcast_convert_type3A_709, %get3A_697 : vector<16xi32>
        %shift_right_logical3A_711 = arith.constant 23 : i32
        %shift_right_logical3A_712 = vector.broadcast %shift_right_logical3A_711 : i32 to vector<16xi32>
        %shift_right_logical3A_713 = arith.shrui %mul3A_710, %shift_right_logical3A_712 : vector<16xi32>
        %and3A_714 = arith.constant 8388607 : i32
        %and3A_715 = vector.broadcast %and3A_714 : i32 to vector<16xi32>
        %and3A_716 = arith.andi %mul3A_710, %and3A_715 : vector<16xi32>
        %or3A_717 = arith.constant 1065353216 : i32
        %or3A_718 = vector.broadcast %or3A_717 : i32 to vector<16xi32>
        %or3A_719 = arith.ori %and3A_716, %or3A_718 : vector<16xi32>
        %bitcast_convert_type3A_720 = tpu.bitcast %or3A_719 : vector<16xi32> -> vector<16xf32>
        %sub3A_721 = arith.constant 1.000000e+00 : f32
        %sub3A_722 = vector.broadcast %sub3A_721 : f32 to vector<16xf32>
        %sub3A_723 = arith.subf %bitcast_convert_type3A_720, %sub3A_722 : vector<16xf32>
        %mul3A_724 = arith.constant 0.165404588 : f32
        %mul3A_725 = vector.broadcast %mul3A_724 : f32 to vector<16xf32>
        %mul3A_726 = arith.mulf %sub3A_723, %mul3A_725 : vector<16xf32>
        %add3A_727 = arith.constant -5.892300e-01 : f32
        %add3A_728 = vector.broadcast %add3A_727 : f32 to vector<16xf32>
        %add3A_729 = arith.addf %add3A_728, %mul3A_726 : vector<16xf32>
        %mul3A_730 = arith.mulf %sub3A_723, %add3A_729 : vector<16xf32>
        %add3A_731 = arith.constant 1.42459929 : f32
        %add3A_732 = vector.broadcast %add3A_731 : f32 to vector<16xf32>
        %add3A_733 = arith.addf %add3A_732, %mul3A_730 : vector<16xf32>
        %mul3A_734 = arith.mulf %sub3A_723, %add3A_733 : vector<16xf32>
        %sub3A_735 = arith.subi %mul3A_710, %get3A_697 : vector<16xi32>
        %shift_right_logical3A_736 = arith.constant 31 : i32
        %shift_right_logical3A_737 = vector.broadcast %shift_right_logical3A_736 : i32 to vector<16xi32>
        %shift_right_logical3A_738 = arith.shrui %sub3A_735, %shift_right_logical3A_737 : vector<16xi32>
        %add3A_739 = arith.addf %add3A_683, %mul3A_734 : vector<16xf32>
        %add3A_740 = arith.addi %add3A_684, %shift_right_logical3A_713 : vector<16xi32>
        %add3A_741 = arith.addi %add3A_685, %get3A_697 : vector<16xi32>
        %add3A_742 = arith.addi %add3A_686, %shift_right_logical3A_738 : vector<16xi32>
        %mul3A_743 = arith.constant 16 : i32
        %mul3A_744 = arith.muli %scan3A_630, %mul3A_743 : i32
        %get3A_745 = arith.constant 2 : i32
        %get3A_746 = arith.constant 0 : i32
        %get3A_747 = arith.constant 0 : i32
        %get3A_748 = tpu.memref_slice %arg8[%scan3A_167, %get3A_746, %get3A_747] : memref<2x8x2048xi32, #tpu.memory_space<vmem>> -> memref<1x8x2048xi32, #tpu.memory_space<vmem>>
        %get3A_749 = tpu.memref_squeeze %get3A_748 : memref<1x8x2048xi32, #tpu.memory_space<vmem>> -> memref<8x2048xi32, #tpu.memory_space<vmem>>
        %get3A_750 = arith.index_cast %get3A_745 : i32 to index
        %get3A_751 = arith.index_cast %mul3A_744 : i32 to index
        %get3A_752 = tpu.vector_load %get3A_749[%get3A_750, %get3A_751] {strides = array<i32>} : memref<8x2048xi32, #tpu.memory_space<vmem>>, vector<1x16xi32>,
        %get3A_753 = vector.shape_cast %get3A_752 : vector<1x16xi32> to vector<16xi32>
        %mul3A_754 = arith.constant 16 : i32
        %mul3A_755 = arith.muli %scan3A_630, %mul3A_754 : i32
        %get3A_756 = arith.constant 2 : i32
        %get3A_757 = arith.constant 0 : i32
        %get3A_758 = arith.constant 0 : i32
        %get3A_759 = tpu.memref_slice %arg9[%scan3A_168, %get3A_757, %get3A_758] : memref<2x8x2048xf32, #tpu.memory_space<vmem>> -> memref<1x8x2048xf32, #tpu.memory_space<vmem>>
        %get3A_760 = tpu.memref_squeeze %get3A_759 : memref<1x8x2048xf32, #tpu.memory_space<vmem>> -> memref<8x2048xf32, #tpu.memory_space<vmem>>
        %get3A_761 = arith.index_cast %get3A_756 : i32 to index
        %get3A_762 = arith.index_cast %mul3A_755 : i32 to index
        %get3A_763 = tpu.vector_load %get3A_760[%get3A_761, %get3A_762] {strides = array<i32>} : memref<8x2048xf32, #tpu.memory_space<vmem>>, vector<1x16xf32>,
        %get3A_764 = vector.shape_cast %get3A_763 : vector<1x16xf32> to vector<16xf32>
        %bitcast_convert_type3A_765 = tpu.bitcast %get3A_764 : vector<16xf32> -> vector<16xi32>
        %mul3A_766 = arith.muli %bitcast_convert_type3A_765, %get3A_753 : vector<16xi32>
        %shift_right_logical3A_767 = arith.constant 23 : i32
        %shift_right_logical3A_768 = vector.broadcast %shift_right_logical3A_767 : i32 to vector<16xi32>
        %shift_right_logical3A_769 = arith.shrui %mul3A_766, %shift_right_logical3A_768 : vector<16xi32>
        %and3A_770 = arith.constant 8388607 : i32
        %and3A_771 = vector.broadcast %and3A_770 : i32 to vector<16xi32>
        %and3A_772 = arith.andi %mul3A_766, %and3A_771 : vector<16xi32>
        %or3A_773 = arith.constant 1065353216 : i32
        %or3A_774 = vector.broadcast %or3A_773 : i32 to vector<16xi32>
        %or3A_775 = arith.ori %and3A_772, %or3A_774 : vector<16xi32>
        %bitcast_convert_type3A_776 = tpu.bitcast %or3A_775 : vector<16xi32> -> vector<16xf32>
        %sub3A_777 = arith.constant 1.000000e+00 : f32
        %sub3A_778 = vector.broadcast %sub3A_777 : f32 to vector<16xf32>
        %sub3A_779 = arith.subf %bitcast_convert_type3A_776, %sub3A_778 : vector<16xf32>
        %mul3A_780 = arith.constant 0.165404588 : f32
        %mul3A_781 = vector.broadcast %mul3A_780 : f32 to vector<16xf32>
        %mul3A_782 = arith.mulf %sub3A_779, %mul3A_781 : vector<16xf32>
        %add3A_783 = arith.constant -5.892300e-01 : f32
        %add3A_784 = vector.broadcast %add3A_783 : f32 to vector<16xf32>
        %add3A_785 = arith.addf %add3A_784, %mul3A_782 : vector<16xf32>
        %mul3A_786 = arith.mulf %sub3A_779, %add3A_785 : vector<16xf32>
        %add3A_787 = arith.constant 1.42459929 : f32
        %add3A_788 = vector.broadcast %add3A_787 : f32 to vector<16xf32>
        %add3A_789 = arith.addf %add3A_788, %mul3A_786 : vector<16xf32>
        %mul3A_790 = arith.mulf %sub3A_779, %add3A_789 : vector<16xf32>
        %sub3A_791 = arith.subi %mul3A_766, %get3A_753 : vector<16xi32>
        %shift_right_logical3A_792 = arith.constant 31 : i32
        %shift_right_logical3A_793 = vector.broadcast %shift_right_logical3A_792 : i32 to vector<16xi32>
        %shift_right_logical3A_794 = arith.shrui %sub3A_791, %shift_right_logical3A_793 : vector<16xi32>
        %add3A_795 = arith.addf %add3A_739, %mul3A_790 : vector<16xf32>
        %add3A_796 = arith.addi %add3A_740, %shift_right_logical3A_769 : vector<16xi32>
        %add3A_797 = arith.addi %add3A_741, %get3A_753 : vector<16xi32>
        %add3A_798 = arith.addi %add3A_742, %shift_right_logical3A_794 : vector<16xi32>
        %mul3A_799 = arith.constant 16 : i32
        %mul3A_800 = arith.muli %scan3A_630, %mul3A_799 : i32
        %get3A_801 = arith.constant 3 : i32
        %get3A_802 = arith.constant 0 : i32
        %get3A_803 = arith.constant 0 : i32
        %get3A_804 = tpu.memref_slice %arg8[%scan3A_167, %get3A_802, %get3A_803] : memref<2x8x2048xi32, #tpu.memory_space<vmem>> -> memref<1x8x2048xi32, #tpu.memory_space<vmem>>
        %get3A_805 = tpu.memref_squeeze %get3A_804 : memref<1x8x2048xi32, #tpu.memory_space<vmem>> -> memref<8x2048xi32, #tpu.memory_space<vmem>>
        %get3A_806 = arith.index_cast %get3A_801 : i32 to index
        %get3A_807 = arith.index_cast %mul3A_800 : i32 to index
        %get3A_808 = tpu.vector_load %get3A_805[%get3A_806, %get3A_807] {strides = array<i32>} : memref<8x2048xi32, #tpu.memory_space<vmem>>, vector<1x16xi32>,
        %get3A_809 = vector.shape_cast %get3A_808 : vector<1x16xi32> to vector<16xi32>
        %mul3A_810 = arith.constant 16 : i32
        %mul3A_811 = arith.muli %scan3A_630, %mul3A_810 : i32
        %get3A_812 = arith.constant 3 : i32
        %get3A_813 = arith.constant 0 : i32
        %get3A_814 = arith.constant 0 : i32
        %get3A_815 = tpu.memref_slice %arg9[%scan3A_168, %get3A_813, %get3A_814] : memref<2x8x2048xf32, #tpu.memory_space<vmem>> -> memref<1x8x2048xf32, #tpu.memory_space<vmem>>
        %get3A_816 = tpu.memref_squeeze %get3A_815 : memref<1x8x2048xf32, #tpu.memory_space<vmem>> -> memref<8x2048xf32, #tpu.memory_space<vmem>>
        %get3A_817 = arith.index_cast %get3A_812 : i32 to index
        %get3A_818 = arith.index_cast %mul3A_811 : i32 to index
        %get3A_819 = tpu.vector_load %get3A_816[%get3A_817, %get3A_818] {strides = array<i32>} : memref<8x2048xf32, #tpu.memory_space<vmem>>, vector<1x16xf32>,
        %get3A_820 = vector.shape_cast %get3A_819 : vector<1x16xf32> to vector<16xf32>
        %bitcast_convert_type3A_821 = tpu.bitcast %get3A_820 : vector<16xf32> -> vector<16xi32>
        %mul3A_822 = arith.muli %bitcast_convert_type3A_821, %get3A_809 : vector<16xi32>
        %shift_right_logical3A_823 = arith.constant 23 : i32
        %shift_right_logical3A_824 = vector.broadcast %shift_right_logical3A_823 : i32 to vector<16xi32>
        %shift_right_logical3A_825 = arith.shrui %mul3A_822, %shift_right_logical3A_824 : vector<16xi32>
        %and3A_826 = arith.constant 8388607 : i32
        %and3A_827 = vector.broadcast %and3A_826 : i32 to vector<16xi32>
        %and3A_828 = arith.andi %mul3A_822, %and3A_827 : vector<16xi32>
        %or3A_829 = arith.constant 1065353216 : i32
        %or3A_830 = vector.broadcast %or3A_829 : i32 to vector<16xi32>
        %or3A_831 = arith.ori %and3A_828, %or3A_830 : vector<16xi32>
        %bitcast_convert_type3A_832 = tpu.bitcast %or3A_831 : vector<16xi32> -> vector<16xf32>
        %sub3A_833 = arith.constant 1.000000e+00 : f32
        %sub3A_834 = vector.broadcast %sub3A_833 : f32 to vector<16xf32>
        %sub3A_835 = arith.subf %bitcast_convert_type3A_832, %sub3A_834 : vector<16xf32>
        %mul3A_836 = arith.constant 0.165404588 : f32
        %mul3A_837 = vector.broadcast %mul3A_836 : f32 to vector<16xf32>
        %mul3A_838 = arith.mulf %sub3A_835, %mul3A_837 : vector<16xf32>
        %add3A_839 = arith.constant -5.892300e-01 : f32
        %add3A_840 = vector.broadcast %add3A_839 : f32 to vector<16xf32>
        %add3A_841 = arith.addf %add3A_840, %mul3A_838 : vector<16xf32>
        %mul3A_842 = arith.mulf %sub3A_835, %add3A_841 : vector<16xf32>
        %add3A_843 = arith.constant 1.42459929 : f32
        %add3A_844 = vector.broadcast %add3A_843 : f32 to vector<16xf32>
        %add3A_845 = arith.addf %add3A_844, %mul3A_842 : vector<16xf32>
        %mul3A_846 = arith.mulf %sub3A_835, %add3A_845 : vector<16xf32>
        %sub3A_847 = arith.subi %mul3A_822, %get3A_809 : vector<16xi32>
        %shift_right_logical3A_848 = arith.constant 31 : i32
        %shift_right_logical3A_849 = vector.broadcast %shift_right_logical3A_848 : i32 to vector<16xi32>
        %shift_right_logical3A_850 = arith.shrui %sub3A_847, %shift_right_logical3A_849 : vector<16xi32>
        %add3A_851 = arith.addf %add3A_795, %mul3A_846 : vector<16xf32>
        %add3A_852 = arith.addi %add3A_796, %shift_right_logical3A_825 : vector<16xi32>
        %add3A_853 = arith.addi %add3A_797, %get3A_809 : vector<16xi32>
        %add3A_854 = arith.addi %add3A_798, %shift_right_logical3A_850 : vector<16xi32>
        %mul3A_855 = arith.constant 16 : i32
        %mul3A_856 = arith.muli %scan3A_630, %mul3A_855 : i32
        %get3A_857 = arith.constant 4 : i32
        %get3A_858 = arith.constant 0 : i32
        %get3A_859 = arith.constant 0 : i32
        %get3A_860 = tpu.memref_slice %arg8[%scan3A_167, %get3A_858, %get3A_859] : memref<2x8x2048xi32, #tpu.memory_space<vmem>> -> memref<1x8x2048xi32, #tpu.memory_space<vmem>>
        %get3A_861 = tpu.memref_squeeze %get3A_860 : memref<1x8x2048xi32, #tpu.memory_space<vmem>> -> memref<8x2048xi32, #tpu.memory_space<vmem>>
        %get3A_862 = arith.index_cast %get3A_857 : i32 to index
        %get3A_863 = arith.index_cast %mul3A_856 : i32 to index
        %get3A_864 = tpu.vector_load %get3A_861[%get3A_862, %get3A_863] {strides = array<i32>} : memref<8x2048xi32, #tpu.memory_space<vmem>>, vector<1x16xi32>,
        %get3A_865 = vector.shape_cast %get3A_864 : vector<1x16xi32> to vector<16xi32>
        %mul3A_866 = arith.constant 16 : i32
        %mul3A_867 = arith.muli %scan3A_630, %mul3A_866 : i32
        %get3A_868 = arith.constant 4 : i32
        %get3A_869 = arith.constant 0 : i32
        %get3A_870 = arith.constant 0 : i32
        %get3A_871 = tpu.memref_slice %arg9[%scan3A_168, %get3A_869, %get3A_870] : memref<2x8x2048xf32, #tpu.memory_space<vmem>> -> memref<1x8x2048xf32, #tpu.memory_space<vmem>>
        %get3A_872 = tpu.memref_squeeze %get3A_871 : memref<1x8x2048xf32, #tpu.memory_space<vmem>> -> memref<8x2048xf32, #tpu.memory_space<vmem>>
        %get3A_873 = arith.index_cast %get3A_868 : i32 to index
        %get3A_874 = arith.index_cast %mul3A_867 : i32 to index
        %get3A_875 = tpu.vector_load %get3A_872[%get3A_873, %get3A_874] {strides = array<i32>} : memref<8x2048xf32, #tpu.memory_space<vmem>>, vector<1x16xf32>,
        %get3A_876 = vector.shape_cast %get3A_875 : vector<1x16xf32> to vector<16xf32>
        %bitcast_convert_type3A_877 = tpu.bitcast %get3A_876 : vector<16xf32> -> vector<16xi32>
        %mul3A_878 = arith.muli %bitcast_convert_type3A_877, %get3A_865 : vector<16xi32>
        %shift_right_logical3A_879 = arith.constant 23 : i32
        %shift_right_logical3A_880 = vector.broadcast %shift_right_logical3A_879 : i32 to vector<16xi32>
        %shift_right_logical3A_881 = arith.shrui %mul3A_878, %shift_right_logical3A_880 : vector<16xi32>
        %and3A_882 = arith.constant 8388607 : i32
        %and3A_883 = vector.broadcast %and3A_882 : i32 to vector<16xi32>
        %and3A_884 = arith.andi %mul3A_878, %and3A_883 : vector<16xi32>
        %or3A_885 = arith.constant 1065353216 : i32
        %or3A_886 = vector.broadcast %or3A_885 : i32 to vector<16xi32>
        %or3A_887 = arith.ori %and3A_884, %or3A_886 : vector<16xi32>
        %bitcast_convert_type3A_888 = tpu.bitcast %or3A_887 : vector<16xi32> -> vector<16xf32>
        %sub3A_889 = arith.constant 1.000000e+00 : f32
        %sub3A_890 = vector.broadcast %sub3A_889 : f32 to vector<16xf32>
        %sub3A_891 = arith.subf %bitcast_convert_type3A_888, %sub3A_890 : vector<16xf32>
        %mul3A_892 = arith.constant 0.165404588 : f32
        %mul3A_893 = vector.broadcast %mul3A_892 : f32 to vector<16xf32>
        %mul3A_894 = arith.mulf %sub3A_891, %mul3A_893 : vector<16xf32>
        %add3A_895 = arith.constant -5.892300e-01 : f32
        %add3A_896 = vector.broadcast %add3A_895 : f32 to vector<16xf32>
        %add3A_897 = arith.addf %add3A_896, %mul3A_894 : vector<16xf32>
        %mul3A_898 = arith.mulf %sub3A_891, %add3A_897 : vector<16xf32>
        %add3A_899 = arith.constant 1.42459929 : f32
        %add3A_900 = vector.broadcast %add3A_899 : f32 to vector<16xf32>
        %add3A_901 = arith.addf %add3A_900, %mul3A_898 : vector<16xf32>
        %mul3A_902 = arith.mulf %sub3A_891, %add3A_901 : vector<16xf32>
        %sub3A_903 = arith.subi %mul3A_878, %get3A_865 : vector<16xi32>
        %shift_right_logical3A_904 = arith.constant 31 : i32
        %shift_right_logical3A_905 = vector.broadcast %shift_right_logical3A_904 : i32 to vector<16xi32>
        %shift_right_logical3A_906 = arith.shrui %sub3A_903, %shift_right_logical3A_905 : vector<16xi32>
        %add3A_907 = arith.addf %add3A_851, %mul3A_902 : vector<16xf32>
        %add3A_908 = arith.addi %add3A_852, %shift_right_logical3A_881 : vector<16xi32>
        %add3A_909 = arith.addi %add3A_853, %get3A_865 : vector<16xi32>
        %add3A_910 = arith.addi %add3A_854, %shift_right_logical3A_906 : vector<16xi32>
        %mul3A_911 = arith.constant 16 : i32
        %mul3A_912 = arith.muli %scan3A_630, %mul3A_911 : i32
        %get3A_913 = arith.constant 5 : i32
        %get3A_914 = arith.constant 0 : i32
        %get3A_915 = arith.constant 0 : i32
        %get3A_916 = tpu.memref_slice %arg8[%scan3A_167, %get3A_914, %get3A_915] : memref<2x8x2048xi32, #tpu.memory_space<vmem>> -> memref<1x8x2048xi32, #tpu.memory_space<vmem>>
        %get3A_917 = tpu.memref_squeeze %get3A_916 : memref<1x8x2048xi32, #tpu.memory_space<vmem>> -> memref<8x2048xi32, #tpu.memory_space<vmem>>
        %get3A_918 = arith.index_cast %get3A_913 : i32 to index
        %get3A_919 = arith.index_cast %mul3A_912 : i32 to index
        %get3A_920 = tpu.vector_load %get3A_917[%get3A_918, %get3A_919] {strides = array<i32>} : memref<8x2048xi32, #tpu.memory_space<vmem>>, vector<1x16xi32>,
        %get3A_921 = vector.shape_cast %get3A_920 : vector<1x16xi32> to vector<16xi32>
        %mul3A_922 = arith.constant 16 : i32
        %mul3A_923 = arith.muli %scan3A_630, %mul3A_922 : i32
        %get3A_924 = arith.constant 5 : i32
        %get3A_925 = arith.constant 0 : i32
        %get3A_926 = arith.constant 0 : i32
        %get3A_927 = tpu.memref_slice %arg9[%scan3A_168, %get3A_925, %get3A_926] : memref<2x8x2048xf32, #tpu.memory_space<vmem>> -> memref<1x8x2048xf32, #tpu.memory_space<vmem>>
        %get3A_928 = tpu.memref_squeeze %get3A_927 : memref<1x8x2048xf32, #tpu.memory_space<vmem>> -> memref<8x2048xf32, #tpu.memory_space<vmem>>
        %get3A_929 = arith.index_cast %get3A_924 : i32 to index
        %get3A_930 = arith.index_cast %mul3A_923 : i32 to index
        %get3A_931 = tpu.vector_load %get3A_928[%get3A_929, %get3A_930] {strides = array<i32>} : memref<8x2048xf32, #tpu.memory_space<vmem>>, vector<1x16xf32>,
        %get3A_932 = vector.shape_cast %get3A_931 : vector<1x16xf32> to vector<16xf32>
        %bitcast_convert_type3A_933 = tpu.bitcast %get3A_932 : vector<16xf32> -> vector<16xi32>
        %mul3A_934 = arith.muli %bitcast_convert_type3A_933, %get3A_921 : vector<16xi32>
        %shift_right_logical3A_935 = arith.constant 23 : i32
        %shift_right_logical3A_936 = vector.broadcast %shift_right_logical3A_935 : i32 to vector<16xi32>
        %shift_right_logical3A_937 = arith.shrui %mul3A_934, %shift_right_logical3A_936 : vector<16xi32>
        %and3A_938 = arith.constant 8388607 : i32
        %and3A_939 = vector.broadcast %and3A_938 : i32 to vector<16xi32>
        %and3A_940 = arith.andi %mul3A_934, %and3A_939 : vector<16xi32>
        %or3A_941 = arith.constant 1065353216 : i32
        %or3A_942 = vector.broadcast %or3A_941 : i32 to vector<16xi32>
        %or3A_943 = arith.ori %and3A_940, %or3A_942 : vector<16xi32>
        %bitcast_convert_type3A_944 = tpu.bitcast %or3A_943 : vector<16xi32> -> vector<16xf32>
        %sub3A_945 = arith.constant 1.000000e+00 : f32
        %sub3A_946 = vector.broadcast %sub3A_945 : f32 to vector<16xf32>
        %sub3A_947 = arith.subf %bitcast_convert_type3A_944, %sub3A_946 : vector<16xf32>
        %mul3A_948 = arith.constant 0.165404588 : f32
        %mul3A_949 = vector.broadcast %mul3A_948 : f32 to vector<16xf32>
        %mul3A_950 = arith.mulf %sub3A_947, %mul3A_949 : vector<16xf32>
        %add3A_951 = arith.constant -5.892300e-01 : f32
        %add3A_952 = vector.broadcast %add3A_951 : f32 to vector<16xf32>
        %add3A_953 = arith.addf %add3A_952, %mul3A_950 : vector<16xf32>
        %mul3A_954 = arith.mulf %sub3A_947, %add3A_953 : vector<16xf32>
        %add3A_955 = arith.constant 1.42459929 : f32
        %add3A_956 = vector.broadcast %add3A_955 : f32 to vector<16xf32>
        %add3A_957 = arith.addf %add3A_956, %mul3A_954 : vector<16xf32>
        %mul3A_958 = arith.mulf %sub3A_947, %add3A_957 : vector<16xf32>
        %sub3A_959 = arith.subi %mul3A_934, %get3A_921 : vector<16xi32>
        %shift_right_logical3A_960 = arith.constant 31 : i32
        %shift_right_logical3A_961 = vector.broadcast %shift_right_logical3A_960 : i32 to vector<16xi32>
        %shift_right_logical3A_962 = arith.shrui %sub3A_959, %shift_right_logical3A_961 : vector<16xi32>
        %add3A_963 = arith.addf %add3A_907, %mul3A_958 : vector<16xf32>
        %add3A_964 = arith.addi %add3A_908, %shift_right_logical3A_937 : vector<16xi32>
        %add3A_965 = arith.addi %add3A_909, %get3A_921 : vector<16xi32>
        %add3A_966 = arith.addi %add3A_910, %shift_right_logical3A_962 : vector<16xi32>
        %mul3A_967 = arith.constant 16 : i32
        %mul3A_968 = arith.muli %scan3A_630, %mul3A_967 : i32
        %get3A_969 = arith.constant 6 : i32
        %get3A_970 = arith.constant 0 : i32
        %get3A_971 = arith.constant 0 : i32
        %get3A_972 = tpu.memref_slice %arg8[%scan3A_167, %get3A_970, %get3A_971] : memref<2x8x2048xi32, #tpu.memory_space<vmem>> -> memref<1x8x2048xi32, #tpu.memory_space<vmem>>
        %get3A_973 = tpu.memref_squeeze %get3A_972 : memref<1x8x2048xi32, #tpu.memory_space<vmem>> -> memref<8x2048xi32, #tpu.memory_space<vmem>>
        %get3A_974 = arith.index_cast %get3A_969 : i32 to index
        %get3A_975 = arith.index_cast %mul3A_968 : i32 to index
        %get3A_976 = tpu.vector_load %get3A_973[%get3A_974, %get3A_975] {strides = array<i32>} : memref<8x2048xi32, #tpu.memory_space<vmem>>, vector<1x16xi32>,
        %get3A_977 = vector.shape_cast %get3A_976 : vector<1x16xi32> to vector<16xi32>
        %mul3A_978 = arith.constant 16 : i32
        %mul3A_979 = arith.muli %scan3A_630, %mul3A_978 : i32
        %get3A_980 = arith.constant 6 : i32
        %get3A_981 = arith.constant 0 : i32
        %get3A_982 = arith.constant 0 : i32
        %get3A_983 = tpu.memref_slice %arg9[%scan3A_168, %get3A_981, %get3A_982] : memref<2x8x2048xf32, #tpu.memory_space<vmem>> -> memref<1x8x2048xf32, #tpu.memory_space<vmem>>
        %get3A_984 = tpu.memref_squeeze %get3A_983 : memref<1x8x2048xf32, #tpu.memory_space<vmem>> -> memref<8x2048xf32, #tpu.memory_space<vmem>>
        %get3A_985 = arith.index_cast %get3A_980 : i32 to index
        %get3A_986 = arith.index_cast %mul3A_979 : i32 to index
        %get3A_987 = tpu.vector_load %get3A_984[%get3A_985, %get3A_986] {strides = array<i32>} : memref<8x2048xf32, #tpu.memory_space<vmem>>, vector<1x16xf32>,
        %get3A_988 = vector.shape_cast %get3A_987 : vector<1x16xf32> to vector<16xf32>
        %bitcast_convert_type3A_989 = tpu.bitcast %get3A_988 : vector<16xf32> -> vector<16xi32>
        %mul3A_990 = arith.muli %bitcast_convert_type3A_989, %get3A_977 : vector<16xi32>
        %shift_right_logical3A_991 = arith.constant 23 : i32
        %shift_right_logical3A_992 = vector.broadcast %shift_right_logical3A_991 : i32 to vector<16xi32>
        %shift_right_logical3A_993 = arith.shrui %mul3A_990, %shift_right_logical3A_992 : vector<16xi32>
        %and3A_994 = arith.constant 8388607 : i32
        %and3A_995 = vector.broadcast %and3A_994 : i32 to vector<16xi32>
        %and3A_996 = arith.andi %mul3A_990, %and3A_995 : vector<16xi32>
        %or3A_997 = arith.constant 1065353216 : i32
        %or3A_998 = vector.broadcast %or3A_997 : i32 to vector<16xi32>
        %or3A_999 = arith.ori %and3A_996, %or3A_998 : vector<16xi32>
        %bitcast_convert_type3A_1000 = tpu.bitcast %or3A_999 : vector<16xi32> -> vector<16xf32>
        %sub3A_1001 = arith.constant 1.000000e+00 : f32
        %sub3A_1002 = vector.broadcast %sub3A_1001 : f32 to vector<16xf32>
        %sub3A_1003 = arith.subf %bitcast_convert_type3A_1000, %sub3A_1002 : vector<16xf32>
        %mul3A_1004 = arith.constant 0.165404588 : f32
        %mul3A_1005 = vector.broadcast %mul3A_1004 : f32 to vector<16xf32>
        %mul3A_1006 = arith.mulf %sub3A_1003, %mul3A_1005 : vector<16xf32>
        %add3A_1007 = arith.constant -5.892300e-01 : f32
        %add3A_1008 = vector.broadcast %add3A_1007 : f32 to vector<16xf32>
        %add3A_1009 = arith.addf %add3A_1008, %mul3A_1006 : vector<16xf32>
        %mul3A_1010 = arith.mulf %sub3A_1003, %add3A_1009 : vector<16xf32>
        %add3A_1011 = arith.constant 1.42459929 : f32
        %add3A_1012 = vector.broadcast %add3A_1011 : f32 to vector<16xf32>
        %add3A_1013 = arith.addf %add3A_1012, %mul3A_1010 : vector<16xf32>
        %mul3A_1014 = arith.mulf %sub3A_1003, %add3A_1013 : vector<16xf32>
        %sub3A_1015 = arith.subi %mul3A_990, %get3A_977 : vector<16xi32>
        %shift_right_logical3A_1016 = arith.constant 31 : i32
        %shift_right_logical3A_1017 = vector.broadcast %shift_right_logical3A_1016 : i32 to vector<16xi32>
        %shift_right_logical3A_1018 = arith.shrui %sub3A_1015, %shift_right_logical3A_1017 : vector<16xi32>
        %add3A_1019 = arith.addf %add3A_963, %mul3A_1014 : vector<16xf32>
        %add3A_1020 = arith.addi %add3A_964, %shift_right_logical3A_993 : vector<16xi32>
        %add3A_1021 = arith.addi %add3A_965, %get3A_977 : vector<16xi32>
        %add3A_1022 = arith.addi %add3A_966, %shift_right_logical3A_1018 : vector<16xi32>
        %mul3A_1023 = arith.constant 16 : i32
        %mul3A_1024 = arith.muli %scan3A_630, %mul3A_1023 : i32
        %get3A_1025 = arith.constant 7 : i32
        %get3A_1026 = arith.constant 0 : i32
        %get3A_1027 = arith.constant 0 : i32
        %get3A_1028 = tpu.memref_slice %arg8[%scan3A_167, %get3A_1026, %get3A_1027] : memref<2x8x2048xi32, #tpu.memory_space<vmem>> -> memref<1x8x2048xi32, #tpu.memory_space<vmem>>
        %get3A_1029 = tpu.memref_squeeze %get3A_1028 : memref<1x8x2048xi32, #tpu.memory_space<vmem>> -> memref<8x2048xi32, #tpu.memory_space<vmem>>
        %get3A_1030 = arith.index_cast %get3A_1025 : i32 to index
        %get3A_1031 = arith.index_cast %mul3A_1024 : i32 to index
        %get3A_1032 = tpu.vector_load %get3A_1029[%get3A_1030, %get3A_1031] {strides = array<i32>} : memref<8x2048xi32, #tpu.memory_space<vmem>>, vector<1x16xi32>,
        %get3A_1033 = vector.shape_cast %get3A_1032 : vector<1x16xi32> to vector<16xi32>
        %mul3A_1034 = arith.constant 16 : i32
        %mul3A_1035 = arith.muli %scan3A_630, %mul3A_1034 : i32
        %get3A_1036 = arith.constant 7 : i32
        %get3A_1037 = arith.constant 0 : i32
        %get3A_1038 = arith.constant 0 : i32
        %get3A_1039 = tpu.memref_slice %arg9[%scan3A_168, %get3A_1037, %get3A_1038] : memref<2x8x2048xf32, #tpu.memory_space<vmem>> -> memref<1x8x2048xf32, #tpu.memory_space<vmem>>
        %get3A_1040 = tpu.memref_squeeze %get3A_1039 : memref<1x8x2048xf32, #tpu.memory_space<vmem>> -> memref<8x2048xf32, #tpu.memory_space<vmem>>
        %get3A_1041 = arith.index_cast %get3A_1036 : i32 to index
        %get3A_1042 = arith.index_cast %mul3A_1035 : i32 to index
        %get3A_1043 = tpu.vector_load %get3A_1040[%get3A_1041, %get3A_1042] {strides = array<i32>} : memref<8x2048xf32, #tpu.memory_space<vmem>>, vector<1x16xf32>,
        %get3A_1044 = vector.shape_cast %get3A_1043 : vector<1x16xf32> to vector<16xf32>
        %bitcast_convert_type3A_1045 = tpu.bitcast %get3A_1044 : vector<16xf32> -> vector<16xi32>
        %mul3A_1046 = arith.muli %bitcast_convert_type3A_1045, %get3A_1033 : vector<16xi32>
        %shift_right_logical3A_1047 = arith.constant 23 : i32
        %shift_right_logical3A_1048 = vector.broadcast %shift_right_logical3A_1047 : i32 to vector<16xi32>
        %shift_right_logical3A_1049 = arith.shrui %mul3A_1046, %shift_right_logical3A_1048 : vector<16xi32>
        %and3A_1050 = arith.constant 8388607 : i32
        %and3A_1051 = vector.broadcast %and3A_1050 : i32 to vector<16xi32>
        %and3A_1052 = arith.andi %mul3A_1046, %and3A_1051 : vector<16xi32>
        %or3A_1053 = arith.constant 1065353216 : i32
        %or3A_1054 = vector.broadcast %or3A_1053 : i32 to vector<16xi32>
        %or3A_1055 = arith.ori %and3A_1052, %or3A_1054 : vector<16xi32>
        %bitcast_convert_type3A_1056 = tpu.bitcast %or3A_1055 : vector<16xi32> -> vector<16xf32>
        %sub3A_1057 = arith.constant 1.000000e+00 : f32
        %sub3A_1058 = vector.broadcast %sub3A_1057 : f32 to vector<16xf32>
        %sub3A_1059 = arith.subf %bitcast_convert_type3A_1056, %sub3A_1058 : vector<16xf32>
        %mul3A_1060 = arith.constant 0.165404588 : f32
        %mul3A_1061 = vector.broadcast %mul3A_1060 : f32 to vector<16xf32>
        %mul3A_1062 = arith.mulf %sub3A_1059, %mul3A_1061 : vector<16xf32>
        %add3A_1063 = arith.constant -5.892300e-01 : f32
        %add3A_1064 = vector.broadcast %add3A_1063 : f32 to vector<16xf32>
        %add3A_1065 = arith.addf %add3A_1064, %mul3A_1062 : vector<16xf32>
        %mul3A_1066 = arith.mulf %sub3A_1059, %add3A_1065 : vector<16xf32>
        %add3A_1067 = arith.constant 1.42459929 : f32
        %add3A_1068 = vector.broadcast %add3A_1067 : f32 to vector<16xf32>
        %add3A_1069 = arith.addf %add3A_1068, %mul3A_1066 : vector<16xf32>
        %mul3A_1070 = arith.mulf %sub3A_1059, %add3A_1069 : vector<16xf32>
        %sub3A_1071 = arith.subi %mul3A_1046, %get3A_1033 : vector<16xi32>
        %shift_right_logical3A_1072 = arith.constant 31 : i32
        %shift_right_logical3A_1073 = vector.broadcast %shift_right_logical3A_1072 : i32 to vector<16xi32>
        %shift_right_logical3A_1074 = arith.shrui %sub3A_1071, %shift_right_logical3A_1073 : vector<16xi32>
        %add3A_1075 = arith.addf %add3A_1019, %mul3A_1070 : vector<16xf32>
        %add3A_1076 = arith.addi %add3A_1020, %shift_right_logical3A_1049 : vector<16xi32>
        %add3A_1077 = arith.addi %add3A_1021, %get3A_1033 : vector<16xi32>
        %add3A_1078 = arith.addi %add3A_1022, %shift_right_logical3A_1074 : vector<16xi32>
        scf.yield %add3A_1075, %add3A_1076, %add3A_1077, %add3A_1078 : vector<16xf32>, vector<16xi32>, vector<16xi32>, vector<16xi32>
      }
      %scan3A_174 = arith.constant 128 : i32
      %add3A_175 = arith.constant 2 : i32
      %add3A_176 = arith.addi %add3A_136, %add3A_175 : i32
      %lt3A_177 = arith.constant 8 : i32
      %lt3A_178 = arith.cmpi slt, %add3A_176, %lt3A_177 : i32
      %convert_element_type3A_179 = arith.extui %lt3A_178 : i1 to i32
      %cond3A_180 = arith.constant 0 : i32
      %cond3A_181 = arith.cmpi ne, %convert_element_type3A_179, %cond3A_180 : i32
      scf.if %cond3A_181 {
        %add3A_182 = arith.constant 2 : i32
        %add3A_183 = arith.addi %add3A_136, %add3A_182 : i32
        %mul3A_184 = arith.constant 8 : i32
        %mul3A_185 = arith.muli %add3A_183, %mul3A_184 : i32
        %add3A_186 = arith.addi %add3A_4, %mul3A_185 : i32
        %dma_start3A_187 = arith.constant 1 : i32
        %dma_start3A_188 = arith.constant 0 : i32
        %dma_start3A_189 = arith.constant 0 : i32
        %dma_start3A_190 = tpu.memref_slice %arg8[%dma_start3A_187, %dma_start3A_188, %dma_start3A_189] : memref<2x8x2048xi32, #tpu.memory_space<vmem>> -> memref<1x8x2048xi32, #tpu.memory_space<vmem>>
        %dma_start3A_191 = tpu.memref_squeeze %dma_start3A_190 : memref<1x8x2048xi32, #tpu.memory_space<vmem>> -> memref<8x2048xi32, #tpu.memory_space<vmem>>
        %dma_start3A_192 = arith.constant 0 : i32
        %dma_start3A_193 = tpu.memref_slice %arg2[%add3A_186, %dma_start3A_192] : memref<8192x2048xi32, #tpu.memory_space<hbm>> -> memref<8x2048xi32, #tpu.memory_space<hbm>>
        %dma_start3A_194 = arith.constant 0 : i32
        %dma_start3A_195 = arith.constant 0 : i32
        %dma_start3A_196 = tpu.memref_slice %arg8[%dma_start3A_187, %dma_start3A_194, %dma_start3A_195] : memref<2x8x2048xi32, #tpu.memory_space<vmem>> -> memref<1x8x2048xi32, #tpu.memory_space<vmem>>
        %dma_start3A_197 = tpu.memref_squeeze %dma_start3A_196 : memref<1x8x2048xi32, #tpu.memory_space<vmem>> -> memref<8x2048xi32, #tpu.memory_space<vmem>>
        %dma_start3A_198 = arith.constant 0 : i32
        %dma_start3A_199 = tpu.memref_slice %arg2[%add3A_186, %dma_start3A_198] : memref<8192x2048xi32, #tpu.memory_space<hbm>> -> memref<8x2048xi32, #tpu.memory_space<hbm>>
        tpu.enqueue_dma source(%dma_start3A_199 : memref<8x2048xi32, #tpu.memory_space<hbm>>) target(%dma_start3A_197 : memref<8x2048xi32, #tpu.memory_space<vmem>>) target_semaphore(%arg15 : memref<!tpu.dma_semaphore, #tpu.memory_space<semaphore_mem>>)
        %dma_start3A_200 = arith.constant 1 : i32
        %dma_start3A_201 = arith.constant 0 : i32
        %dma_start3A_202 = arith.constant 0 : i32
        %dma_start3A_203 = tpu.memref_slice %arg9[%dma_start3A_200, %dma_start3A_201, %dma_start3A_202] : memref<2x8x2048xf32, #tpu.memory_space<vmem>> -> memref<1x8x2048xf32, #tpu.memory_space<vmem>>
        %dma_start3A_204 = tpu.memref_squeeze %dma_start3A_203 : memref<1x8x2048xf32, #tpu.memory_space<vmem>> -> memref<8x2048xf32, #tpu.memory_space<vmem>>
        %dma_start3A_205 = arith.constant 0 : i32
        %dma_start3A_206 = tpu.memref_slice %arg3[%add3A_186, %dma_start3A_205] : memref<8192x2048xf32, #tpu.memory_space<hbm>> -> memref<8x2048xf32, #tpu.memory_space<hbm>>
        %dma_start3A_207 = arith.constant 0 : i32
        %dma_start3A_208 = arith.constant 0 : i32
        %dma_start3A_209 = tpu.memref_slice %arg9[%dma_start3A_200, %dma_start3A_207, %dma_start3A_208] : memref<2x8x2048xf32, #tpu.memory_space<vmem>> -> memref<1x8x2048xf32, #tpu.memory_space<vmem>>
        %dma_start3A_210 = tpu.memref_squeeze %dma_start3A_209 : memref<1x8x2048xf32, #tpu.memory_space<vmem>> -> memref<8x2048xf32, #tpu.memory_space<vmem>>
        %dma_start3A_211 = arith.constant 0 : i32
        %dma_start3A_212 = tpu.memref_slice %arg3[%add3A_186, %dma_start3A_211] : memref<8192x2048xf32, #tpu.memory_space<hbm>> -> memref<8x2048xf32, #tpu.memory_space<hbm>>
        tpu.enqueue_dma source(%dma_start3A_212 : memref<8x2048xf32, #tpu.memory_space<hbm>>) target(%dma_start3A_210 : memref<8x2048xf32, #tpu.memory_space<vmem>>) target_semaphore(%arg15 : memref<!tpu.dma_semaphore, #tpu.memory_space<semaphore_mem>>)
      } else {
      }
      scf.yield %scan3A_173#0, %scan3A_173#1, %scan3A_173#2, %scan3A_173#3 : vector<16xf32>, vector<16xi32>, vector<16xi32>, vector<16xi32>
    }
    %scan3A_67 = arith.constant 4 : i32
    %swap3A = arith.constant 0 : index
    %swap3A_68 = tpu.vector_load %arg10[%swap3A] {strides = array<i32>} : memref<16xf32, #tpu.memory_space<vmem>>, vector<16xf32>,
    %swap3A_69 = vector.shape_cast %swap3A_68 : vector<16xf32> to vector<16xf32>
    %swap3A_70 = vector.shape_cast %scan3A_66#0 : vector<16xf32> to vector<16xf32>
    tpu.vector_store %arg10[%swap3A], %swap3A_70 {strides = array<i32>} : memref<16xf32, #tpu.memory_space<vmem>>, vector<16xf32>,
    %swap3A_71 = arith.constant 0 : index
    %swap3A_72 = tpu.vector_load %arg11[%swap3A_71] {strides = array<i32>} : memref<16xi32, #tpu.memory_space<vmem>>, vector<16xi32>,
    %swap3A_73 = vector.shape_cast %swap3A_72 : vector<16xi32> to vector<16xi32>
    %swap3A_74 = vector.shape_cast %scan3A_66#1 : vector<16xi32> to vector<16xi32>
    tpu.vector_store %arg11[%swap3A_71], %swap3A_74 {strides = array<i32>} : memref<16xi32, #tpu.memory_space<vmem>>, vector<16xi32>,
    %swap3A_75 = arith.constant 0 : index
    %swap3A_76 = tpu.vector_load %arg12[%swap3A_75] {strides = array<i32>} : memref<16xi32, #tpu.memory_space<vmem>>, vector<16xi32>,
    %swap3A_77 = vector.shape_cast %swap3A_76 : vector<16xi32> to vector<16xi32>
    %swap3A_78 = vector.shape_cast %scan3A_66#2 : vector<16xi32> to vector<16xi32>
    tpu.vector_store %arg12[%swap3A_75], %swap3A_78 {strides = array<i32>} : memref<16xi32, #tpu.memory_space<vmem>>, vector<16xi32>,
    %swap3A_79 = arith.constant 0 : index
    %swap3A_80 = tpu.vector_load %arg13[%swap3A_79] {strides = array<i32>} : memref<16xi32, #tpu.memory_space<vmem>>, vector<16xi32>,
    %swap3A_81 = vector.shape_cast %swap3A_80 : vector<16xi32> to vector<16xi32>
    %swap3A_82 = vector.shape_cast %scan3A_66#3 : vector<16xi32> to vector<16xi32>
    tpu.vector_store %arg13[%swap3A_79], %swap3A_82 {strides = array<i32>} : memref<16xi32, #tpu.memory_space<vmem>>, vector<16xi32>,
    "tpu.region"() ({
      %run_scoped3A = tpu.sem_alloc : memref<!tpu.dma_semaphore, #tpu.memory_space<semaphore_mem>>
      %dma_start3A_83 = arith.constant 0 : i32
      %dma_start3A_84 = tpu.memref_slice %arg4[%add3A, %dma_start3A_83] : memref<32x16xf32, #tpu.memory_space<hbm>> -> memref<1x16xf32, #tpu.memory_space<hbm>>
      %dma_start3A_85 = tpu.memref_squeeze %dma_start3A_84 : memref<1x16xf32, #tpu.memory_space<hbm>> -> memref<16xf32, #tpu.memory_space<hbm>>
      %dma_start3A_86 = arith.constant 0 : i32
      %dma_start3A_87 = tpu.memref_slice %arg4[%add3A, %dma_start3A_86] : memref<32x16xf32, #tpu.memory_space<hbm>> -> memref<1x16xf32, #tpu.memory_space<hbm>>
      %dma_start3A_88 = tpu.memref_squeeze %dma_start3A_87 : memref<1x16xf32, #tpu.memory_space<hbm>> -> memref<16xf32, #tpu.memory_space<hbm>>
      tpu.enqueue_dma source(%arg10 : memref<16xf32, #tpu.memory_space<vmem>>) target(%dma_start3A_88 : memref<16xf32, #tpu.memory_space<hbm>>) target_semaphore(%run_scoped3A : memref<!tpu.dma_semaphore, #tpu.memory_space<semaphore_mem>>)
      %dma_wait3A = arith.constant 0 : i32
      %dma_wait3A_89 = tpu.memref_slice %arg4[%add3A, %dma_wait3A] : memref<32x16xf32, #tpu.memory_space<hbm>> -> memref<1x16xf32, #tpu.memory_space<hbm>>
      %dma_wait3A_90 = tpu.memref_squeeze %dma_wait3A_89 : memref<1x16xf32, #tpu.memory_space<hbm>> -> memref<16xf32, #tpu.memory_space<hbm>>
      %dma_wait3A_91 = arith.constant 0 : i32
      %dma_wait3A_92 = tpu.memref_slice %arg4[%add3A, %dma_wait3A_91] : memref<32x16xf32, #tpu.memory_space<hbm>> -> memref<1x16xf32, #tpu.memory_space<hbm>>
      %dma_wait3A_93 = tpu.memref_squeeze %dma_wait3A_92 : memref<1x16xf32, #tpu.memory_space<hbm>> -> memref<16xf32, #tpu.memory_space<hbm>>
      tpu.wait_dma2 semaphore(%run_scoped3A : memref<!tpu.dma_semaphore, #tpu.memory_space<semaphore_mem>>) src(%arg10 : memref<16xf32, #tpu.memory_space<vmem>>) dst(%dma_wait3A_93 : memref<16xf32, #tpu.memory_space<hbm>>)
      tpu.yield
    }) : () -> ()
    "tpu.region"() ({
      %run_scoped3A = tpu.sem_alloc : memref<!tpu.dma_semaphore, #tpu.memory_space<semaphore_mem>>
      %dma_start3A_83 = arith.constant 0 : i32
      %dma_start3A_84 = tpu.memref_slice %arg5[%add3A, %dma_start3A_83] : memref<32x16xi32, #tpu.memory_space<hbm>> -> memref<1x16xi32, #tpu.memory_space<hbm>>
      %dma_start3A_85 = tpu.memref_squeeze %dma_start3A_84 : memref<1x16xi32, #tpu.memory_space<hbm>> -> memref<16xi32, #tpu.memory_space<hbm>>
      %dma_start3A_86 = arith.constant 0 : i32
      %dma_start3A_87 = tpu.memref_slice %arg5[%add3A, %dma_start3A_86] : memref<32x16xi32, #tpu.memory_space<hbm>> -> memref<1x16xi32, #tpu.memory_space<hbm>>
      %dma_start3A_88 = tpu.memref_squeeze %dma_start3A_87 : memref<1x16xi32, #tpu.memory_space<hbm>> -> memref<16xi32, #tpu.memory_space<hbm>>
      tpu.enqueue_dma source(%arg11 : memref<16xi32, #tpu.memory_space<vmem>>) target(%dma_start3A_88 : memref<16xi32, #tpu.memory_space<hbm>>) target_semaphore(%run_scoped3A : memref<!tpu.dma_semaphore, #tpu.memory_space<semaphore_mem>>)
      %dma_wait3A = arith.constant 0 : i32
      %dma_wait3A_89 = tpu.memref_slice %arg5[%add3A, %dma_wait3A] : memref<32x16xi32, #tpu.memory_space<hbm>> -> memref<1x16xi32, #tpu.memory_space<hbm>>
      %dma_wait3A_90 = tpu.memref_squeeze %dma_wait3A_89 : memref<1x16xi32, #tpu.memory_space<hbm>> -> memref<16xi32, #tpu.memory_space<hbm>>
      %dma_wait3A_91 = arith.constant 0 : i32
      %dma_wait3A_92 = tpu.memref_slice %arg5[%add3A, %dma_wait3A_91] : memref<32x16xi32, #tpu.memory_space<hbm>> -> memref<1x16xi32, #tpu.memory_space<hbm>>
      %dma_wait3A_93 = tpu.memref_squeeze %dma_wait3A_92 : memref<1x16xi32, #tpu.memory_space<hbm>> -> memref<16xi32, #tpu.memory_space<hbm>>
      tpu.wait_dma2 semaphore(%run_scoped3A : memref<!tpu.dma_semaphore, #tpu.memory_space<semaphore_mem>>) src(%arg11 : memref<16xi32, #tpu.memory_space<vmem>>) dst(%dma_wait3A_93 : memref<16xi32, #tpu.memory_space<hbm>>)
      tpu.yield
    }) : () -> ()
    "tpu.region"() ({
      %run_scoped3A = tpu.sem_alloc : memref<!tpu.dma_semaphore, #tpu.memory_space<semaphore_mem>>
      %dma_start3A_83 = arith.constant 0 : i32
      %dma_start3A_84 = tpu.memref_slice %arg6[%add3A, %dma_start3A_83] : memref<32x16xi32, #tpu.memory_space<hbm>> -> memref<1x16xi32, #tpu.memory_space<hbm>>
      %dma_start3A_85 = tpu.memref_squeeze %dma_start3A_84 : memref<1x16xi32, #tpu.memory_space<hbm>> -> memref<16xi32, #tpu.memory_space<hbm>>
      %dma_start3A_86 = arith.constant 0 : i32
      %dma_start3A_87 = tpu.memref_slice %arg6[%add3A, %dma_start3A_86] : memref<32x16xi32, #tpu.memory_space<hbm>> -> memref<1x16xi32, #tpu.memory_space<hbm>>
      %dma_start3A_88 = tpu.memref_squeeze %dma_start3A_87 : memref<1x16xi32, #tpu.memory_space<hbm>> -> memref<16xi32, #tpu.memory_space<hbm>>
      tpu.enqueue_dma source(%arg12 : memref<16xi32, #tpu.memory_space<vmem>>) target(%dma_start3A_88 : memref<16xi32, #tpu.memory_space<hbm>>) target_semaphore(%run_scoped3A : memref<!tpu.dma_semaphore, #tpu.memory_space<semaphore_mem>>)
      %dma_wait3A = arith.constant 0 : i32
      %dma_wait3A_89 = tpu.memref_slice %arg6[%add3A, %dma_wait3A] : memref<32x16xi32, #tpu.memory_space<hbm>> -> memref<1x16xi32, #tpu.memory_space<hbm>>
      %dma_wait3A_90 = tpu.memref_squeeze %dma_wait3A_89 : memref<1x16xi32, #tpu.memory_space<hbm>> -> memref<16xi32, #tpu.memory_space<hbm>>
      %dma_wait3A_91 = arith.constant 0 : i32
      %dma_wait3A_92 = tpu.memref_slice %arg6[%add3A, %dma_wait3A_91] : memref<32x16xi32, #tpu.memory_space<hbm>> -> memref<1x16xi32, #tpu.memory_space<hbm>>
      %dma_wait3A_93 = tpu.memref_squeeze %dma_wait3A_92 : memref<1x16xi32, #tpu.memory_space<hbm>> -> memref<16xi32, #tpu.memory_space<hbm>>
      tpu.wait_dma2 semaphore(%run_scoped3A : memref<!tpu.dma_semaphore, #tpu.memory_space<semaphore_mem>>) src(%arg12 : memref<16xi32, #tpu.memory_space<vmem>>) dst(%dma_wait3A_93 : memref<16xi32, #tpu.memory_space<hbm>>)
      tpu.yield
    }) : () -> ()
    "tpu.region"() ({
      %run_scoped3A = tpu.sem_alloc : memref<!tpu.dma_semaphore, #tpu.memory_space<semaphore_mem>>
      %dma_start3A_83 = arith.constant 0 : i32
      %dma_start3A_84 = tpu.memref_slice %arg7[%add3A, %dma_start3A_83] : memref<32x16xi32, #tpu.memory_space<hbm>> -> memref<1x16xi32, #tpu.memory_space<hbm>>
      %dma_start3A_85 = tpu.memref_squeeze %dma_start3A_84 : memref<1x16xi32, #tpu.memory_space<hbm>> -> memref<16xi32, #tpu.memory_space<hbm>>
      %dma_start3A_86 = arith.constant 0 : i32
      %dma_start3A_87 = tpu.memref_slice %arg7[%add3A, %dma_start3A_86] : memref<32x16xi32, #tpu.memory_space<hbm>> -> memref<1x16xi32, #tpu.memory_space<hbm>>
      %dma_start3A_88 = tpu.memref_squeeze %dma_start3A_87 : memref<1x16xi32, #tpu.memory_space<hbm>> -> memref<16xi32, #tpu.memory_space<hbm>>
      tpu.enqueue_dma source(%arg13 : memref<16xi32, #tpu.memory_space<vmem>>) target(%dma_start3A_88 : memref<16xi32, #tpu.memory_space<hbm>>) target_semaphore(%run_scoped3A : memref<!tpu.dma_semaphore, #tpu.memory_space<semaphore_mem>>)
      %dma_wait3A = arith.constant 0 : i32
      %dma_wait3A_89 = tpu.memref_slice %arg7[%add3A, %dma_wait3A] : memref<32x16xi32, #tpu.memory_space<hbm>> -> memref<1x16xi32, #tpu.memory_space<hbm>>
      %dma_wait3A_90 = tpu.memref_squeeze %dma_wait3A_89 : memref<1x16xi32, #tpu.memory_space<hbm>> -> memref<16xi32, #tpu.memory_space<hbm>>
      %dma_wait3A_91 = arith.constant 0 : i32
      %dma_wait3A_92 = tpu.memref_slice %arg7[%add3A, %dma_wait3A_91] : memref<32x16xi32, #tpu.memory_space<hbm>> -> memref<1x16xi32, #tpu.memory_space<hbm>>
      %dma_wait3A_93 = tpu.memref_squeeze %dma_wait3A_92 : memref<1x16xi32, #tpu.memory_space<hbm>> -> memref<16xi32, #tpu.memory_space<hbm>>
      tpu.wait_dma2 semaphore(%run_scoped3A : memref<!tpu.dma_semaphore, #tpu.memory_space<semaphore_mem>>) src(%arg13 : memref<16xi32, #tpu.memory_space<vmem>>) dst(%dma_wait3A_93 : memref<16xi32, #tpu.memory_space<hbm>>)
      tpu.yield
    }) : () -> ()
    return
  }
}

module attributes {stable_mosaic.version = 14 : i64} {
  func.func @_tc_body(%arg0: i32, %arg1: memref<512x2048xi32, #tpu.memory_space<vmem>>, %arg2: memref<512x2048xf32, #tpu.memory_space<vmem>>, %arg3: memref<1x1xf32, #tpu.memory_space<smem>>, %arg4: memref<1x1xi32, #tpu.memory_space<smem>>) attributes {dimension_semantics = [#tpu.dimension_semantics<arbitrary>], iteration_bounds = array<i64: 12>, scalar_prefetch = 0 : i64, scratch_operands = 0 : i64, tpu.core_type = #tpu.core_type<tc>, window_params = [{transform_indices = @transform_0, window_bounds = array<i64: 512, 2048>}, {transform_indices = @transform_1, window_bounds = array<i64: 512, 2048>}, {transform_indices = @transform_2, window_bounds = array<i64: 1, 1>}, {transform_indices = @transform_3, window_bounds = array<i64: 1, 1>}]} {
    %get3A = arith.constant 0 : index
    %get3A_0 = arith.constant 0 : index
    %get3A_1 = vector.load %arg1[%get3A, %get3A_0] : memref<512x2048xi32, #tpu.memory_space<vmem>>, vector<512x2048xi32>
    %eq3A = arith.constant 1 : i32
    %eq3A_2 = vector.broadcast %eq3A : i32 to vector<512x2048xi32>
    %eq3A_3 = arith.cmpi eq, %get3A_1, %eq3A_2 : vector<512x2048xi32>
    %get3A_4 = arith.constant 0 : index
    %get3A_5 = arith.constant 0 : index
    %get3A_6 = vector.load %arg2[%get3A_4, %get3A_5] : memref<512x2048xf32, #tpu.memory_space<vmem>>, vector<512x2048xf32>
    %log3A = math.log %get3A_6 : vector<512x2048xf32>
    %jit3A = arith.constant 0.000000e+00 : f32
    %broadcast_in_dim3A = vector.broadcast %jit3A : f32 to vector<512x2048xf32>
    %select_n3A = arith.select %eq3A_3, %log3A, %broadcast_in_dim3A : vector<512x2048xi1>, vector<512x2048xf32>
    %reduce_sum3A = vector.shape_cast %select_n3A : vector<512x2048xf32> to vector<1x512x2048xf32>
    %reduce_sum3A_7 = arith.constant dense<0.000000e+00> : vector<1xf32>
    %reduce_sum3A_8 = vector.multi_reduction <add>, %reduce_sum3A, %reduce_sum3A_7 [1, 2] : vector<1x512x2048xf32> to vector<1xf32>
    %reduce_sum3A_9 = vector.shape_cast %reduce_sum3A_8 : vector<1xf32> to vector<1x1x1xf32>
    %reduce_sum3A_10 = vector.extract %reduce_sum3A_9[0, 0, 0] : f32 from vector<1x1x1xf32>
    %reduce_sum3A_11 = vector.shape_cast %get3A_1 : vector<512x2048xi32> to vector<1x512x2048xi32>
    %reduce_sum3A_12 = arith.constant dense<0> : vector<1xi32>
    %reduce_sum3A_13 = vector.multi_reduction <add>, %reduce_sum3A_11, %reduce_sum3A_12 [1, 2] : vector<1x512x2048xi32> to vector<1xi32>
    %reduce_sum3A_14 = vector.shape_cast %reduce_sum3A_13 : vector<1xi32> to vector<1x1x1xi32>
    %reduce_sum3A_15 = vector.extract %reduce_sum3A_14[0, 0, 0] : i32 from vector<1x1x1xi32>
    %eq3A_16 = arith.constant 0 : i32
    %eq3A_17 = arith.cmpi eq, %arg0, %eq3A_16 : i32
    %convert_element_type3A = arith.extui %eq3A_17 : i1 to i32
    %cond3A = arith.constant 0 : i32
    %cond3A_18 = arith.cmpi ne, %convert_element_type3A, %cond3A : i32
    scf.if %cond3A_18 {
      %swap3A = arith.constant 0 : index
      %swap3A_23 = arith.constant 0 : index
      %swap3A_24 = memref.load %arg3[%swap3A, %swap3A_23] : memref<1x1xf32, #tpu.memory_space<smem>>
      memref.store %reduce_sum3A_10, %arg3[%swap3A, %swap3A_23] : memref<1x1xf32, #tpu.memory_space<smem>>
      %swap3A_25 = arith.constant 0 : index
      %swap3A_26 = arith.constant 0 : index
      %swap3A_27 = memref.load %arg4[%swap3A_25, %swap3A_26] : memref<1x1xi32, #tpu.memory_space<smem>>
      memref.store %reduce_sum3A_15, %arg4[%swap3A_25, %swap3A_26] : memref<1x1xi32, #tpu.memory_space<smem>>
    } else {
    }
    %ne3A = arith.constant 0 : i32
    %ne3A_19 = arith.cmpi ne, %arg0, %ne3A : i32
    %convert_element_type3A_20 = arith.extui %ne3A_19 : i1 to i32
    %cond3A_21 = arith.constant 0 : i32
    %cond3A_22 = arith.cmpi ne, %convert_element_type3A_20, %cond3A_21 : i32
    scf.if %cond3A_22 {
      %get3A_23 = arith.constant 0 : index
      %get3A_24 = arith.constant 0 : index
      %get3A_25 = memref.load %arg3[%get3A_23, %get3A_24] : memref<1x1xf32, #tpu.memory_space<smem>>
      %add3A = arith.addf %get3A_25, %reduce_sum3A_10 : f32
      %swap3A = arith.constant 0 : index
      %swap3A_26 = arith.constant 0 : index
      %swap3A_27 = memref.load %arg3[%swap3A, %swap3A_26] : memref<1x1xf32, #tpu.memory_space<smem>>
      memref.store %add3A, %arg3[%swap3A, %swap3A_26] : memref<1x1xf32, #tpu.memory_space<smem>>
      %get3A_28 = arith.constant 0 : index
      %get3A_29 = arith.constant 0 : index
      %get3A_30 = memref.load %arg4[%get3A_28, %get3A_29] : memref<1x1xi32, #tpu.memory_space<smem>>
      %add3A_31 = arith.addi %get3A_30, %reduce_sum3A_15 : i32
      %swap3A_32 = arith.constant 0 : index
      %swap3A_33 = arith.constant 0 : index
      %swap3A_34 = memref.load %arg4[%swap3A_32, %swap3A_33] : memref<1x1xi32, #tpu.memory_space<smem>>
      memref.store %add3A_31, %arg4[%swap3A_32, %swap3A_33] : memref<1x1xi32, #tpu.memory_space<smem>>
    } else {
    }
    return
  }
  func.func @transform_0(%arg0: i32) -> (i32, i32) {
    %c0_i32 = arith.constant 0 : i32
    %c0_i32_0 = arith.constant 0 : i32
    return %arg0, %c0_i32 : i32, i32
  }
  func.func @transform_1(%arg0: i32) -> (i32, i32) {
    %c0_i32 = arith.constant 0 : i32
    %c0_i32_0 = arith.constant 0 : i32
    return %arg0, %c0_i32 : i32, i32
  }
  func.func @transform_2(%arg0: i32) -> (i32, i32) {
    %c0_i32 = arith.constant 0 : i32
    %c0_i32_0 = arith.constant 0 : i32
    %c0_i32_1 = arith.constant 0 : i32
    return %c0_i32, %c0_i32_0 : i32, i32
  }
  func.func @transform_3(%arg0: i32) -> (i32, i32) {
    %c0_i32 = arith.constant 0 : i32
    %c0_i32_0 = arith.constant 0 : i32
    %c0_i32_1 = arith.constant 0 : i32
    return %c0_i32, %c0_i32_0 : i32, i32
  }
}

</mosaic_0001>

<sc_bundles>
// kernel: kernel.4.cloned.1.call-start
scs
__scs_entry_jumppad:
0x0: {  	(pc) =	sbr.rel $0x88, $3  }
0x1: {  	(tag) =	ssettag $0x0;
	lr =	simm.s32 $0x1  }
0x2: {  	[smem:$0x3F9F] =	sst lr;
	_ =	strace $0xD0000000  }
0x3: {  	_ = 	snop  }
0x4: {  	_ = 	snop  }
0x5: {  	_ = 	snop  }
0x6: {  	_ = 	snop  }
0x7: {  	_ = 	snop  }
__scs_overlays_trampoline_lowered:
0x8: {  	[smem:$0x3FAE] =	sst s0  }
0x9: {  	[smem:$0x3FAF] =	sst s1  }
0xa: {  	[smem:$0x3FB0] =	sst s2  }
0xb: {  	[smem:$0x3FB1] =	sst s3  }
0xc: {  	[smem:$0x3FB2] =	sst s4  }
0xd: {  	[smem:$0x3FB3] =	sst s5  }
0xe: {  	[smem:$0x3FB4] =	sst s6  }
0xf: {  	[smem:$0x3FB5] =	sst s7  }
0x10: {  	[smem:$0x3FB6] =	sst s8  }
0x11: {  	[smem:$0x3FB7] =	sst s9;
	s0 =	simm.s32 @!p0 $0x0  }
0x12: {  	s1 =	sld [smem:$0x3F9D];
	s0 =	simm.s32 @p0 $0x1  }
0x13: {  	[smem:$0x3FB8] =	sst s0;
	s0 =	simm.s32 @!p1 $0x0  }
0x14: {  	s2 =	sld [smem:$0x3F9C];
	s0 =	simm.s32 @p1 $0x1  }
0x15: {  	[smem:$0x3FB9] =	sst s0;
	s0 =	simm.s32 @!p2 $0x0  }
0x16: {  	s3 =	sld [smem:$0x3FDB];
	s0 =	simm.s32 @p2 $0x1  }
0x17: {  	s4 =	simm.s32 $0x1BF5;
	[smem:$0x3FBB] =	sst s0  }
0x18: {  	s0 =	sld [smem:$0x3F9E];
	_ =	swait.ge [sflag:s4], $0x0  }
0x19: {  	s7 =	sld [smem:$0x3F9F]  }
0x1a: {  	s8 =	sadd.s32 $0xFFFFE003, lr  }
0x1b: {  	s9 =	sadd.s32 $0xFFFFFEF7, lr;
	s5 =	simm.s32 $0xFFFFFFFF;
	p2 =	slt.u32 s8, $0xFFFFF086  }
0x1c: {  	p1 =	slt.u32 s9, $0xF7A;
	s5 =	simm.s32 @!p2 $0x0  }
0x1d: {  	s5 =	simm.s32 @p1 $0x1;
	p0 =	seq.s32 s7, s2  }
0x1e: {  	s7 =	smul.u32 @!p0 $0xF7A, s2;
	p2 =	seq.s32 @!p0 s5, $0x0  }
0x1f: {  	s9 =	smul.u32 $0xF7A, s1;
	s8 =	simm.s32 @!p0 $0x1BF5;
	p2 =	por !p2, p0  }
0x20: {  	[sflag:s8] =	ssyncset.s32 @!p0 $0xFFFFF086;
	s6 =	sadd.s32 @!p0 s3, s7;
	s7 =	simm.s32 @!p0 $0x108  }
0x21: {  	s3 =	sadd.s32 s3, s9;
	s6 =	sadd.s32 @!p0 $0x88, s6;
	s7 =	simm.s32 @p2 $0x1082  }
0x22: {  	[simem:s7], [sflag:s8] =	dma.local @!p0 [hbm:s6], $0xF7A  }
0x23: {  	s9 =	sor.u32 $0xD0000000, s2;
	s6 =	simm.s32 $0x108;
	_ =	swait.ge @!p0 [sflag:s8], $0x0  }
0x24: {  	s3 =	sadd.s32 $0x88, s3;
	s6 =	simm.s32 @!p1 $0x1082;
	[sflag:s4] =	ssyncset.s32 $0xFFFFF086  }
0x25: {  	[simem:s6], [sflag:s4] =	dma.local [hbm:s3], $0xF7A  }
0x26: {  	[smem:$0x3F9F] =	sst s1;
	(tag) =	ssettag s2;
	_ =	strace s9  }
0x27: {  	s1 =	sld [smem:$0x3FAF]  }
0x28: {  	s2 =	sld [smem:$0x3FB0]  }
0x29: {  	s4 =	sld [smem:$0x3FB2]  }
0x2a: {  	p0 =	seq.s32 s5, $0x0;
	s5 =	sld [smem:$0x3FB3]  }
0x2b: {  	s6 =	sld [smem:$0x3FB4]  }
0x2c: {  	s7 =	sld [smem:$0x3FB5]  }
0x2d: {  	s3 =	simm.s32 $0x108;
	s8 =	sld [smem:$0x3FB6]  }
0x2e: {  	s3 =	simm.s32 @!p0 $0x1082;
	s9 =	sld [smem:$0x3FB7]  }
0x2f: {  	lr =	sadd.s32 s0, s3;
	s0 =	sld [smem:$0x3FAE]  }
0x30: {  	s3 =	sld [smem:$0x3FB1]  }
0x31: {  	[smem:$0x3FBA] =	sst s10  }
0x32: {  	s10 =	sld [smem:$0x3FB8];
	_ =	sdelay $0x3  }
0x33: {  	p0 =	seq.s32 s10, $0x1;
	s10 =	sld [smem:$0x3FBA];
	_ =	sdelay $0x3  }
0x34: {  	[smem:$0x3FBA] =	sst s10  }
0x35: {  	s10 =	sld [smem:$0x3FB9];
	_ =	sdelay $0x3  }
0x36: {  	p1 =	seq.s32 s10, $0x1;
	s10 =	sld [smem:$0x3FBA];
	_ =	sdelay $0x3  }
0x37: {  	[smem:$0x3FBA] =	sst s10  }
0x38: {  	s10 =	sld [smem:$0x3FBB]  }
0x39: {  	_ = 	snop;
	(pc) =	sbr.ind lr, $3  }
0x3a: {  	_ = 	snop  }
0x3b: {  	_ = 	snop  }
0x3c: {  	p2 =	seq.s32 s10, $0x1;
	s10 =	sld [smem:$0x3FBA]  }
0x3d: {  	_ =	shalt  }
0x3e: {  	_ =	shalt  }
0x3f: {  	_ =	shalt  }
0x40: {  	_ =	shalt  }
0x41: {  	_ =	shalt  }
0x42: {  	_ =	shalt  }
0x43: {  	_ =	shalt  }
0x44: {  	_ =	shalt  }
0x45: {  	_ =	shalt  }
0x46: {  	_ =	shalt  }
0x47: {  	_ =	shalt  }
0x48: {  	_ =	shalt  }
0x49: {  	_ =	shalt  }
0x4a: {  	_ =	shalt  }
0x4b: {  	_ =	shalt  }
0x4c: {  	_ =	shalt  }
0x4d: {  	_ =	shalt  }
0x4e: {  	_ =	shalt  }
0x4f: {  	_ =	shalt  }
0x50: {  	_ =	shalt  }
0x51: {  	_ =	shalt  }
0x52: {  	_ =	shalt  }
0x53: {  	_ =	shalt  }
0x54: {  	_ =	shalt  }
0x55: {  	_ =	shalt  }
0x56: {  	_ =	shalt  }
0x57: {  	_ =	shalt  }
0x58: {  	_ =	shalt  }
0x59: {  	_ =	shalt  }
0x5a: {  	_ =	shalt  }
0x5b: {  	_ =	shalt  }
0x5c: {  	_ =	shalt  }
0x5d: {  	_ =	shalt  }
0x5e: {  	_ =	shalt  }
0x5f: {  	_ =	shalt  }
0x60: {  	_ =	shalt  }
0x61: {  	_ =	shalt  }
0x62: {  	_ =	shalt  }
0x63: {  	_ =	shalt  }
0x64: {  	_ =	shalt  }
0x65: {  	_ =	shalt  }
0x66: {  	_ =	shalt  }
0x67: {  	_ =	shalt  }
0x68: {  	_ =	shalt  }
0x69: {  	_ =	shalt  }
0x6a: {  	_ =	shalt  }
0x6b: {  	_ =	shalt  }
0x6c: {  	_ =	shalt  }
0x6d: {  	_ =	shalt  }
0x6e: {  	_ =	shalt  }
0x6f: {  	_ =	shalt  }
0x70: {  	_ =	shalt  }
0x71: {  	_ =	shalt  }
0x72: {  	_ =	shalt  }
0x73: {  	_ =	shalt  }
0x74: {  	_ =	shalt  }
0x75: {  	_ =	shalt  }
0x76: {  	_ =	shalt  }
0x77: {  	_ =	shalt  }
0x78: {  	_ =	shalt  }
0x79: {  	_ =	shalt  }
0x7a: {  	_ =	shalt  }
0x7b: {  	_ =	shalt  }
0x7c: {  	_ =	shalt  }
0x7d: {  	_ =	shalt  }
0x7e: {  	_ =	shalt  }
0x7f: {  	_ =	shalt  }
0x80: {  	_ =	shalt  }
0x81: {  	_ =	shalt  }
0x82: {  	_ =	shalt  }
0x83: {  	_ =	shalt  }
0x84: {  	_ =	shalt  }
0x85: {  	_ =	shalt  }
0x86: {  	_ =	shalt  }
0x87: {  	_ =	shalt  }
.Lfunc_end0:
.L_simem_size_0:
called_computation_lowered:
.L_overlay_start_0:
0x88: {  	s2 =	sld [smem:$0x3FD9]  }
0x89: {  	s3 =	sld [smem:$0x3FFE];
	_ =	sdelay $0x1  }
0x8a: {  	s1 =	srdreg.scid  }
0x8b: {  	s0 =	sand.u32 $0x1, s1  }
0x8c: {  	s17 =	sshll.u32 s0, $0xA;
	s2 =	sadd.s32 s3, s2  }
0x8d: {  	s2 =	sadd.s32 s2, s17  }
0x8e: {  	[smem:$0x3FC6] =	sst s2  }
0x8f: {  	_ = 	snop  }
0x90: {  	s2 =	sld [smem:$0x3FC9]  }
0x91: {  	s18 =	sld [smem:$0x3FC8];
	(tm) =	ssettm $0x1  }
0x92: {  	s4 =	sld [smem:$0x3FFB];
	_ =	sdelay $0x3  }
0x93: {  	_ =	strace s4  }
0x94: {  	s4 =	sld [smem:$0x3FFC];
	_ =	sdelay $0x3  }
0x95: {  	_ =	strace s4  }
0x96: {  	s4 =	sld [smem:$0x3FFD];
	_ =	sdelay $0x3  }
0x97: {  	_ =	strace s4  }
0x98: {  	_ =	strace $0x8FFFFFFF  }
0x99: {  	s19 =	sld [smem:$0x3FDB];
	_ =	sdelay $0x1  }
0x9a: {  	s5 =	simm.s32 $_scs_section_size  }
0x9b: {  	s6 =	simm.s32 $_size__tile_overlayer_lowered;
	s7 =	simm.s32 $_tile_overlayer_lowered  }
0x9c: {  	s22 =	simm.s32 $0x1BFF;
	s21 =	sshll.u32 s7, $0x1;
	s4 =	sadd.s32 s5, s19  }
0x9d: {  	s8 =	simm.s32 $0x0;
	s20 =	sshll.u32 s6, $0x1;
	s6 =	sadd.s32 s21, s4  }
0x9e: {  	[timem:s8], [sflag:s22] =	dma.local [hbm:s6], s20  }
0x9f: {  	_ =	swait.ge [sflag:s22], s20  }
0xa0: {  	s5 =	ssub.s32 $0x0, s20;
	[sflag:s22] =	ssyncset.done $0x0  }
0xa1: {  	[sflag:s22] =	ssyncadd.s32 s5;
	_ =	sdelay $0x1  }
0xa2: {  	s23 =	simm.s32 $0x1B8B  }
0xa3: {  	_ =	swait.ge [sflag:s23], $0x1  }
0xa4: {  	[sflag:s23] =	ssyncset.done $0x0  }
0xa5: {  	s25 =	simm.s32 $0x1B8E;
	s24 =	sld [smem:$0x3FFE];
	[sflag:s23] =	ssyncadd.s32 $0xFFFFFFFF  }
0xa6: {  	s26 =	simm.s32 $execute0_lowered;
	[smem:$0x3FD2] =	sst s25  }
0xa7: {  	s6 =	sshll.u32 s26, $0x1;
	_ =	strace $0x80000046;
	[dreg:$0x1] =	wrdreg $0xFFFFFFFF  }
0xa8: {  	s28 =	simm.s32 $_size_execute0_lowered;
	s4 =	sadd.s32 s4, s6;
	[dreg:$0x0] =	wrdreg $0x0  }
0xa9: {  	s6 =	sshll.u32 s28, $0x1;
	[dreg:$0x2] =	wrdreg s4  }
0xaa: {  	[dreg:$0x3] =	wrdreg s6  }
0xab: {  	[dreg:$0x4] =	wrdreg $0xC0  }
0xac: {  	_ =	task [dreg:s8], $0x5FFFF  }
0xad: {  	[dreg:$0x1] =	wrdreg $0xFFFFFFFF  }
0xae: {  	[dreg:$0x0] =	wrdreg $0x60  }
0xaf: {  	[dreg:$0x2] =	wrdreg s2  }
0xb0: {  	[dreg:$0x3] =	wrdreg s18  }
0xb1: {  	[dreg:$0x4] =	wrdreg s24  }
0xb2: {  	[dreg:$0x5] =	wrdreg $0x9  }
0xb3: {  	_ =	task.clear_ibuf [dreg:s8], $0x6FFFF;
	_ =	strace $0x90000046  }
0xb4: {  	s29 =	simm.s32 $0x9;
	_ =	strace $0x80000048  }
0xb5: {  	_ =	swait.ge [sflag:s29], $0x1  }
0xb6: {  	[sflag:s29] =	ssyncadd.s32 $0xFFFFFFFF  }
0xb7: {  	_ =	strace $0x90000048  }
0xb8: {  	_ =	sfence  }
0xb9: {  	s30 =	sld [smem:$0x0];
	_ =	sdelay $0x2  }
0xba: {  	s31 =	sshll.u32 s1, $0xD;
	s1 =	sshrl.u32 s1, $0x2  }
0xbb: {  	s3 =	sand.u32 $0x4000, s31;
	s1 =	sadd.s32 s1, s30  }
0xbc: {  	s0 =	sor.u32 s3, s0;
	s1 =	sshll.u32 s1, $0x11  }
0xbd: {  	s0 =	sor.u32 s1, s0  }
0xbe: {  	s0 =	sadd.s32 $0x8F2B, s0  }
0xbf: {  	[sflag:s0] =	ssyncadd.remote.s32 $0x1  }
0xc0: {  	_ =	sfence.sel $0xFFFF  }
0xc1: {  	[dreg:$0x0] =	wrdreg $0xFFFFFFFF;
	(pc) =	sbr.abs _section_cstart, $3  }
0xc2: {  	[dreg:$0x1] =	wrdreg $0xFFFFFFFF  }
0xc3: {  	_ =	task.clear_ibuf [dreg:s8], $0x2FFFF;
	_ =	strace $0x9FFFFFFF  }
0xc4: {  	(tm) =	ssettm $0x7FFFFFFF  }
0xc5: {  	_ =	shalt  }
tec
execute0_lowered:
.L_overlay_start_1:
0x0: {  	(tag) =	ssettag $0x1  }
0x1: {  	s0 =	rddreg [dreg:$0x0]  }
0x2: {  	s1 =	srdreg.scid;
	s3 =	rddreg [dreg:$0x1]  }
0x3: {  	s2 =	rddreg [dreg:$0x2];
	s11 =	stileid.u32;
	s17 =	simm.s32 $0x4000  }
0x4: {  	s18 =	simm.s32 $0xC000;
	s19 =	simm.s32 $0x1;
	s20 =	simm.s32 $0x2  }
0x5: {  	s22 =	simm.s32 $0x3;
	s24 =	simm.s32 $0x10100;
	s1 =	sand.u32 $0x1, s1  }
0x6: {  	s25 =	simm.s32 $0x10180;
	s26 =	simm.s32 $0x0;
	s4 =	sshll.u32 s1, $0x4  }
0x7: {  	s1 =	ssub.s32 $0x2, s1;
	s7 =	sor.u32 s11, s4;
	s4 =	simm.s32 $0x0  }
0x8: {  	s6 =	sshrl.u32 s1, $0x1;
	s11 =	sshll.u32 s11, $0x4;
	s5 =	sshll.u32 s7, $0x6  }
0x9: {  	[smem:$0x7FF] =	sst s4;
	s1 =	ssub.s32 s1, s6;
	s8 =	sshll.u32 s7, $0xE  }
0xa: {  	s10 =	sshll.u32 s7, $0x4;
	s11 =	sand.u32 $0x70, s11;
	_ =	strace $0x80000047  }
0xb: {  	s9 =	sor.u32 $0x1800, s5;
	s8 =	sor.u32 $0x180800, s8;
	s10 =	sand.u32 $0x180, s10  }
.Ltmp0:
0xc: {  	s15 =	smax.u32 s1, $0x1;
	s31 =	sshll.u32 s9, $0x8;
	(pc) =	sbr.rel .LBB2_1-.Ltmp0, $4  }
0xd: {  	s7 =	sadd.s32 s0, s8;
	s8 =	sadd.s32 s3, s8;
	s12 =	sshrl.u32 s9, $0x3  }
0xe: {  	s11 =	sor.u32 s11, s10;
	s5 =	sadd.s32 s0, s31;
	s6 =	sadd.s32 s3, s31  }
0xf: {  	s9 =	sor.u32 $0x2, s12;
	s10 =	sor.u32 $0x3, s12;
	s11 =	sadd.s32 s2, s11  }
0x10: {  	s12 =	sadd.s32 $0x600, s11;
	s13 =	sadd.s32 $0x200, s11;
	s14 =	sadd.s32 $0x400, s11  }
.LBB2_8:
0x11: {  	[tilespmem:$0x10000] =	vst v39  }
0x12: {  	[tilespmem:$0x10080] =	vst v3  }
0x13: {  	[tilespmem:$0x10100] =	vst v30  }
0x14: {  	[tilespmem:$0x10180] =	vst v28;
	s1 =	simm.s32 $0x10000  }
0x15: {  	[hbm4b:s12+s4] =	stream.linear.scatter [tilespmem:s1], [sflag:$0x3], $0x80, $0x38;
	[tilespmem:$0x10200] =	vst v63  }
0x16: {  	_ =	swait.ge [sflag:s22], $0x80  }
0x17: {  	[sflag:s22] =	ssyncset.done $0x0  }
0x18: {  	s31 =	simm.s32 $0x10080;
	[sflag:s22] =	ssyncadd.s32 $0xFFFFFF80  }
0x19: {  	[hbm4b:s13+s4] =	stream.linear.scatter [tilespmem:s31], [sflag:$0x3], $0x80, $0x38;
	[tilespmem:$0x10200] =	vst v63  }
0x1a: {  	_ =	swait.ge [sflag:s22], $0x80  }
0x1b: {  	[sflag:s22] =	ssyncset.done $0x0  }
0x1c: {  	[sflag:s22] =	ssyncadd.s32 $0xFFFFFF80  }
0x1d: {  	[hbm4b:s14+s4] =	stream.linear.scatter [tilespmem:s24], [sflag:$0x3], $0x80, $0x38;
	[tilespmem:$0x10200] =	vst v63  }
0x1e: {  	s26 =	sadd.s32 $0x1, s26;
	_ =	swait.ge [sflag:s22], $0x80  }
0x1f: {  	p0 =	sne.s32 s26, s15;
	[sflag:s22] =	ssyncset.done $0x0  }
.Ltmp1:
0x20: {  	[sflag:s22] =	ssyncadd.s32 $0xFFFFFF80;
	(pc) =	sbr.rel @!p0 .LBB2_9-.Ltmp1, $4  }
0x21: {  	[hbm4b:s11+s4] =	stream.linear.scatter [tilespmem:s25], [sflag:$0x3], $0x80, $0x38;
	[tilespmem:$0x10200] =	vst v63  }
0x22: {  	_ =	swait.ge [sflag:s22], $0x80  }
0x23: {  	[sflag:s22] =	ssyncset.done $0x0  }
0x24: {  	[sflag:s22] =	ssyncadd.s32 $0xFFFFFF80  }
.LBB2_1:
0x25: {  	[tilespmem:s4], [sflag:$0x1] =	stream.linear.gather [hbm4b:s5+s4], $0x4000, $0x38;
	[tilespmem:$0x10200] =	vst v63  }
0x26: {  	s1 =	simm.s32 $0x8000  }
0x27: {  	[tilespmem:s1], [sflag:$0x1] =	stream.linear.gather [hbm4b:s6+s4], $0x4000, $0x38;
	[tilespmem:$0x10200] =	vst v63  }
0x28: {  	_ = 	snop  }
0x29: {  	[tilespmem:s17], [sflag:$0x2] =	stream.linear.gather [hbm4b:s7+s4], $0x4000, $0x38;
	[tilespmem:$0x10200] =	vst v63  }
0x2a: {  	v39 =	vimm.f32 $0.0e+00;
	s28 =	simm.s32 $0x0  }
0x2b: {  	v28 =	vimm.s32 $0x0;
	v30 =	vimm.s32 $0x0;
	v3 =	vimm.s32 $0x0;
	[tilespmem:s18], [sflag:$0x2] =	stream.linear.gather [hbm4b:s8+s4], $0x4000, $0x38;
	[tilespmem:$0x10200] =	vst v63  }
.LBB2_2:
0x2c: {  	_ =	swait.ge [sflag:s19], $0x4000  }
0x2d: {  	[sflag:s19] =	ssyncset.done $0x0  }
0x2e: {  	[sflag:s19] =	ssyncadd.s32 $0xFFFFC000  }
0x2f: {  	s29 =	simm.s32 $0x0;
	_ =	swait.ge [sflag:s19], $0x4000  }
0x30: {  	s1 =	sand.u32 $0x60, s29;
	s2 =	sand.u32 $0x3C00, s29;
	[sflag:s19] =	ssyncset.done $0x0  }
0x31: {  	s1 =	sor.u32 s1, s2;
	[sflag:s19] =	ssyncadd.s32 $0xFFFFC000  }
0x32: {  	v4 =	vld [tilespmem:s1+$0x290]  }
0x33: {  	v0 =	vld [tilespmem:s1+$0x8290]  }
0x34: {  	v5 =	vld [tilespmem:s1+$0x210]  }
0x35: {  	v1 =	vld [tilespmem:s1+$0x8210]  }
0x36: {  	v6 =	vld [tilespmem:s1+$0x190]  }
0x37: {  	v2 =	vld [tilespmem:s1+$0x8190]  }
0x38: {  	v8 =	vld [tilespmem:s1+$0x110]  }
0x39: {  	v13 =	vld [tilespmem:s1+$0x8110]  }
0x3a: {  	v9 =	vld [tilespmem:s1+$0x90]  }
0x3b: {  	v15 =	vld [tilespmem:s1+$0x8090]  }
0x3c: {  	v11 =	vld [tilespmem:s1+$0x10]  }
0x3d: {  	v18 =	vld [tilespmem:s1+$0x8010]  }
0x3e: {  	v16 =	vld [tilespmem:s1+$0x280]  }
0x3f: {  	v19 =	vld [tilespmem:s1+$0x8280]  }
0x40: {  	v12 =	vld [tilespmem:s1+$0x200]  }
0x41: {  	v21 =	vld [tilespmem:s1+$0x8200]  }
0x42: {  	v14 =	vld [tilespmem:s1+$0x180]  }
0x43: {  	v22 =	vld [tilespmem:s1+$0x8180]  }
0x44: {  	v17 =	vld [tilespmem:s1+$0x100]  }
0x45: {  	v24 =	vld [tilespmem:s1+$0x8100]  }
0x46: {  	v20 =	vld [tilespmem:s1+$0x80]  }
0x47: {  	v25 =	vld [tilespmem:s1+$0x8080]  }
0x48: {  	v23 =	vld [tilespmem:s1+$0x0]  }
0x49: {  	v26 =	vld [tilespmem:s1+$0x8000]  }
0x4a: {  	v27 =	vmul.u32 v4, v0  }
0x4b: {  	v31 =	vmul.u32 v8, v13;
	v32 =	vmul.u32 v6, v2;
	v33 =	vmul.u32 v5, v1  }
0x4c: {  	v35 =	vmul.u32 v16, v19;
	v36 =	vmul.u32 v11, v18;
	v38 =	vmul.u32 v9, v15  }
0x4d: {  	v1 =	vmul.u32 v17, v24;
	v29 =	vmul.u32 v14, v22;
	v40 =	vmul.u32 v12, v21  }
0x4e: {  	v2 =	vmul.u32 v23, v26;
	v41 =	vmul.u32 v20, v25;
	v61 =	vshrl.u32 v27, $0x17  }
0x4f: {  	v63 =	vshrl.u32 v32, $0x17;
	v62 =	vshrl.u32 v33, $0x17;
	v42 =	vsub.s32 v27, v4  }
0x50: {  	v0 =	vshrl.u32 v31, $0x17;
	v45 =	vsub.s32 v32, v6;
	v46 =	vsub.s32 v33, v5  }
0x51: {  	v21 =	vand.u32 $0x7FFFFF, v41;
	v22 =	vshrl.u32 v36, $0x17;
	v47 =	vsub.s32 v31, v8  }
0x52: {  	v25 =	vshrl.u32 v35, $0x17;
	v48 =	vsub.s32 v36, v11;
	v49 =	vsub.s32 v38, v9  }
0x53: {  	[tilespmem:$0x1FFA0] =	vst v4;
	v4 =	vshrl.u32 v29, $0x17;
	v26 =	vshrl.u32 v40, $0x17;
	v50 =	vsub.s32 v35, v16  }
0x54: {  	v51 =	vsub.s32 v40, v12;
	[tilespmem:$0x1FFB0] =	vst v0;
	v0 =	vand.u32 $0x7FFFFF, v2;
	v24 =	vor.u32 $0x3F800000, v21  }
0x55: {  	v52 =	vand.u32 $0x7FFFFF, v1;
	v0 =	vor.u32 $0x3F800000, v0;
	v44 =	vadd.f32 $-1.000000000e+00, v24  }
0x56: {  	v37 =	vsub.s32 v2, v23;
	v56 =	vand.u32 $0x7FFFFF, v29;
	v43 =	vadd.f32 $-1.000000000e+00, v0  }
0x57: {  	v58 =	vand.u32 $0x7FFFFF, v32;
	v0 =	vshrl.u32 v38, $0x17;
	v24 =	vmul.f32 $1.654045880e-01, v44  }
0x58: {  	v59 =	vand.u32 $0x7FFFFF, v33;
	v52 =	vor.u32 $0x3F800000, v52;
	[tilespmem:$0x1FFC0] =	vst v0;
	v0 =	vmul.f32 $1.654045880e-01, v43  }
0x59: {  	v60 =	vor.u32 $0x3F800000, v56;
	v52 =	vadd.f32 $-1.000000000e+00, v52;
	v24 =	vadd.f32 $-5.892300010e-01, v24  }
0x5a: {  	s16 =	sand.u32 $0x3, s29;
	v56 =	vand.u32 $0x7FFFFF, v27;
	v27 =	vadd.f32 $-1.000000000e+00, v60;
	v34 =	vadd.f32 $-5.892300010e-01, v0  }
0x5b: {  	s1 =	sshll.u32 s16, $0x5;
	v35 =	vand.u32 $0x7FFFFF, v35;
	v57 =	vmul.f32 $1.654045880e-01, v52;
	v54 =	vmul.f32 v24, v44  }
0x5c: {  	s1 =	sadd.s32 $0x0, s1;
	[tilespmem:$0x1FFD0] =	vst v4;
	v4 =	vshrl.u32 v2, $0x17;
	v32 =	vmul.f32 $1.654045880e-01, v27;
	v53 =	vmul.f32 v34, v43  }
0x5d: {  	s16 =	sor.u32 $0x300, s1;
	v60 =	vadd.f32 $-5.892300010e-01, v57;
	v0 =	vshrl.u32 v1, $0x17;
	v54 =	vadd.f32 $1.424599290e+00, v54  }
0x5e: {  	v32 =	vadd.f32 $-5.892300010e-01, v32;
	[tilespmem:$0x1FFE0] =	vst v0;
	v0 =	vsub.s32 v29, v14;
	v29 =	vld [tilespmem:s16+$0x0];
	v53 =	vadd.f32 $1.424599290e+00, v53  }
0x5f: {  	s21 =	sor.u32 $0x380, s1;
	v35 =	vor.u32 $0x3F800000, v35;
	v60 =	vmul.f32 v60, v52;
	v54 =	vmul.f32 v54, v44;
	v44 =	vld [tilespmem:s16+$0x8000]  }
0x60: {  	v55 =	vld [tilespmem:s21+$0x8000];
	v57 =	vand.u32 $0x7FFFFF, v31;
	v32 =	vmul.f32 v32, v27;
	v43 =	vmul.f32 v53, v43  }
0x61: {  	v1 =	vsub.s32 v1, v17;
	v24 =	vld [tilespmem:s21+$0x0];
	v33 =	vadd.f32 $1.424599290e+00, v60;
	v53 =	vand.u32 $0x7FFFFF, v40  }
0x62: {  	v32 =	vadd.f32 $1.424599290e+00, v32;
	v31 =	vadd.f32 v43, v39;
	v39 =	vor.u32 $0x3F800000, v53  }
0x63: {  	v34 =	vshrl.u32 v41, $0x17;
	v33 =	vmul.f32 v33, v52;
	v39 =	vadd.f32 $-1.000000000e+00, v39  }
0x64: {  	v52 =	vadd.f32 $-1.000000000e+00, v35;
	v27 =	vmul.f32 v32, v27;
	v44 =	vmul.u32 v29, v44  }
0x65: {  	v32 =	vshrl.u32 v46, $0x1F;
	v31 =	vadd.f32 v54, v31;
	v54 =	vmul.f32 $1.654045880e-01, v39  }
0x66: {  	v40 =	vand.u32 $0x7FFFFF, v36;
	v43 =	vmul.u32 v24, v55;
	v55 =	vand.u32 $0x7FFFFF, v44  }
0x67: {  	v60 =	vmul.f32 $1.654045880e-01, v52;
	v36 =	vor.u32 $0x3F800000, v55;
	v35 =	vadd.f32 $-5.892300010e-01, v54  }
0x68: {  	v31 =	vadd.f32 v33, v31;
	v33 =	vand.u32 $0x7FFFFF, v43;
	v53 =	vadd.f32 $-1.000000000e+00, v36  }
0x69: {  	v54 =	vand.u32 $0x7FFFFF, v38;
	v33 =	vor.u32 $0x3F800000, v33;
	v35 =	vmul.f32 v35, v39  }
0x6a: {  	v36 =	vadd.f32 $-5.892300010e-01, v60;
	v27 =	vadd.f32 v27, v31;
	v55 =	vmul.f32 $1.654045880e-01, v53  }
0x6b: {  	v38 =	vshrl.u32 v49, $0x1F;
	v46 =	vadd.f32 $-1.000000000e+00, v33;
	v60 =	vadd.f32 $1.424599290e+00, v35  }
0x6c: {  	v31 =	vshrl.u32 v42, $0x1F;
	v35 =	vmul.f32 v36, v52;
	v55 =	vadd.f32 $-5.892300010e-01, v55  }
0x6d: {  	v36 =	vshrl.u32 v47, $0x1F;
	v33 =	vmul.f32 v60, v39;
	v60 =	vmul.f32 $1.654045880e-01, v46  }
0x6e: {  	v49 =	vadd.f32 $1.424599290e+00, v35;
	v35 =	vshrl.u32 v45, $0x1F;
	v42 =	vmul.f32 v55, v53  }
0x6f: {  	s1 =	sadd.s32 $0x10, s1;
	v55 =	vor.u32 $0x3F800000, v40;
	v40 =	vshrl.u32 v51, $0x1F;
	v39 =	vadd.f32 $-5.892300010e-01, v60  }
0x70: {  	s23 =	sor.u32 $0x380, s1;
	v33 =	vadd.f32 v33, v27;
	v47 =	vmul.f32 v49, v52;
	v45 =	vadd.f32 $-1.000000000e+00, v55  }
0x71: {  	v27 =	vld [tilespmem:s23+$0x0];
	v60 =	vor.u32 $0x3F800000, v54;
	v55 =	vor.u32 $0x3F800000, v58;
	v42 =	vadd.f32 $1.424599290e+00, v42  }
0x72: {  	v49 =	vld [tilespmem:s23+$0x8000];
	v51 =	vadd.f32 $-1.000000000e+00, v60;
	v60 =	vor.u32 $0x3F800000, v57;
	v39 =	vmul.f32 v39, v46  }
0x73: {  	s1 =	sor.u32 $0x300, s1;
	v47 =	vadd.f32 v47, v33;
	v52 =	vmul.f32 v42, v53;
	v53 =	vmul.f32 $1.654045880e-01, v45  }
0x74: {  	v55 =	vadd.f32 $-1.000000000e+00, v55;
	v33 =	vld [tilespmem:s1+$0x0];
	v57 =	vmul.f32 $1.654045880e-01, v51;
	v39 =	vadd.f32 $1.424599290e+00, v39  }
0x75: {  	v41 =	vsub.s32 v41, v20;
	v47 =	vadd.f32 v52, v47;
	v52 =	vld [tilespmem:s1+$0x8000];
	v53 =	vadd.f32 $-5.892300010e-01, v53  }
0x76: {  	v42 =	vshrl.u32 v50, $0x1F;
	v50 =	vadd.f32 $-1.000000000e+00, v60;
	v60 =	vadd.f32 $-5.892300010e-01, v57  }
0x77: {  	v54 =	vmul.f32 v39, v46;
	v46 =	vmul.u32 v27, v49;
	v49 =	vmul.f32 v53, v45  }
0x78: {  	v39 =	vshrl.u32 v48, $0x1F;
	v48 =	vor.u32 $0x3F800000, v56;
	v56 =	vmul.f32 $1.654045880e-01, v50  }
0x79: {  	v57 =	vor.u32 $0x3F800000, v59;
	v53 =	vmul.f32 v60, v51;
	v60 =	vadd.f32 $1.424599290e+00, v49  }
0x7a: {  	v54 =	vadd.f32 v54, v47;
	v47 =	vmul.u32 v33, v52;
	v52 =	vadd.f32 $-5.892300010e-01, v56  }
0x7b: {  	v48 =	vadd.f32 $-1.000000000e+00, v48;
	v49 =	vadd.f32 $-1.000000000e+00, v57;
	v45 =	vmul.f32 v60, v45  }
0x7c: {  	v53 =	vadd.f32 $1.424599290e+00, v53;
	v57 =	vand.u32 $0x7FFFFF, v46;
	v52 =	vmul.f32 v52, v50  }
0x7d: {  	v60 =	vand.u32 $0x7FFFFF, v47;
	v45 =	vadd.f32 v45, v54;
	v54 =	vmul.f32 $1.654045880e-01, v55  }
0x7e: {  	v59 =	vor.u32 $0x3F800000, v60;
	v60 =	vmul.f32 $1.654045880e-01, v49;
	v52 =	vadd.f32 $1.424599290e+00, v52  }
0x7f: {  	v56 =	vor.u32 $0x3F800000, v57;
	v51 =	vmul.f32 v53, v51;
	v54 =	vadd.f32 $-5.892300010e-01, v54  }
0x80: {  	v60 =	vadd.f32 $-5.892300010e-01, v60;
	v50 =	vmul.f32 v52, v50;
	v52 =	vmul.f32 $1.654045880e-01, v48  }
0x81: {  	v53 =	vadd.f32 $-1.000000000e+00, v59;
	v45 =	vadd.f32 v51, v45;
	v54 =	vmul.f32 v54, v55  }
0x82: {  	v57 =	vmul.f32 v60, v49;
	v58 =	vadd.f32 $-5.892300010e-01, v52;
	v52 =	vadd.f32 $-1.000000000e+00, v56  }
0x83: {  	v51 =	vadd.f32 v50, v45;
	v50 =	vmul.f32 $1.654045880e-01, v53;
	v60 =	vadd.f32 $1.424599290e+00, v54  }
0x84: {  	v45 =	vshrl.u32 v0, $0x1F;
	v54 =	vmul.f32 v58, v48;
	v56 =	vmul.f32 $1.654045880e-01, v52  }
0x85: {  	s30 =	simm.s32 $0x0;
	s31 =	simm.s32 $0x100;
	[tilespmem:$0x1FFF0] =	vst v4;
	s1 =	simm.s32 $0x20;
	v0 =	vadd.f32 $-5.892300010e-01, v50;
	v50 =	vmul.f32 v60, v55;
	v55 =	vadd.f32 $1.424599290e+00, v57  }
.LBB2_3:
0x86: {  	v54 =	vadd.f32 $1.424599290e+00, v54;
	v56 =	vadd.f32 $-5.892300010e-01, v56  }
0x87: {  	v50 =	vadd.f32 v50, v51;
	v49 =	vmul.f32 v55, v49;
	v0 =	vmul.f32 v0, v53  }
0x88: {  	v60 =	vmul.f32 v56, v52  }
0x89: {  	v49 =	vadd.f32 v49, v50;
	v48 =	vmul.f32 v54, v48;
	v0 =	vadd.f32 $1.424599290e+00, v0;
	_ =	sdelay $0x1  }
0x8a: {  	s2 =	sand.u32 $0x60, s1;
	s16 =	sand.u32 $0x3C00, s31;
	v48 =	vadd.f32 v48, v49;
	v0 =	vmul.f32 v0, v53;
	v49 =	vadd.f32 $1.424599290e+00, v60  }
0x8b: {  	v2 =	vshrl.u32 v37, $0x1F;
	s2 =	sor.u32 s2, s16  }
0x8c: {  	v4 =	vadd.s32 v30, v23;
	v58 =	vld [tilespmem:s2+$0x8210];
	v0 =	vadd.f32 v0, v48;
	v48 =	vmul.f32 v49, v52  }
0x8d: {  	v1 =	vshrl.u32 v1, $0x1F;
	v2 =	vadd.s32 v28, v2;
	v4 =	vadd.s32 v20, v4;
	v28 =	vld [tilespmem:s2+$0x280]  }
0x8e: {  	v41 =	vshrl.u32 v41, $0x1F;
	v4 =	vadd.s32 v17, v4;
	v17 =	vld [tilespmem:s2+$0x100];
	v0 =	vadd.f32 v48, v0  }
0x8f: {  	v57 =	vshrl.u32 v43, $0x17;
	v43 =	vsub.s32 v43, v24;
	v37 =	vsub.s32 v44, v29;
	v19 =	vld [tilespmem:s2+$0x8100]  }
0x90: {  	v59 =	vshrl.u32 v46, $0x17;
	v46 =	vsub.s32 v46, v27;
	v55 =	vshrl.u32 v47, $0x17;
	[tilespmem:$0x1FF80] =	vst v0;
	v0 =	vld [tilespmem:$0x1FFF0]  }
0x91: {  	v43 =	vshrl.u32 v43, $0x1F;
	v46 =	vshrl.u32 v46, $0x1F;
	v2 =	vadd.s32 v41, v2;
	v23 =	vld [tilespmem:s2+$0x0]  }
0x92: {  	v13 =	vld [tilespmem:s2+$0x8000];
	v54 =	vshrl.u32 v44, $0x17;
	v1 =	vadd.s32 v1, v2;
	v4 =	vadd.s32 v14, v4  }
0x93: {  	v20 =	vld [tilespmem:s2+$0x80];
	v44 =	vshrl.u32 v37, $0x1F;
	v1 =	vadd.s32 v45, v1;
	v4 =	vadd.s32 v12, v4  }
0x94: {  	v15 =	vld [tilespmem:s2+$0x8080];
	v37 =	vsub.s32 v47, v33;
	v1 =	vadd.s32 v40, v1;
	v4 =	vadd.s32 v16, v4  }
0x95: {  	v1 =	vadd.s32 v42, v1;
	v4 =	vadd.s32 v29, v4;
	v10 =	vadd.s32 v3, v0;
	v0 =	vld [tilespmem:$0x1FFE0]  }
0x96: {  	v47 =	vshrl.u32 v37, $0x1F;
	v37 =	vld [tilespmem:s2+$0x8090];
	v1 =	vadd.s32 v44, v1;
	v4 =	vadd.s32 v24, v4  }
0x97: {  	v49 =	vld [tilespmem:s2+$0x110];
	v45 =	vmul.u32 v23, v13;
	v1 =	vadd.s32 v43, v1;
	v4 =	vadd.s32 v11, v4  }
0x98: {  	v52 =	vld [tilespmem:s2+$0x8110];
	v1 =	vadd.s32 v39, v1;
	v4 =	vadd.s32 v9, v4;
	v39 =	vmul.u32 v17, v19  }
0x99: {  	v48 =	vld [tilespmem:s2+$0x90];
	v19 =	vand.u32 $0x7FFFFF, v45;
	v1 =	vadd.s32 v38, v1;
	v7 =	vadd.s32 v34, v10  }
0x9a: {  	v4 =	vadd.s32 v8, v4;
	v1 =	vadd.s32 v36, v1;
	v7 =	vadd.s32 v0, v7;
	v0 =	vld [tilespmem:$0x1FFD0]  }
0x9b: {  	v19 =	vor.u32 $0x3F800000, v19;
	v4 =	vadd.s32 v6, v4;
	v1 =	vadd.s32 v35, v1;
	v10 =	vld [tilespmem:s2+$0x10]  }
0x9c: {  	v50 =	vld [tilespmem:s2+$0x210];
	v18 =	vand.u32 $0x7FFFFF, v39;
	v19 =	vadd.f32 $-1.000000000e+00, v19;
	v1 =	vadd.s32 v32, v1  }
0x9d: {  	v2 =	vld [tilespmem:s2+$0x8010];
	v8 =	vmovc v49;
	v4 =	vadd.s32 v5, v4;
	v18 =	vor.u32 $0x3F800000, v18;
	v1 =	vadd.s32 v31, v1  }
0x9e: {  	v12 =	vld [tilespmem:s2+$0x200];
	v18 =	vadd.f32 $-1.000000000e+00, v18;
	v9 =	vmovc v48;
	v31 =	vmul.u32 v8, v52;
	v1 =	vadd.s32 v47, v1  }
0x9f: {  	v16 =	vmovc v28;
	v38 =	vmul.u32 v9, v37;
	v37 =	vsub.s32 v45, v23;
	v3 =	vld [tilespmem:$0x1FFC0];
	v7 =	vadd.s32 v0, v7  }
0xa0: {  	v28 =	vadd.s32 v46, v1;
	v46 =	vmul.u32 v20, v15;
	v11 =	vmovc v10;
	v10 =	vld [tilespmem:$0x1FFB0];
	v7 =	vadd.s32 v26, v7  }
0xa1: {  	v5 =	vmovc v50;
	v1 =	vshrl.u32 v31, $0x17;
	v50 =	vsub.s32 v31, v8;
	v26 =	vld [tilespmem:s2+$0x8280];
	v7 =	vadd.s32 v25, v7  }
0xa2: {  	v52 =	vsub.s32 v38, v9;
	v36 =	vshrl.u32 v50, $0x1F;
	v25 =	vld [tilespmem:s2+$0x8200];
	v7 =	vadd.s32 v54, v7  }
0xa3: {  	v53 =	vld [tilespmem:s2+$0x190];
	v34 =	vshrl.u32 v46, $0x17;
	v15 =	vand.u32 $0x7FFFFF, v46;
	v7 =	vadd.s32 v57, v7  }
0xa4: {  	v60 =	vld [tilespmem:s2+$0x8190];
	v41 =	vsub.s32 v46, v20;
	v15 =	vor.u32 $0x3F800000, v15;
	v7 =	vadd.s32 v22, v7  }
0xa5: {  	v14 =	vld [tilespmem:s2+$0x180];
	v15 =	vadd.f32 $-1.000000000e+00, v15;
	[tilespmem:$0x1FFB0] =	vst v1;
	v1 =	vshrl.u32 v38, $0x17;
	v7 =	vadd.s32 v3, v7  }
0xa6: {  	v57 =	vand.u32 $0x7FFFFF, v31;
	v22 =	vld [tilespmem:s2+$0x8180];
	v35 =	vmul.u32 v16, v26;
	v7 =	vadd.s32 v10, v7  }
0xa7: {  	v3 =	vld [tilespmem:$0x1FFA0];
	v42 =	vmul.u32 v12, v25;
	v7 =	vadd.s32 v63, v7;
	v63 =	vmul.u32 v5, v58  }
0xa8: {  	v51 =	vld [tilespmem:s2+$0x290];
	v6 =	vmovc v53;
	v25 =	vshrl.u32 v35, $0x17;
	v53 =	vsub.s32 v35, v16;
	v13 =	vand.u32 $0x7FFFFF, v35  }
0xa9: {  	s29 =	sadd.s32 $0x1, s29;
	v7 =	vadd.s32 v62, v7;
	v62 =	vmul.u32 v6, v60;
	v60 =	vmul.u32 v11, v2  }
0xaa: {  	s21 =	sand.u32 $0x3, s29;
	v26 =	vshrl.u32 v42, $0x17;
	v13 =	vor.u32 $0x3F800000, v13;
	v7 =	vadd.s32 v61, v7  }
0xab: {  	v56 =	vld [tilespmem:s2+$0x8290];
	s2 =	sshll.u32 s21, $0x5;
	v40 =	vmul.u32 v14, v22;
	v49 =	vsub.s32 v63, v5;
	v13 =	vadd.f32 $-1.000000000e+00, v13  }
0xac: {  	s2 =	sadd.s32 s2, s31;
	v4 =	vadd.s32 v3, v4;
	v7 =	vadd.s32 v55, v7;
	v0 =	vshrl.u32 v62, $0x17  }
0xad: {  	v10 =	vmovc v51;
	s21 =	sor.u32 $0x300, s2;
	v48 =	vsub.s32 v62, v6;
	v22 =	vshrl.u32 v60, $0x17;
	v51 =	vsub.s32 v60, v11  }
0xae: {  	v29 =	vld [tilespmem:s21+$0x0];
	v55 =	vsub.s32 v42, v12;
	v58 =	vand.u32 $0x7FFFFF, v62;
	v60 =	vand.u32 $0x7FFFFF, v60  }
0xaf: {  	[tilespmem:$0x1FFC0] =	vst v1;
	s23 =	sor.u32 $0x380, s2;
	v44 =	vld [tilespmem:s21+$0x8000];
	v32 =	vshrl.u32 v49, $0x1F;
	v4 =	vadd.s32 v33, v4;
	v3 =	vadd.s32 v59, v7  }
0xb0: {  	v24 =	vld [tilespmem:s23+$0x0];
	[tilespmem:$0x1FF90] =	vst v0;
	v0 =	vshrl.u32 v63, $0x17;
	v1 =	vshrl.u32 v40, $0x17;
	v54 =	vsub.s32 v40, v14  }
0xb1: {  	s2 =	sadd.s32 $0x10, s2;
	v61 =	vld [tilespmem:s23+$0x8000];
	v59 =	vand.u32 $0x7FFFFF, v63;
	v63 =	vand.u32 $0x7FFFFF, v42;
	v7 =	vand.u32 $0x7FFFFF, v40  }
0xb2: {  	s23 =	sor.u32 $0x380, s2;
	s2 =	sor.u32 $0x300, s2;
	v35 =	vshrl.u32 v48, $0x1F;
	v40 =	vshrl.u32 v55, $0x1F;
	v30 =	vadd.s32 v27, v4  }
0xb3: {  	v33 =	vld [tilespmem:s2+$0x0];
	v27 =	vmul.u32 v10, v56;
	[tilespmem:$0x1FFD0] =	vst v1;
	v1 =	vshrl.u32 v39, $0x17;
	v7 =	vor.u32 $0x3F800000, v7  }
0xb4: {  	v44 =	vmul.u32 v29, v44;
	v4 =	vld [tilespmem:s2+$0x8000];
	[tilespmem:$0x1FFE0] =	vst v1;
	v1 =	vshrl.u32 v45, $0x17;
	v7 =	vadd.f32 $-1.000000000e+00, v7  }
0xb5: {  	v62 =	vld [tilespmem:s23+$0x8000];
	v2 =	vshrl.u32 v27, $0x17;
	v47 =	vsub.s32 v27, v10;
	[tilespmem:$0x1FFF0] =	vst v1;
	v1 =	vsub.s32 v39, v17  }
0xb6: {  	v56 =	vand.u32 $0x7FFFFF, v27;
	v27 =	vld [tilespmem:s23+$0x0];
	v43 =	vmul.u32 v24, v61;
	v61 =	vand.u32 $0x7FFFFF, v38  }
0xb7: {  	v38 =	vshrl.u32 v52, $0x1F;
	v39 =	vshrl.u32 v51, $0x1F;
	v31 =	vshrl.u32 v47, $0x1F  }
0xb8: {  	v48 =	vor.u32 $0x3F800000, v56;
	v56 =	vor.u32 $0x3F800000, v59;
	v59 =	vor.u32 $0x3F800000, v57  }
0xb9: {  	v49 =	vadd.f32 $-1.000000000e+00, v56;
	v51 =	vadd.f32 $-1.000000000e+00, v59;
	v47 =	vmul.u32 v33, v4  }
0xba: {  	v4 =	vor.u32 $0x3F800000, v60;
	v60 =	vor.u32 $0x3F800000, v63;
	v63 =	vmul.f32 $1.654045880e-01, v19  }
0xbb: {  	v59 =	vmul.f32 $1.654045880e-01, v15;
	v46 =	vmul.u32 v27, v62;
	v62 =	vor.u32 $0x3F800000, v58  }
0xbc: {  	v56 =	vadd.f32 $-5.892300010e-01, v63;
	v50 =	vadd.f32 $-1.000000000e+00, v62;
	v62 =	vand.u32 $0x7FFFFF, v44  }
0xbd: {  	v59 =	vadd.f32 $-5.892300010e-01, v59;
	v55 =	vor.u32 $0x3F800000, v62;
	v62 =	vmul.f32 $1.654045880e-01, v7  }
0xbe: {  	v58 =	vor.u32 $0x3F800000, v61;
	v61 =	vand.u32 $0x7FFFFF, v43;
	v56 =	vmul.f32 v56, v19  }
0xbf: {  	v52 =	vor.u32 $0x3F800000, v61;
	v61 =	vmul.f32 $1.654045880e-01, v18;
	v62 =	vadd.f32 $-5.892300010e-01, v62  }
0xc0: {  	v42 =	vshrl.u32 v53, $0x1F;
	v21 =	vmul.f32 $1.654045880e-01, v13;
	v56 =	vadd.f32 $1.424599290e+00, v56  }
0xc1: {  	v45 =	vshrl.u32 v54, $0x1F;
	v59 =	vmul.f32 v59, v15;
	v61 =	vadd.f32 $-5.892300010e-01, v61  }
0xc2: {  	v48 =	vadd.f32 $-1.000000000e+00, v48;
	v53 =	vadd.f32 $-1.000000000e+00, v60;
	v19 =	vmul.f32 v56, v19  }
0xc3: {  	v56 =	vadd.f32 $1.424599290e+00, v59;
	v59 =	vmul.f32 v61, v18;
	v61 =	vmul.f32 v62, v7;
	v62 =	vmovc v0;
	v0 =	vld [tilespmem:$0x1FF80]  }
0xc4: {  	v21 =	vadd.f32 $-5.892300010e-01, v21;
	v4 =	vadd.f32 $-1.000000000e+00, v4;
	v60 =	vmul.f32 $1.654045880e-01, v48  }
0xc5: {  	[tilespmem:$0x1FFA0] =	vst v10;
	v57 =	vand.u32 $0x7FFFFF, v47;
	v63 =	vmul.f32 $1.654045880e-01, v49;
	v10 =	vmul.f32 $1.654045880e-01, v53  }
0xc6: {  	v54 =	vadd.f32 $-1.000000000e+00, v58;
	v57 =	vor.u32 $0x3F800000, v57;
	v52 =	vadd.f32 $-1.000000000e+00, v52  }
0xc7: {  	v58 =	vand.u32 $0x7FFFFF, v46;
	v10 =	vadd.f32 $-5.892300010e-01, v10;
	v55 =	vadd.f32 $-1.000000000e+00, v55  }
0xc8: {  	v15 =	vmul.f32 v56, v15;
	v0 =	vadd.f32 v19, v0;
	v19 =	vadd.f32 $1.424599290e+00, v59  }
0xc9: {  	v58 =	vor.u32 $0x3F800000, v58;
	v10 =	vmul.f32 v10, v53;
	v56 =	vmul.f32 $1.654045880e-01, v55  }
0xca: {  	v0 =	vadd.f32 v15, v0;
	v15 =	vmul.f32 v19, v18;
	v18 =	vadd.f32 $1.424599290e+00, v61  }
0xcb: {  	v19 =	vmul.f32 v21, v13;
	v21 =	vadd.f32 $-5.892300010e-01, v56;
	v56 =	vmul.f32 $1.654045880e-01, v52  }
0xcc: {  	v10 =	vadd.f32 $1.424599290e+00, v10;
	v0 =	vadd.f32 v15, v0;
	v7 =	vmul.f32 v18, v7  }
0xcd: {  	v15 =	vadd.f32 $1.424599290e+00, v19;
	v18 =	vadd.f32 $-5.892300010e-01, v56;
	v19 =	vmul.f32 $1.654045880e-01, v4  }
0xce: {  	v0 =	vadd.f32 v7, v0;
	v7 =	vmul.f32 v10, v53;
	v10 =	vmul.f32 v21, v55  }
0xcf: {  	v18 =	vmul.f32 v18, v52;
	v19 =	vadd.f32 $-5.892300010e-01, v19;
	v21 =	vmul.f32 $1.654045880e-01, v54  }
0xd0: {  	v0 =	vadd.f32 v7, v0;
	v7 =	vmul.f32 v15, v13;
	v10 =	vadd.f32 $1.424599290e+00, v10  }
0xd1: {  	v13 =	vmul.f32 v19, v4;
	v15 =	vadd.f32 $-5.892300010e-01, v21;
	v19 =	vmul.f32 $1.654045880e-01, v51  }
0xd2: {  	v0 =	vadd.f32 v7, v0;
	v7 =	vmul.f32 v10, v55;
	v10 =	vadd.f32 $1.424599290e+00, v18  }
0xd3: {  	v15 =	vmul.f32 v15, v54;
	v18 =	vadd.f32 $-5.892300010e-01, v19;
	v19 =	vmul.f32 $1.654045880e-01, v50  }
0xd4: {  	v0 =	vadd.f32 v7, v0;
	v7 =	vmul.f32 v10, v52;
	v10 =	vadd.f32 $1.424599290e+00, v13  }
0xd5: {  	v53 =	vadd.f32 $-1.000000000e+00, v57;
	v13 =	vmul.f32 v18, v51;
	v18 =	vadd.f32 $-5.892300010e-01, v19  }
0xd6: {  	s30 =	sadd.s32 $0x2, s30;
	v0 =	vadd.f32 v7, v0;
	v4 =	vmul.f32 v10, v4;
	v7 =	vadd.f32 $1.424599290e+00, v15  }
0xd7: {  	p0 =	slt.u32 s30, $0x7E;
	v52 =	vadd.f32 $-1.000000000e+00, v58;
	v10 =	vmul.f32 v18, v50;
	v15 =	vadd.f32 $-5.892300010e-01, v63  }
.Ltmp2:
0xd8: {  	v0 =	vadd.f32 v4, v0;
	v4 =	vmul.f32 v7, v54;
	v7 =	vadd.f32 $1.424599290e+00, v13;
	(pc) =	sbr.rel @p0 .LBB2_3-.Ltmp2, $4  }
0xd9: {  	v18 =	vmul.f32 $1.654045880e-01, v53;
	v13 =	vmul.f32 v15, v49;
	v15 =	vadd.f32 $-5.892300010e-01, v60  }
0xda: {  	v10 =	vadd.f32 $1.424599290e+00, v10;
	v4 =	vadd.f32 v4, v0;
	v7 =	vmul.f32 v7, v51  }
0xdb: {  	v56 =	vmul.f32 $1.654045880e-01, v52;
	v54 =	vmul.f32 v15, v48;
	v0 =	vadd.f32 $-5.892300010e-01, v18  }
0xdc: {  	s1 =	sadd.s32 $0x20, s1;
	s31 =	sadd.s32 $0x100, s31;
	v61 =	vmovc v2;
	v63 =	vld [tilespmem:$0x1FF90];
	v50 =	vmul.f32 v10, v50;
	v55 =	vadd.f32 $1.424599290e+00, v13;
	v51 =	vadd.f32 v7, v4  }
0xdd: {  	s29 =	sshll.u32 s28, $0x1;
	p0 =	seq.s32 s28, $0x3  }
0xde: {  	s1 =	sadd.s32 @!p0 s29, s9  }
0xdf: {  	s1 =	sshll.u32 @!p0 s1, $0xB  }
0xe0: {  	v4 =	vadd.f32 $1.424599290e+00, v54;
	v7 =	vadd.f32 $-5.892300010e-01, v56;
	v0 =	vmul.f32 v0, v53;
	s1 =	sand.u32 @!p0 $0x1FFFF000, s1  }
0xe1: {  	v23 =	vadd.s32 v30, v23;
	s16 =	simm.s32 @!p0 $0x0;
	v10 =	vadd.f32 v50, v51;
	v13 =	vmul.f32 v55, v49;
	s2 =	sadd.s32 @!p0 s0, s1  }
0xe2: {  	v20 =	vadd.s32 v20, v23;
	v7 =	vmul.f32 v7, v52;
	[tilespmem:s16], [sflag:$0x1] =	stream.linear.gather @!p0 [hbm4b:s2+s16], $0x4000, $0x38;
	[tilespmem:$0x10200] =	vst v63  }
0xe3: {  	v4 =	vmul.f32 v4, v48;
	v10 =	vadd.f32 v13, v10;
	v13 =	vadd.f32 $1.424599290e+00, v0;
	s1 =	sadd.s32 @!p0 s3, s1;
	s2 =	simm.s32 @!p0 $0x8000  }
0xe4: {  	v17 =	vadd.s32 v17, v20;
	[tilespmem:s2], [sflag:$0x1] =	stream.linear.gather @!p0 [hbm4b:s1+s16], $0x4000, $0x38;
	[tilespmem:$0x10200] =	vst v63  }
0xe5: {  	v7 =	vadd.f32 $1.424599290e+00, v7;
	v4 =	vadd.f32 v4, v10;
	v10 =	vmul.f32 v13, v53;
	_ =	swait.ge [sflag:s20], $0x4000  }
0xe6: {  	v14 =	vadd.s32 v14, v17;
	[sflag:s20] =	ssyncset.done $0x0  }
0xe7: {  	v12 =	vadd.s32 v12, v14;
	v7 =	vmul.f32 v7, v52;
	v4 =	vadd.f32 v10, v4;
	[sflag:s20] =	ssyncadd.s32 $0xFFFFC000  }
0xe8: {  	v16 =	vadd.s32 v16, v12;
	_ =	swait.ge [sflag:s20], $0x4000  }
0xe9: {  	v16 =	vadd.s32 v29, v16;
	v10 =	vshrl.u32 v41, $0x1F;
	v41 =	vadd.f32 v7, v4;
	v4 =	vld [tilespmem:$0x1FFF0]  }
0xea: {  	s30 =	simm.s32 $0x0;
	v16 =	vadd.s32 v24, v16  }
0xeb: {  	s21 =	sand.u32 $0x60, s30;
	s23 =	sand.u32 $0x3C00, s30;
	v11 =	vadd.s32 v11, v16;
	[sflag:s20] =	ssyncset.done $0x0  }
0xec: {  	s1 =	sor.u32 s21, s23;
	v11 =	vadd.s32 v9, v11;
	v9 =	vld [tilespmem:$0x1FFB0];
	[sflag:s20] =	ssyncadd.s32 $0xFFFFC000  }
0xed: {  	v0 =	vld [tilespmem:s1+$0x4290]  }
0xee: {  	v7 =	vadd.s32 v3, v4;
	v3 =	vld [tilespmem:$0x1FFE0]  }
0xef: {  	v15 =	vld [tilespmem:s1+$0xC290]  }
0xf0: {  	v18 =	vshrl.u32 v37, $0x1F;
	v13 =	vshrl.u32 v1, $0x1F;
	v1 =	vld [tilespmem:s1+$0x4210]  }
0xf1: {  	v19 =	vshrl.u32 v44, $0x17;
	v18 =	vadd.s32 v28, v18;
	v21 =	vld [tilespmem:s1+$0xC210]  }
0xf2: {  	v57 =	vsub.s32 v44, v29;
	v18 =	vadd.s32 v10, v18;
	v2 =	vld [tilespmem:s1+$0x4190];
	v34 =	vadd.s32 v34, v7  }
0xf3: {  	v59 =	vshrl.u32 v47, $0x17;
	v13 =	vadd.s32 v13, v18;
	v30 =	vadd.s32 v3, v34;
	v3 =	vld [tilespmem:$0x1FFD0]  }
0xf4: {  	v60 =	vshrl.u32 v46, $0x17;
	v54 =	vsub.s32 v46, v27;
	v13 =	vadd.s32 v45, v13;
	v55 =	vld [tilespmem:s1+$0xC110]  }
0xf5: {  	v44 =	vshrl.u32 v57, $0x1F;
	v48 =	vshrl.u32 v43, $0x17;
	v13 =	vadd.s32 v40, v13;
	v10 =	vld [tilespmem:s1+$0x4010]  }
0xf6: {  	v43 =	vsub.s32 v43, v24;
	v8 =	vadd.s32 v8, v11;
	v13 =	vadd.s32 v42, v13;
	v28 =	vld [tilespmem:s1+$0xC010]  }
0xf7: {  	v43 =	vshrl.u32 v43, $0x1F;
	v6 =	vadd.s32 v6, v8;
	v13 =	vadd.s32 v44, v13;
	v8 =	vld [tilespmem:s1+$0x4080]  }
0xf8: {  	v56 =	vsub.s32 v47, v33;
	v13 =	vadd.s32 v43, v13;
	v24 =	vld [tilespmem:s1+$0xC080];
	v18 =	vadd.s32 v3, v30  }
0xf9: {  	v47 =	vshrl.u32 v56, $0x1F;
	v13 =	vadd.s32 v39, v13;
	v3 =	vld [tilespmem:$0x1FFC0];
	v18 =	vadd.s32 v26, v18  }
0xfa: {  	v46 =	vshrl.u32 v54, $0x1F;
	v23 =	vld [tilespmem:s1+$0xC090];
	v13 =	vadd.s32 v38, v13;
	v14 =	vadd.s32 v25, v18  }
0xfb: {  	v5 =	vadd.s32 v5, v6;
	v11 =	vadd.s32 v36, v13;
	v7 =	vld [tilespmem:s1+$0x4090];
	v14 =	vadd.s32 v19, v14  }
0xfc: {  	v17 =	vld [tilespmem:s1+$0x4280];
	v11 =	vadd.s32 v35, v11;
	v29 =	vmul.u32 v0, v15;
	v14 =	vadd.s32 v48, v14  }
0xfd: {  	v12 =	vld [tilespmem:s1+$0x4200];
	v6 =	vadd.s32 v32, v11;
	v28 =	vmul.u32 v10, v28;
	v18 =	vadd.s32 v22, v14  }
0xfe: {  	v39 =	vmul.u32 v8, v24;
	v45 =	vsub.s32 v29, v0;
	v16 =	vadd.s32 v3, v18;
	v3 =	vld [tilespmem:$0x1FFA0]  }
0xff: {  	v4 =	vld [tilespmem:s1+$0x4110];
	v49 =	vsub.s32 v28, v10;
	v34 =	vmul.u32 v1, v21;
	v16 =	vadd.s32 v9, v16  }
0x100: {  	v21 =	vand.u32 $0x7FFFFF, v39;
	v36 =	vmul.u32 v7, v23;
	v26 =	vld [tilespmem:s1+$0xC200];
	v13 =	vadd.s32 v63, v16  }
0x101: {  	v21 =	vor.u32 $0x3F800000, v21;
	v20 =	vshrl.u32 v34, $0x17;
	v25 =	vld [tilespmem:s1+$0xC280];
	v13 =	vadd.s32 v62, v13  }
0x102: {  	v43 =	vadd.f32 $-1.000000000e+00, v21;
	v24 =	vshrl.u32 v36, $0x17;
	v14 =	vld [tilespmem:s1+$0x4180];
	v11 =	vadd.s32 v61, v13  }
0x103: {  	v22 =	vld [tilespmem:s1+$0xC180];
	v3 =	vadd.s32 v3, v5;
	v5 =	vadd.s32 v31, v6;
	v6 =	vadd.s32 v59, v11  }
0x104: {  	v50 =	vsub.s32 v36, v7;
	v36 =	vand.u32 $0x7FFFFF, v36;
	v13 =	vld [tilespmem:s1+$0x4000];
	v6 =	vadd.s32 v60, v6  }
0x105: {  	v30 =	vmul.u32 v4, v55;
	v55 =	vand.u32 $0x7FFFFF, v29;
	v26 =	vmul.u32 v12, v26;
	[tilespmem:$0x1FF30] =	vst v6;
	v6 =	vld [tilespmem:s1+$0xC000]  }
0x106: {  	v58 =	vld [tilespmem:s1+$0xC190];
	v36 =	vor.u32 $0x3F800000, v36;
	v55 =	vor.u32 $0x3F800000, v55;
	v35 =	vmul.u32 v17, v25  }
0x107: {  	v19 =	vsub.s32 v39, v8;
	v48 =	vsub.s32 v30, v4;
	v9 =	vld [tilespmem:s1+$0x4100];
	v23 =	vshrl.u32 v26, $0x17  }
0x108: {  	v16 =	vld [tilespmem:s1+$0xC100];
	v52 =	vsub.s32 v26, v12;
	v26 =	vand.u32 $0x7FFFFF, v26;
	v21 =	vshrl.u32 v35, $0x17  }
0x109: {  	v51 =	vsub.s32 v35, v17;
	v35 =	vand.u32 $0x7FFFFF, v35;
	v38 =	vmul.u32 v14, v22  }
0x10a: {  	v61 =	vshrl.u32 v29, $0x17;
	v31 =	vmul.f32 $1.654045880e-01, v43;
	v57 =	vmul.u32 v13, v6  }
0x10b: {  	v3 =	vadd.s32 v33, v3;
	v5 =	vadd.s32 v47, v5;
	v33 =	vmul.u32 v2, v58  }
0x10c: {  	v44 =	vsub.s32 v38, v14;
	v27 =	vadd.s32 v27, v3;
	v15 =	vand.u32 $0x7FFFFF, v57  }
0x10d: {  	v3 =	vadd.s32 v46, v5;
	v25 =	vmul.u32 v9, v16;
	v15 =	vor.u32 $0x3F800000, v15  }
0x10e: {  	v31 =	vadd.f32 $-5.892300010e-01, v31;
	[tilespmem:$0x1FF40] =	vst v3;
	v3 =	vshrl.u32 v28, $0x17;
	v40 =	vadd.f32 $-1.000000000e+00, v15  }
0x10f: {  	v62 =	vshrl.u32 v33, $0x17;
	v46 =	vsub.s32 v33, v2;
	[tilespmem:$0x1FF50] =	vst v3;
	v3 =	vshrl.u32 v38, $0x17  }
0x110: {  	s2 =	sand.u32 $0x3, s30;
	v58 =	vand.u32 $0x7FFFFF, v25;
	v38 =	vand.u32 $0x7FFFFF, v38;
	v22 =	vmul.f32 $1.654045880e-01, v40  }
0x111: {  	s1 =	sshll.u32 s2, $0x5;
	v59 =	vmul.f32 v31, v43;
	[tilespmem:$0x1FF60] =	vst v3;
	v3 =	vshrl.u32 v25, $0x17;
	v38 =	vor.u32 $0x3F800000, v38  }
0x112: {  	s1 =	sadd.s32 $0x0, s1;
	v42 =	vor.u32 $0x3F800000, v58;
	v29 =	vadd.f32 $-1.000000000e+00, v38;
	v22 =	vadd.f32 $-5.892300010e-01, v22  }
0x113: {  	s21 =	sor.u32 $0x300, s1;
	v58 =	vand.u32 $0x7FFFFF, v33;
	v54 =	vadd.f32 $-1.000000000e+00, v42;
	v53 =	vadd.f32 $1.424599290e+00, v59  }
0x114: {  	v42 =	vsub.s32 v25, v9;
	v25 =	vld [tilespmem:s21+$0x4000];
	v37 =	vmul.f32 $1.654045880e-01, v29;
	v22 =	vmul.f32 v22, v40  }
0x115: {  	s16 =	sor.u32 $0x380, s1;
	v53 =	vmul.f32 v53, v43;
	v43 =	vld [tilespmem:s21+$0xC000];
	v32 =	vshrl.u32 v57, $0x17;
	v18 =	vsub.s32 v57, v13  }
0x116: {  	v57 =	vmul.f32 $1.654045880e-01, v54;
	v33 =	vadd.f32 $-5.892300010e-01, v37;
	v60 =	vadd.f32 $1.424599290e+00, v22  }
0x117: {  	v63 =	vshrl.u32 v30, $0x17;
	v26 =	vor.u32 $0x3F800000, v26;
	v35 =	vor.u32 $0x3F800000, v35;
	v56 =	vld [tilespmem:s16+$0xC000]  }
0x118: {  	v33 =	vmul.f32 v33, v29;
	v22 =	vld [tilespmem:s16+$0x4000];
	v40 =	vmul.f32 v60, v40;
	v60 =	vadd.f32 $-5.892300010e-01, v57  }
0x119: {  	v26 =	vadd.f32 $-1.000000000e+00, v26;
	v47 =	vsub.s32 v34, v1;
	v31 =	vshrl.u32 v39, $0x17  }
0x11a: {  	v59 =	vand.u32 $0x7FFFFF, v34;
	v33 =	vadd.f32 $1.424599290e+00, v33;
	v38 =	vmul.f32 v60, v54  }
0x11b: {  	v43 =	vmul.u32 v25, v43;
	v57 =	vand.u32 $0x7FFFFF, v30;
	v30 =	vadd.f32 v40, v41  }
0x11c: {  	v29 =	vmul.f32 v33, v29;
	v41 =	vadd.f32 $-1.000000000e+00, v35;
	v34 =	vadd.f32 $1.424599290e+00, v38  }
0x11d: {  	v40 =	vmul.u32 v22, v56;
	v38 =	vand.u32 $0x7FFFFF, v28;
	v28 =	vmul.f32 $1.654045880e-01, v26  }
0x11e: {  	v30 =	vadd.f32 v53, v30;
	v60 =	vmul.f32 $1.654045880e-01, v41;
	v34 =	vmul.f32 v34, v54  }
0x11f: {  	v56 =	vand.u32 $0x7FFFFF, v40;
	v54 =	vand.u32 $0x7FFFFF, v43;
	v28 =	vadd.f32 $-5.892300010e-01, v28  }
0x120: {  	v33 =	vadd.f32 $-5.892300010e-01, v60;
	v35 =	vor.u32 $0x3F800000, v54;
	v30 =	vadd.f32 v34, v30  }
0x121: {  	v54 =	vor.u32 $0x3F800000, v38;
	v38 =	vshrl.u32 v52, $0x1F;
	v53 =	vadd.f32 $-1.000000000e+00, v35  }
0x122: {  	v34 =	vor.u32 $0x3F800000, v56;
	v28 =	vmul.f32 v28, v26;
	v30 =	vadd.f32 v29, v30  }
0x123: {  	v35 =	vmul.f32 $1.654045880e-01, v53;
	v29 =	vshrl.u32 v47, $0x1F;
	v47 =	vadd.f32 $-1.000000000e+00, v34  }
0x124: {  	v33 =	vmul.f32 v33, v41;
	v56 =	vadd.f32 $1.424599290e+00, v28;
	v28 =	vshrl.u32 v45, $0x1F  }
0x125: {  	v34 =	vshrl.u32 v48, $0x1F;
	v60 =	vadd.f32 $-5.892300010e-01, v35;
	v37 =	vmul.f32 $1.654045880e-01, v47  }
0x126: {  	v39 =	vadd.f32 $1.424599290e+00, v33;
	v48 =	vadd.f32 $-1.000000000e+00, v54;
	v26 =	vmul.f32 v56, v26  }
0x127: {  	s1 =	sadd.s32 $0x10, s1;
	v35 =	vshrl.u32 v50, $0x1F;
	v45 =	vmul.f32 v60, v53;
	v50 =	vadd.f32 $-5.892300010e-01, v37  }
0x128: {  	s23 =	sor.u32 $0x380, s1;
	s1 =	sor.u32 $0x300, s1;
	v33 =	vshrl.u32 v46, $0x1F;
	v41 =	vmul.f32 v39, v41;
	v30 =	vadd.f32 v26, v30  }
0x129: {  	v54 =	vld [tilespmem:s1+$0xC000];
	v60 =	vmul.f32 $1.654045880e-01, v48;
	v45 =	vadd.f32 $1.424599290e+00, v45;
	v46 =	vmul.f32 v50, v47  }
0x12a: {  	v26 =	vld [tilespmem:s23+$0x4000];
	v56 =	vadd.f32 v41, v30;
	v41 =	vshrl.u32 v51, $0x1F;
	v51 =	vor.u32 $0x3F800000, v57  }
0x12b: {  	v50 =	vld [tilespmem:s23+$0xC000];
	v60 =	vadd.f32 $-5.892300010e-01, v60;
	v45 =	vmul.f32 v45, v53;
	v53 =	vadd.f32 $-1.000000000e+00, v36  }
0x12c: {  	v39 =	vor.u32 $0x3F800000, v59;
	v30 =	vld [tilespmem:s1+$0x4000];
	v51 =	vadd.f32 $-1.000000000e+00, v51;
	v46 =	vadd.f32 $1.424599290e+00, v46  }
0x12d: {  	v36 =	vshrl.u32 v49, $0x1F;
	v60 =	vmul.f32 v60, v48;
	v57 =	vmul.f32 $1.654045880e-01, v53  }
0x12e: {  	v49 =	vadd.f32 $-1.000000000e+00, v39;
	v37 =	vmul.f32 $1.654045880e-01, v51;
	v52 =	vadd.f32 v45, v56  }
0x12f: {  	v46 =	vmul.f32 v46, v47;
	v60 =	vadd.f32 $1.424599290e+00, v60;
	v47 =	vadd.f32 $-5.892300010e-01, v57  }
0x130: {  	v45 =	vmul.u32 v26, v50;
	v50 =	vor.u32 $0x3F800000, v58;
	v37 =	vadd.f32 $-5.892300010e-01, v37  }
0x131: {  	v52 =	vadd.f32 v46, v52;
	v46 =	vmul.u32 v30, v54;
	v47 =	vmul.f32 v47, v53  }
0x132: {  	v50 =	vadd.f32 $-1.000000000e+00, v50;
	v39 =	vmul.f32 v60, v48;
	v48 =	vadd.f32 $-1.000000000e+00, v55  }
0x133: {  	v57 =	vmul.f32 $1.654045880e-01, v49;
	v54 =	vmul.f32 v37, v51;
	v47 =	vadd.f32 $1.424599290e+00, v47  }
0x134: {  	v60 =	vand.u32 $0x7FFFFF, v46;
	v52 =	vadd.f32 v39, v52;
	v37 =	vmul.f32 $1.654045880e-01, v50  }
0x135: {  	v39 =	vand.u32 $0x7FFFFF, v45;
	v54 =	vadd.f32 $1.424599290e+00, v54;
	v47 =	vmul.f32 v47, v53  }
0x136: {  	v55 =	vor.u32 $0x3F800000, v60;
	v60 =	vmul.f32 $1.654045880e-01, v48;
	v56 =	vadd.f32 $-5.892300010e-01, v37  }
0x137: {  	v51 =	vmul.f32 v54, v51;
	v47 =	vadd.f32 v47, v52;
	v52 =	vadd.f32 $-1.000000000e+00, v55  }
0x138: {  	v37 =	vadd.f32 $-5.892300010e-01, v57;
	v54 =	vadd.f32 $-5.892300010e-01, v60;
	v55 =	vmul.f32 v56, v50  }
0x139: {  	v53 =	vor.u32 $0x3F800000, v39;
	v51 =	vadd.f32 v51, v47;
	v39 =	vmul.f32 $1.654045880e-01, v52  }
0x13a: {  	v60 =	vmul.f32 v37, v49;
	v47 =	vadd.f32 $-1.000000000e+00, v53;
	v55 =	vadd.f32 $1.424599290e+00, v55  }
0x13b: {  	v44 =	vshrl.u32 v44, $0x1F;
	v54 =	vmul.f32 v54, v48;
	v53 =	vadd.f32 $-5.892300010e-01, v39  }
0x13c: {  	s31 =	simm.s32 $0x0;
	s2 =	simm.s32 $0x20;
	[tilespmem:$0x1FF70] =	vst v3;
	s1 =	simm.s32 $0x100;
	v50 =	vmul.f32 v55, v50;
	v56 =	vmul.f32 $1.654045880e-01, v47;
	v55 =	vadd.f32 $1.424599290e+00, v60  }
.LBB2_5:
0x13d: {  	v3 =	vld [tilespmem:$0x1FF30];
	_ =	sdelay $0x4  }
0x13e: {  	v37 =	vshrl.u32 v18, $0x1F;
	v18 =	vadd.s32 v3, v32;
	v3 =	vld [tilespmem:$0x1FF40]  }
0x13f: {  	v42 =	vshrl.u32 v42, $0x1F;
	v39 =	vshrl.u32 v19, $0x1F  }
0x140: {  	v57 =	vshrl.u32 v40, $0x17;
	v40 =	vsub.s32 v40, v22;
	v59 =	vshrl.u32 v45, $0x17  }
0x141: {  	v45 =	vsub.s32 v45, v26;
	v54 =	vadd.f32 $1.424599290e+00, v54;
	v56 =	vadd.f32 $-5.892300010e-01, v56  }
0x142: {  	v50 =	vadd.f32 v50, v51;
	v49 =	vmul.f32 v55, v49;
	v60 =	vmul.f32 v53, v52  }
0x143: {  	s16 =	sand.u32 $0x60, s2;
	s21 =	sand.u32 $0x3C00, s1;
	v40 =	vshrl.u32 v40, $0x1F;
	v45 =	vshrl.u32 v45, $0x1F;
	v19 =	vadd.s32 v3, v37;
	v3 =	vld [tilespmem:$0x1FF70]  }
0x144: {  	s16 =	sor.u32 s16, s21;
	v55 =	vmul.f32 v56, v47;
	v49 =	vadd.f32 v49, v50;
	v48 =	vmul.f32 v54, v48  }
0x145: {  	v53 =	vld [tilespmem:s16+$0x4290];
	v60 =	vadd.f32 $1.424599290e+00, v60;
	v54 =	vshrl.u32 v43, $0x17;
	v43 =	vsub.s32 v43, v25  }
0x146: {  	v16 =	vld [tilespmem:s16+$0xC180];
	v43 =	vshrl.u32 v43, $0x1F;
	v13 =	vadd.s32 v27, v13;
	v48 =	vadd.f32 v48, v49  }
0x147: {  	v49 =	vmul.f32 v60, v52;
	v50 =	vadd.f32 $1.424599290e+00, v55;
	v52 =	vld [tilespmem:s16+$0x4190];
	v18 =	vadd.s32 v31, v18  }
0x148: {  	v55 =	vshrl.u32 v46, $0x17;
	v8 =	vadd.s32 v8, v13;
	v18 =	vadd.s32 v3, v18;
	v3 =	vld [tilespmem:$0x1FF60]  }
0x149: {  	v60 =	vld [tilespmem:s16+$0xC190];
	v46 =	vsub.s32 v46, v30;
	v8 =	vadd.s32 v9, v8;
	v48 =	vadd.f32 v49, v48  }
0x14a: {  	v47 =	vmul.f32 v50, v47;
	v8 =	vadd.s32 v14, v8;
	v14 =	vld [tilespmem:s16+$0x4180];
	v13 =	vadd.s32 v39, v19  }
0x14b: {  	v46 =	vshrl.u32 v46, $0x1F;
	v8 =	vadd.s32 v12, v8;
	v12 =	vld [tilespmem:s16+$0x4200];
	v9 =	vadd.s32 v42, v13  }
0x14c: {  	v47 =	vadd.f32 v47, v48;
	v48 =	vld [tilespmem:s16+$0x4090];
	v8 =	vadd.s32 v17, v8;
	v9 =	vadd.s32 v44, v9  }
0x14d: {  	v8 =	vadd.s32 v25, v8;
	v9 =	vadd.s32 v38, v9;
	v13 =	vadd.s32 v3, v18;
	v3 =	vld [tilespmem:$0x1FF50]  }
0x14e: {  	v37 =	vld [tilespmem:s16+$0xC090];
	v8 =	vadd.s32 v22, v8;
	v9 =	vadd.s32 v41, v9;
	v13 =	vadd.s32 v23, v13  }
0x14f: {  	v8 =	vadd.s32 v10, v8;
	v9 =	vadd.s32 v43, v9;
	v13 =	vadd.s32 v21, v13;
	v21 =	vld [tilespmem:s16+$0xC200]  }
0x150: {  	v8 =	vadd.s32 v7, v8;
	v9 =	vadd.s32 v40, v9;
	v18 =	vld [tilespmem:s16+$0x4280];
	v13 =	vadd.s32 v54, v13  }
0x151: {  	v38 =	vmul.u32 v14, v16;
	v9 =	vadd.s32 v36, v9;
	v23 =	vld [tilespmem:s16+$0xC280];
	v13 =	vadd.s32 v57, v13  }
0x152: {  	v19 =	vld [tilespmem:s16+$0x4010];
	v7 =	vmovc v48;
	v8 =	vadd.s32 v4, v8;
	v15 =	vadd.s32 v35, v9;
	v13 =	vadd.s32 v3, v13  }
0x153: {  	v27 =	vld [tilespmem:s16+$0xC010];
	v35 =	vmul.u32 v7, v37;
	v54 =	vsub.s32 v38, v14;
	v13 =	vadd.s32 v24, v13  }
0x154: {  	v49 =	vld [tilespmem:s16+$0x4110];
	v11 =	vadd.s32 v63, v13;
	v13 =	vadd.s32 v34, v15;
	v41 =	vmul.u32 v12, v21  }
0x155: {  	v50 =	vld [tilespmem:s16+$0xC110];
	v17 =	vmovc v18;
	v6 =	vadd.s32 v62, v11;
	v11 =	vadd.s32 v2, v8;
	v13 =	vadd.s32 v33, v13  }
0x156: {  	v51 =	vld [tilespmem:s16+$0x4210];
	v2 =	vmovc v52;
	v33 =	vmul.u32 v17, v23;
	v52 =	vsub.s32 v35, v7;
	v5 =	vadd.s32 v20, v6  }
0x157: {  	v58 =	vld [tilespmem:s16+$0xC210];
	v10 =	vmovc v19;
	v6 =	vadd.s32 v1, v11;
	v11 =	vadd.s32 v29, v13;
	v29 =	vmul.u32 v2, v60  }
0x158: {  	v9 =	vld [tilespmem:s16+$0x4100];
	v60 =	vmul.u32 v10, v27;
	v23 =	vshrl.u32 v41, $0x17;
	v63 =	vand.u32 $0x7FFFFF, v41  }
0x159: {  	v4 =	vmovc v49;
	v15 =	vld [tilespmem:s16+$0xC100];
	v3 =	vadd.s32 v61, v5;
	v5 =	vadd.s32 v0, v6;
	v6 =	vadd.s32 v28, v11  }
0x15a: {  	v56 =	vld [tilespmem:s16+$0xC290];
	v0 =	vmovc v53;
	v28 =	vmul.u32 v4, v50;
	v21 =	vshrl.u32 v33, $0x17;
	v53 =	vsub.s32 v33, v17  }
0x15b: {  	v22 =	vld [tilespmem:s16+$0xC080];
	v1 =	vmovc v51;
	v3 =	vadd.s32 v55, v3;
	v5 =	vadd.s32 v30, v5;
	v6 =	vadd.s32 v46, v6  }
0x15c: {  	v8 =	vld [tilespmem:s16+$0x4080];
	v30 =	vmul.u32 v1, v58;
	v39 =	vshrl.u32 v29, $0x17;
	v48 =	vsub.s32 v29, v2  }
0x15d: {  	v13 =	vld [tilespmem:s16+$0x4000];
	v51 =	vsub.s32 v60, v10;
	v55 =	vsub.s32 v41, v12;
	v58 =	vand.u32 $0x7FFFFF, v29  }
0x15e: {  	v11 =	vld [tilespmem:s16+$0xC000];
	v41 =	vshrl.u32 v53, $0x1F;
	v3 =	vadd.s32 v59, v3;
	v36 =	vmul.u32 v9, v15  }
0x15f: {  	s30 =	sadd.s32 $0x1, s30;
	v27 =	vshrl.u32 v28, $0x17;
	v50 =	vsub.s32 v28, v4;
	v57 =	vand.u32 $0x7FFFFF, v28  }
0x160: {  	s21 =	sand.u32 $0x3, s30;
	[tilespmem:$0x1FF30] =	vst v3;
	v3 =	vadd.s32 v26, v5;
	v26 =	vmul.u32 v0, v56;
	v20 =	vshrl.u32 v30, $0x17  }
0x161: {  	s16 =	sshll.u32 s21, $0x5;
	v49 =	vsub.s32 v30, v1;
	v59 =	vand.u32 $0x7FFFFF, v30;
	v34 =	vshrl.u32 v50, $0x1F  }
0x162: {  	s16 =	sadd.s32 s16, s1;
	[tilespmem:$0x1FF00] =	vst v3;
	v3 =	vadd.s32 v45, v6;
	v45 =	vmul.u32 v8, v22;
	v42 =	vsub.s32 v36, v9  }
0x163: {  	s21 =	sor.u32 $0x380, s16;
	v6 =	vand.u32 $0x7FFFFF, v36;
	v29 =	vshrl.u32 v49, $0x1F;
	v44 =	vmul.u32 v13, v11  }
0x164: {  	s23 =	sor.u32 $0x300, s16;
	v61 =	vld [tilespmem:s21+$0xC000];
	[tilespmem:$0x1FF40] =	vst v3;
	v37 =	vshrl.u32 v26, $0x17;
	v46 =	vsub.s32 v26, v0;
	v3 =	vshrl.u32 v60, $0x17  }
0x165: {  	v25 =	vld [tilespmem:s23+$0x4000];
	v56 =	vand.u32 $0x7FFFFF, v26;
	v60 =	vand.u32 $0x7FFFFF, v60;
	v11 =	vand.u32 $0x7FFFFF, v38  }
0x166: {  	s16 =	sadd.s32 $0x10, s16;
	v43 =	vld [tilespmem:s23+$0xC000];
	v6 =	vor.u32 $0x3F800000, v6;
	[tilespmem:$0x1FF50] =	vst v3;
	v3 =	vshrl.u32 v35, $0x17;
	v31 =	vshrl.u32 v45, $0x17  }
0x167: {  	s23 =	sor.u32 $0x380, s16;
	s16 =	sor.u32 $0x300, s16;
	v22 =	vld [tilespmem:s21+$0x4000];
	v24 =	vsub.s32 v45, v8;
	v5 =	vand.u32 $0x7FFFFF, v45;
	v28 =	vshrl.u32 v46, $0x1F  }
0x168: {  	v30 =	vld [tilespmem:s16+$0x4000];
	v11 =	vor.u32 $0x3F800000, v11;
	v6 =	vadd.f32 $-1.000000000e+00, v6;
	[tilespmem:$0x1FF10] =	vst v3;
	v3 =	vshrl.u32 v38, $0x17  }
0x169: {  	v15 =	vld [tilespmem:s16+$0xC000];
	v32 =	vshrl.u32 v44, $0x17;
	v16 =	vand.u32 $0x7FFFFF, v44;
	v38 =	vshrl.u32 v55, $0x1F  }
0x16a: {  	v62 =	vld [tilespmem:s23+$0xC000];
	v5 =	vor.u32 $0x3F800000, v5;
	v11 =	vadd.f32 $-1.000000000e+00, v11;
	[tilespmem:$0x1FF60] =	vst v3;
	v3 =	vshrl.u32 v36, $0x17  }
0x16b: {  	v26 =	vld [tilespmem:s23+$0x4000];
	v43 =	vmul.u32 v25, v43;
	v36 =	vshrl.u32 v51, $0x1F;
	v16 =	vor.u32 $0x3F800000, v16  }
0x16c: {  	v5 =	vadd.f32 $-1.000000000e+00, v5;
	[tilespmem:$0x1FF70] =	vst v3;
	v3 =	vsub.s32 v44, v13;
	v40 =	vmul.u32 v22, v61  }
0x16d: {  	v61 =	vand.u32 $0x7FFFFF, v35;
	v35 =	vshrl.u32 v52, $0x1F;
	v44 =	vshrl.u32 v54, $0x1F  }
0x16e: {  	v46 =	vmul.u32 v30, v15;
	v15 =	vor.u32 $0x3F800000, v60;
	v60 =	vor.u32 $0x3F800000, v63  }
0x16f: {  	v16 =	vadd.f32 $-1.000000000e+00, v16;
	[tilespmem:$0x1FF20] =	vst v3;
	v3 =	vand.u32 $0x7FFFFF, v33;
	v33 =	vshrl.u32 v48, $0x1F  }
0x170: {  	v48 =	vor.u32 $0x3F800000, v56;
	v45 =	vmul.u32 v26, v62;
	v62 =	vor.u32 $0x3F800000, v58  }
0x171: {  	v56 =	vor.u32 $0x3F800000, v59;
	v58 =	vor.u32 $0x3F800000, v61;
	v15 =	vadd.f32 $-1.000000000e+00, v15  }
0x172: {  	v59 =	vor.u32 $0x3F800000, v57;
	v53 =	vadd.f32 $-1.000000000e+00, v60;
	v49 =	vadd.f32 $-1.000000000e+00, v56  }
0x173: {  	v3 =	vor.u32 $0x3F800000, v3;
	v48 =	vadd.f32 $-1.000000000e+00, v48;
	v51 =	vadd.f32 $-1.000000000e+00, v59  }
0x174: {  	v50 =	vadd.f32 $-1.000000000e+00, v62;
	v54 =	vadd.f32 $-1.000000000e+00, v58;
	v61 =	vand.u32 $0x7FFFFF, v40  }
0x175: {  	v62 =	vand.u32 $0x7FFFFF, v43;
	v63 =	vmul.f32 $1.654045880e-01, v16;
	v57 =	vand.u32 $0x7FFFFF, v46  }
0x176: {  	v59 =	vmul.f32 $1.654045880e-01, v5;
	v3 =	vadd.f32 $-1.000000000e+00, v3;
	v52 =	vor.u32 $0x3F800000, v61  }
0x177: {  	v58 =	vand.u32 $0x7FFFFF, v45;
	v55 =	vor.u32 $0x3F800000, v62;
	v56 =	vadd.f32 $-5.892300010e-01, v63  }
0x178: {  	v57 =	vor.u32 $0x3F800000, v57;
	v61 =	vmul.f32 $1.654045880e-01, v6;
	v62 =	vmul.f32 $1.654045880e-01, v11  }
0x179: {  	v18 =	vmul.f32 $1.654045880e-01, v53;
	v59 =	vadd.f32 $-5.892300010e-01, v59;
	v56 =	vmul.f32 v56, v16  }
0x17a: {  	v60 =	vmul.f32 $1.654045880e-01, v48;
	v58 =	vor.u32 $0x3F800000, v58;
	v52 =	vadd.f32 $-1.000000000e+00, v52  }
0x17b: {  	v61 =	vadd.f32 $-5.892300010e-01, v61;
	v59 =	vmul.f32 v59, v5;
	v56 =	vadd.f32 $1.424599290e+00, v56  }
0x17c: {  	v63 =	vmul.f32 $1.654045880e-01, v49;
	v55 =	vadd.f32 $-1.000000000e+00, v55;
	v62 =	vadd.f32 $-5.892300010e-01, v62  }
0x17d: {  	v16 =	vmul.f32 v56, v16;
	v56 =	vadd.f32 $1.424599290e+00, v59;
	v59 =	vmul.f32 v61, v6  }
0x17e: {  	v19 =	vmul.f32 $1.654045880e-01, v3;
	v18 =	vadd.f32 $-5.892300010e-01, v18;
	v61 =	vmul.f32 v62, v11  }
0x17f: {  	v16 =	vadd.f32 v16, v47;
	v5 =	vmul.f32 v56, v5;
	v47 =	vadd.f32 $1.424599290e+00, v59  }
0x180: {  	v18 =	vmul.f32 v18, v53;
	v19 =	vadd.f32 $-5.892300010e-01, v19;
	v62 =	vmovc v39;
	v39 =	vmul.f32 $1.654045880e-01, v55  }
0x181: {  	v5 =	vadd.f32 v5, v16;
	v6 =	vmul.f32 v47, v6;
	v16 =	vadd.f32 $1.424599290e+00, v61  }
0x182: {  	v19 =	vmul.f32 v19, v3;
	v61 =	vmovc v37;
	v37 =	vadd.f32 $-5.892300010e-01, v39;
	v39 =	vmul.f32 $1.654045880e-01, v52  }
0x183: {  	v5 =	vadd.f32 v6, v5;
	v6 =	vmul.f32 v16, v11;
	v11 =	vadd.f32 $1.424599290e+00, v18  }
0x184: {  	v16 =	vadd.f32 $1.424599290e+00, v19;
	v18 =	vadd.f32 $-5.892300010e-01, v39;
	v19 =	vmul.f32 $1.654045880e-01, v15  }
0x185: {  	v5 =	vadd.f32 v6, v5;
	v6 =	vmul.f32 v11, v53;
	v11 =	vmul.f32 v37, v55  }
0x186: {  	v56 =	vmul.f32 $1.654045880e-01, v54;
	v18 =	vmul.f32 v18, v52;
	v19 =	vadd.f32 $-5.892300010e-01, v19  }
0x187: {  	v3 =	vmul.f32 v16, v3;
	v5 =	vadd.f32 v6, v5;
	v6 =	vadd.f32 $1.424599290e+00, v11  }
0x188: {  	v16 =	vadd.f32 $-5.892300010e-01, v56;
	v11 =	vmul.f32 v19, v15;
	v19 =	vmul.f32 $1.654045880e-01, v51  }
0x189: {  	v3 =	vadd.f32 v3, v5;
	v5 =	vmul.f32 v6, v55;
	v6 =	vadd.f32 $1.424599290e+00, v18  }
0x18a: {  	v59 =	vmul.f32 $1.654045880e-01, v50;
	v16 =	vmul.f32 v16, v54;
	v18 =	vadd.f32 $-5.892300010e-01, v19  }
0x18b: {  	v3 =	vadd.f32 v5, v3;
	v5 =	vmul.f32 v6, v52;
	v6 =	vadd.f32 $1.424599290e+00, v11  }
0x18c: {  	v47 =	vadd.f32 $-1.000000000e+00, v58;
	v11 =	vmul.f32 v18, v51;
	v18 =	vadd.f32 $-5.892300010e-01, v59  }
0x18d: {  	s31 =	sadd.s32 $0x2, s31;
	v3 =	vadd.f32 v5, v3;
	v5 =	vmul.f32 v6, v15;
	v6 =	vadd.f32 $1.424599290e+00, v16  }
0x18e: {  	p1 =	slt.u32 s31, $0x7E;
	v52 =	vadd.f32 $-1.000000000e+00, v57;
	v15 =	vmul.f32 v18, v50;
	v16 =	vadd.f32 $-5.892300010e-01, v63  }
.Ltmp3:
0x18f: {  	v3 =	vadd.f32 v5, v3;
	v5 =	vmul.f32 v6, v54;
	v6 =	vadd.f32 $1.424599290e+00, v11;
	(pc) =	sbr.rel @p1 .LBB2_5-.Ltmp3, $4  }
0x190: {  	v18 =	vmul.f32 $1.654045880e-01, v52;
	v11 =	vmul.f32 v16, v49;
	v16 =	vadd.f32 $-5.892300010e-01, v60  }
0x191: {  	v19 =	vmovc v24;
	v24 =	vld [tilespmem:$0x1FF10];
	v3 =	vadd.f32 v5, v3;
	v5 =	vmul.f32 v6, v51;
	v6 =	vadd.f32 $1.424599290e+00, v15  }
0x192: {  	v56 =	vmul.f32 $1.654045880e-01, v47;
	v63 =	vmovc v27;
	v27 =	vld [tilespmem:$0x1FF00];
	v53 =	vadd.f32 $-5.892300010e-01, v18;
	v54 =	vmul.f32 v16, v48  }
0x193: {  	s2 =	sadd.s32 $0x20, s2;
	s1 =	sadd.s32 $0x100, s1;
	v18 =	vld [tilespmem:$0x1FF20];
	v55 =	vadd.f32 $1.424599290e+00, v11;
	v51 =	vadd.f32 v5, v3;
	v50 =	vmul.f32 v6, v50  }
0x194: {  	v5 =	vadd.f32 $1.424599290e+00, v54;
	v6 =	vadd.f32 $-5.892300010e-01, v56  }
0x195: {  	v16 =	vmul.f32 v53, v52;
	v11 =	vadd.f32 v50, v51;
	v15 =	vmul.f32 v55, v49  }
0x196: {  	v6 =	vmul.f32 v6, v47  }
0x197: {  	v5 =	vmul.f32 v5, v48;
	v59 =	vadd.f32 $1.424599290e+00, v16;
	v11 =	vadd.f32 v15, v11;
	_ =	sdelay $0x1  }
0x198: {  	v60 =	vmul.f32 v59, v52;
	v6 =	vadd.f32 $1.424599290e+00, v6;
	v5 =	vadd.f32 v5, v11;
	_ =	sdelay $0x1  }
0x199: {  	v6 =	vmul.f32 v6, v47;
	v5 =	vadd.f32 v60, v5  }
0x19a: {  	v39 =	vsub.s32 v40, v22;
	v56 =	vld [tilespmem:$0x1FF40]  }
0x19b: {  	v3 =	vshrl.u32 v42, $0x1F;
	v52 =	vshrl.u32 v39, $0x1F;
	v39 =	vadd.f32 v6, v5;
	v5 =	vld [tilespmem:$0x1FF30]  }
0x19c: {  	v19 =	vshrl.u32 v19, $0x1F;
	v37 =	vshrl.u32 v40, $0x17;
	v53 =	vsub.s32 v46, v30  }
0x19d: {  	v58 =	vld [tilespmem:$0x1FF70];
	v49 =	vshrl.u32 v46, $0x17;
	v50 =	vshrl.u32 v45, $0x17;
	v51 =	vsub.s32 v45, v26  }
0x19e: {  	v54 =	vshrl.u32 v53, $0x1F;
	v16 =	vshrl.u32 v43, $0x17;
	v48 =	vsub.s32 v43, v25;
	v59 =	vld [tilespmem:$0x1FF60]  }
0x19f: {  	v15 =	vshrl.u32 v48, $0x1F;
	v55 =	vadd.s32 v27, v13;
	v18 =	vshrl.u32 v18, $0x1F  }
0x1a0: {  	v11 =	vshrl.u32 v51, $0x1F;
	v13 =	vadd.s32 v56, v18;
	v5 =	vadd.s32 v5, v32  }
0x1a1: {  	v57 =	vadd.s32 v19, v13;
	v6 =	vadd.s32 v8, v55;
	v5 =	vadd.s32 v31, v5  }
0x1a2: {  	v3 =	vadd.s32 v3, v57;
	v6 =	vadd.s32 v9, v6;
	v5 =	vadd.s32 v58, v5  }
0x1a3: {  	v60 =	vld [tilespmem:$0x1FF50];
	v3 =	vadd.s32 v44, v3;
	v6 =	vadd.s32 v14, v6;
	v5 =	vadd.s32 v59, v5  }
0x1a4: {  	v3 =	vadd.s32 v38, v3;
	v6 =	vadd.s32 v12, v6;
	v5 =	vadd.s32 v23, v5  }
0x1a5: {  	v3 =	vadd.s32 v41, v3;
	v6 =	vadd.s32 v17, v6;
	v5 =	vadd.s32 v21, v5  }
0x1a6: {  	v3 =	vadd.s32 v15, v3;
	v6 =	vadd.s32 v25, v6;
	v5 =	vadd.s32 v16, v5  }
0x1a7: {  	v3 =	vadd.s32 v52, v3;
	v6 =	vadd.s32 v22, v6;
	v5 =	vadd.s32 v37, v5  }
0x1a8: {  	v3 =	vadd.s32 v36, v3;
	v6 =	vadd.s32 v10, v6;
	v5 =	vadd.s32 v60, v5  }
0x1a9: {  	v3 =	vadd.s32 v35, v3;
	v6 =	vadd.s32 v7, v6;
	v5 =	vadd.s32 v24, v5  }
0x1aa: {  	v3 =	vadd.s32 v34, v3;
	v4 =	vadd.s32 v4, v6;
	v5 =	vadd.s32 v63, v5  }
.Ltmp4:
0x1ab: {  	v3 =	vadd.s32 v33, v3;
	v2 =	vadd.s32 v2, v4;
	v5 =	vadd.s32 v62, v5;
	(pc) =	sbr.rel @p0 .LBB2_8-.Ltmp4, $4  }
0x1ac: {  	v1 =	vadd.s32 v1, v2;
	v2 =	vadd.s32 v29, v3;
	v4 =	vadd.s32 v20, v5  }
0x1ad: {  	v0 =	vadd.s32 v0, v1;
	v1 =	vadd.s32 v28, v2;
	v3 =	vadd.s32 v61, v4  }
0x1ae: {  	v0 =	vadd.s32 v30, v0;
	v1 =	vadd.s32 v54, v1;
	v2 =	vadd.s32 v49, v3  }
0x1af: {  	v30 =	vadd.s32 v26, v0;
	v28 =	vadd.s32 v11, v1;
	v3 =	vadd.s32 v50, v2  }
0x1b0: {  	s1 =	sadd.s32 s29, s10  }
.Ltmp5:
0x1b1: {  	s1 =	sshll.u32 s1, $0xB;
	(pc) =	sbr.rel .LBB2_2-.Ltmp5, $4  }
0x1b2: {  	s2 =	sadd.s32 s0, s1  }
0x1b3: {  	[tilespmem:s17], [sflag:$0x2] =	stream.linear.gather [hbm4b:s2+s4], $0x4000, $0x38;
	[tilespmem:$0x10200] =	vst v63  }
0x1b4: {  	s28 =	sadd.s32 $0x1, s28;
	s1 =	sadd.s32 s3, s1  }
0x1b5: {  	[tilespmem:s18], [sflag:$0x2] =	stream.linear.gather [hbm4b:s1+s4], $0x4000, $0x38;
	[tilespmem:$0x10200] =	vst v63  }
.LBB2_9:
0x1b6: {  	_ =	sfence.sel $0x180000  }
0x1b7: {  	[bflag:$0x0] =	sbarrier.arrive $0xFFFF  }
0x1b8: {  	_ =	strace $0x90000047  }
0x1b9: {  	s0 =	stileid.u32;
	[bflag:$0x2] =	sbarrier.arrive $0xFFFF  }
0x1ba: {  	p0 =	sne.s32 s0, $0x0;
	s0 =	rddreg [dreg:$0x3]  }
0x1bb: {  	s0 =	sadd.s32 @!p0 $0x100000, s0  }
0x1bc: {  	[sflag:s0] =	ssyncadd.tile.s32 @!p0 $0x1;
	_ =	shalt  }
.Lfunc_end2:
_tile_overlayer_lowered:
.L_overlay_start_2:
0x1bd: {  	(tag) =	ssettag $0x2  }
0x1be: {  	s0 =	rddreg [dreg:$0x0];
	s2 =	stileid.u32  }
0x1bf: {  	s1 =	rddreg [dreg:$0x1];
	p0 =	sne.s32 s2, $0x0  }
0x1c0: {  	s3 =	rddreg [dreg:$0x2];
	[bflag:$0x3] =	sbarrier.arrive $0xFFFF;
	s2 =	simm.s32 @!p0 $0x1C03  }
0x1c1: {  	[timem:s3], [sflag:s2] =	dma.local @!p0 [hbm:s0], s1  }
0x1c2: {  	s0 =	simm.s32 @!p0 $0x3  }
0x1c3: {  	_ =	swait.ge @!p0 [sflag:s0], s1  }
0x1c4: {  	s1 =	ssub.s32 @!p0 $0x0, s1;
	[sflag:s0] =	ssyncset.done @!p0 $0x0  }
0x1c5: {  	[sflag:s0] =	ssyncadd.s32 @!p0 s1  }
0x1c6: {  	[bflag:$0x3] =	sbarrier.arrive $0xFFFF  }
0x1c7: {  	_ =	shalt  }

</sc_bundles>
